<compile_context>
chip_gen: v7x
topology: tpu7x:2x2x1
jax: 0.10.2.dev20260603
libtpu: 0.0.44.dev20260713+nightly
codegen_flags: <defaults>
</compile_context>

<pallas_src>
import math

import jax
import jax.numpy as jnp
from jax import lax
from jax.experimental import pallas as pl
from jax.experimental.pallas import tpu as pltpu
from jax.experimental.pallas import tpu_sc as plsc

F_DIM = 1024
N_DIM = 4096
K = 64
M = 200000

NS = 16
NC = 2
BO = 1792
NB = 7
OCC_PER_TILE = BO * NB
M_PAD = OCC_PER_TILE * NS
GP = BO // 16

CH = 352
NPASS = 3
CHN = CH * N_DIM

QWLOG = 13
QW = 1 << QWLOG
SHW = CHN
ZW = 4096
WORDS_PER_TILE = SHW // NS
NZ = WORDS_PER_TILE // ZW

_FSCALE = F_DIM / (2.0 * math.pi)
_NSCALE = N_DIM / (2.0 * math.pi)


def _tc_body(alpha_ref, zf_ref, zt_ref, lr_ref, th_ref,
             kidx_ref, fc_ref, nc_ref, are_ref, aim_ref):
    a = alpha_ref[...]
    mx = jnp.max(a, axis=-1, keepdims=True)
    io = lax.broadcasted_iota(jnp.int32, a.shape, 1)
    cand = jnp.where(a == mx, io, K)
    k = jnp.min(cand, axis=-1).astype(jnp.int32)
    kidx_ref[...] = k.reshape(8, 128)
    fc_ref[...] = zf_ref[...] * _FSCALE
    nc_ref[...] = zt_ref[...] * _NSCALE
    rho = jnp.exp(lr_ref[...])
    are_ref[...] = rho * jnp.cos(th_ref[...])
    aim_ref[...] = rho * jnp.sin(th_ref[...])


def _make_sc_kernel():
    mesh = plsc.VectorSubcoreMesh(core_axis_name="c", subcore_axis_name="s")

    def body(p_hbm, df_hbm, dt_hbm, lg_hbm, kidx_hbm, fc_hbm, nc_hbm,
             are_hbm, aim_hbm, zeros_hbm, out_hbm,
             pg_v, df_v, dt_v, ptmp, ltmp,
             kidx_b, fc_b, nc_b, are_b, aim_b,
             pair_stage, idx_stage, zbuf, cbuf, shared):
        core = lax.axis_index("c")
        sub = lax.axis_index("s")
        is_re = core == 0

        iota16 = lax.iota(jnp.int32, 16)
        fz16 = jnp.zeros((16,), jnp.float32)

        pltpu.sync_copy(p_hbm, ptmp)
        pltpu.sync_copy(lg_hbm, ltmp)
        pltpu.sync_copy(df_hbm, df_v)
        pltpu.sync_copy(dt_hbm, dt_v)
        pltpu.sync_copy(zeros_hbm, zbuf)

        def _tbl(i, carry):
            off = i * 16
            pv = ptmp[pl.ds(off, 16)]
            lv = ltmp[pl.ds(off, 16)]
            sig = 1.0 / (1.0 + jnp.exp(-lv))
            pg_v[pl.ds(off, 16)] = pv * sig
            return carry

        lax.fori_loop(0, (K * 9) // 16, _tbl, 0)

        def make_group_body(base, hi):
          def group_body(g, ptr):
            off = g * 16
            kv = kidx_b[pl.ds(off, 16)]
            fcv = fc_b[pl.ds(off, 16)]
            ncv = nc_b[pl.ds(off, 16)]
            ampv = jnp.where(is_re, are_b[pl.ds(off, 16)],
                             aim_b[pl.ds(off, 16)])
            t9 = kv * 9
            ptr0 = ptr
            for cc in range(9):
                tix = t9 + cc
                pgv = plsc.load_gather(pg_v, [tix])
                dfv = plsc.load_gather(df_v, [tix])
                dtv = plsc.load_gather(dt_v, [tix])
                val = ampv * pgv
                fh = fcv + dfv
                nh = ncv + dtv
                ti = fh.astype(jnp.int32)
                tf = ti.astype(jnp.float32)
                negf = tf > fh
                f0i = ti - jnp.where(negf, 1, 0)
                f0f = tf - jnp.where(negf, 1.0, 0.0)
                wf = fh - f0f
                tin = nh.astype(jnp.int32)
                tnf = tin.astype(jnp.float32)
                negn = tnf > nh
                n0i = tin - jnp.where(negn, 1, 0)
                n0f = tnf - jnp.where(negn, 1.0, 0.0)
                wn = nh - n0f
                fi0 = jnp.clip(f0i, 0, F_DIM - 1)
                fi1 = jnp.clip(f0i + 1, 0, F_DIM - 1)
                ni0 = jnp.clip(n0i, 0, N_DIM - 1)
                ni1 = jnp.clip(n0i + 1, 0, N_DIM - 1)
                in0 = (fi0 >= base) & (fi0 < hi)
                in1 = (fi1 >= base) & (fi1 < hi)
                mcell = in0 | in1
                in0f = jnp.where(in0, 1.0, 0.0)
                in1f = jnp.where(in1, 1.0, 0.0)
                u = 1.0 - wf
                v = 1.0 - wn
                w00 = u * v * in0f
                w01 = u * wn * in0f
                w10 = wf * v * in1f
                w11 = wf * wn * in1f
                r0 = jnp.clip(fi0 - base, 0, CH - 1)
                r1 = jnp.clip(fi1 - base, 0, CH - 1)
                rb0 = r0 << 12
                rb1 = r1 << 12
                idx00 = rb0 + ni0
                idx01 = rb0 + ni1
                idx10 = rb1 + ni0
                idx11 = rb1 + ni1
                mi = jnp.where(mcell, 1, 0)
                incl = plsc.cumsum(mi)
                base4 = ptr + (incl - 1) * 4
                for corner, (wv, idxv) in enumerate(
                        ((w00, idx00), (w01, idx01), (w10, idx10), (w11, idx11))):
                    sw = (base4 + corner) & (QW - 1)
                    plsc.store_scatter(pair_stage, [sw], val * wv,
                                       mask=mcell)
                    plsc.store_scatter(idx_stage, [sw], idxv, mask=mcell)
                ptr = ptr + 4 * jnp.sum(mi)

            rem = ptr & (QW - 1)
            full = (ptr != ptr0) & (rem == 0)
            need = (rem >= QW - 576) | full

            @pl.when(need)
            def _():
                qend = ((ptr - 1) | (QW - 1)) + 1

                def fill(i, carry):
                    sv = ptr + i * 16 + iota16
                    msk = sv < qend
                    ev = sv & (QW - 1)
                    plsc.store_scatter(pair_stage, [ev], fz16, mask=msk)
                    plsc.store_scatter(idx_stage, [ev], ev & 1023, mask=msk)
                    return carry

                nfill = qend - ptr
                lax.fori_loop(0, (nfill + 15) >> 4, fill, 0)
                pltpu.sync_copy(pair_stage, shared.at[idx_stage], add=True)

            return jnp.where(need, ((ptr - 1) | (QW - 1)) + 1, ptr)
          return group_body

        def pass_body(p, carry):
            base = p * CH
            rows_p = jnp.minimum(CH, F_DIM - base)
            chn_p = rows_p * N_DIM
            wpt_p = chn_p >> 4
            nz_p = wpt_p >> 12
            group_body = make_group_body(base, base + CH)

            def zb(j, carry):
                ws = sub * WORDS_PER_TILE + j * ZW
                pltpu.sync_copy(zbuf, shared.at[pl.ds(ws, ZW)])
                return carry

            lax.fori_loop(0, NZ, zb, 0)
            plsc.subcore_barrier()

            def block_body(blk, ptr):
                start = sub * OCC_PER_TILE + blk * BO
                pltpu.sync_copy(kidx_hbm.at[pl.ds(start, BO)], kidx_b)
                pltpu.sync_copy(fc_hbm.at[pl.ds(start, BO)], fc_b)
                pltpu.sync_copy(nc_hbm.at[pl.ds(start, BO)], nc_b)
                pltpu.sync_copy(are_hbm.at[pl.ds(start, BO)], are_b)
                pltpu.sync_copy(aim_hbm.at[pl.ds(start, BO)], aim_b)
                return lax.fori_loop(0, GP, group_body, ptr)

            ptr = lax.fori_loop(0, NB, block_body, jnp.int32(0))

            @pl.when((ptr & (QW - 1)) != 0)
            def _():
                qend = (ptr | (QW - 1)) + 1

                def fill(i, carry):
                    sv = ptr + i * 16 + iota16
                    msk = sv < qend
                    ev = sv & (QW - 1)
                    plsc.store_scatter(pair_stage, [ev], fz16, mask=msk)
                    plsc.store_scatter(idx_stage, [ev], ev & 1023, mask=msk)
                    return carry

                nfill = QW - (ptr & (QW - 1))
                lax.fori_loop(0, (nfill + 15) >> 4, fill, 0)
                pltpu.sync_copy(pair_stage, shared.at[idx_stage], add=True)

            plsc.subcore_barrier()

            def cp(j, carry):
                ws = pl.multiple_of(sub * wpt_p + j * ZW, 8)
                out_ws = pl.multiple_of(
                    core * (F_DIM * N_DIM) + base * N_DIM + ws, 8)
                pltpu.sync_copy(shared.at[pl.ds(ws, ZW)], cbuf)
                pltpu.sync_copy(cbuf, out_hbm.at[pl.ds(out_ws, ZW)])
                return carry

            lax.fori_loop(0, nz_p, cp, 0)
            return carry

        lax.fori_loop(0, NPASS, pass_body, 0)

    return pl.kernel(
        body,
        out_type=jax.ShapeDtypeStruct((2 * F_DIM * N_DIM,), jnp.float32),
        mesh=mesh,
        compiler_params=pltpu.CompilerParams(needs_layout_passes=False),
        scratch_types=[
            pltpu.VMEM((K * 9,), jnp.float32),
            pltpu.VMEM((K * 9,), jnp.float32),
            pltpu.VMEM((K * 9,), jnp.float32),
            pltpu.VMEM((K * 9,), jnp.float32),
            pltpu.VMEM((K * 9,), jnp.float32),
            pltpu.VMEM((BO,), jnp.int32),
            pltpu.VMEM((BO,), jnp.float32),
            pltpu.VMEM((BO,), jnp.float32),
            pltpu.VMEM((BO,), jnp.float32),
            pltpu.VMEM((BO,), jnp.float32),
            pltpu.VMEM((QW,), jnp.float32),
            pltpu.VMEM((QW,), jnp.int32),
            pltpu.VMEM((ZW,), jnp.float32),
            pltpu.VMEM((ZW,), jnp.float32),
            pltpu.VMEM_SHARED((SHW,), jnp.float32),
        ],
    )


def kernel(P, dF, dT, logit_gate, zeta_f, zeta_t, log_rho, theta, alpha, tau):
    padn = M_PAD - M
    alpha_p = jnp.pad(alpha, ((0, padn), (0, 0)))
    rows = M_PAD // 128
    zf = jnp.pad(zeta_f, (0, padn)).reshape(rows, 128)
    zt = jnp.pad(zeta_t, (0, padn)).reshape(rows, 128)
    lr = jnp.pad(log_rho, (0, padn), constant_values=-100.0).reshape(rows, 128)
    th = jnp.pad(theta, (0, padn)).reshape(rows, 128)

    grid = rows // 8
    occ_specs = pl.BlockSpec((8, 128), lambda i: (i, 0))
    kidx2, fc2, nc2, are2, aim2 = pl.pallas_call(
        _tc_body,
        grid=(grid,),
        in_specs=[pl.BlockSpec((1024, K), lambda i: (i, 0)),
                  occ_specs, occ_specs, occ_specs, occ_specs],
        out_specs=[occ_specs] * 5,
        out_shape=[jax.ShapeDtypeStruct((rows, 128), jnp.int32)]
        + [jax.ShapeDtypeStruct((rows, 128), jnp.float32)] * 4,
    )(alpha_p, zf, zt, lr, th)

    sc = _make_sc_kernel()
    out = sc(
        P.reshape(K * 9), dF.reshape(K * 9), dT.reshape(K * 9),
        logit_gate.reshape(K * 9),
        kidx2.reshape(M_PAD), fc2.reshape(M_PAD), nc2.reshape(M_PAD),
        are2.reshape(M_PAD), aim2.reshape(M_PAD),
        jnp.zeros((ZW,), jnp.float32),
    )
    o = out.reshape(2, F_DIM, N_DIM)
    return lax.complex(o[0], o[1])

# --- scband reference (transcript-rebuilt; emitter-appended) ---
"""Pipeline reference for scband-codec-model-3367254360430 (READ-ONLY COPY).

The authoritative reference and input builder live on the scoring server;
editing this copy changes nothing except your own understanding.
"""

import math
import jax
import jax.numpy as jnp
import numpy as np

F_DIM = 1024
N_DIM = 4096
K = 64
M = 200000


def bilinear_deposit(A, f, n, val):
    # A: [2, F, N] (real/imag planes); f, n: [M] fractional coords; val: [2, M]
    f0 = jnp.floor(f)
    n0 = jnp.floor(n)
    wf = f - f0
    wn = n - n0
    f0i = f0.astype(jnp.int32)
    n0i = n0.astype(jnp.int32)
    corners = ((0, 0, (1.0 - wf) * (1.0 - wn)),
               (0, 1, (1.0 - wf) * wn),
               (1, 0, wf * (1.0 - wn)),
               (1, 1, wf * wn))
    for df_, dn_, w in corners:
        fi = jnp.clip(f0i + df_, 0, F_DIM - 1)
        ni = jnp.clip(n0i + dn_, 0, N_DIM - 1)
        A = A.at[:, fi, ni].add(val * w)
    return A


def setup_inputs(seed: int = 0):
    key = jax.random.key(seed)
    ks = jax.random.split(key, 9)
    two_pi = 2.0 * math.pi
    return {
        "P": jax.random.normal(ks[0], (K, 9), dtype=jnp.float32),
        "dF": jax.random.normal(ks[1], (K, 9), dtype=jnp.float32),
        "dT": jax.random.normal(ks[2], (K, 9), dtype=jnp.float32),
        "logit_gate": jax.random.normal(ks[3], (K, 9), dtype=jnp.float32),
        "zeta_f": jax.random.uniform(ks[4], (M,), minval=0.0, maxval=two_pi, dtype=jnp.float32),
        "zeta_t": jax.random.uniform(ks[5], (M,), minval=0.0, maxval=two_pi, dtype=jnp.float32),
        "log_rho": jax.random.normal(ks[6], (M,), dtype=jnp.float32) * 0.1 - 1.0,
        "theta": jax.random.uniform(ks[7], (M,), minval=0.0, maxval=two_pi, dtype=jnp.float32),
        "alpha": jax.random.normal(ks[8], (M, K), dtype=jnp.float32),
        "tau": 1,
    }


def reference(P, dF, dT, logit_gate, zeta_f, zeta_t, log_rho, theta, alpha, tau):
    # PatternBank forward: patterns, per-cell freq/time offsets, soft gates
    g_soft = jax.nn.sigmoid(logit_gate)
    # OccurrenceParameters.select_patterns(tau): temperature softmax over pattern logits
    sel = jax.nn.softmax(alpha / tau, axis=-1)
    k_idx = jnp.argmax(sel, axis=-1)  # [M]
    P_sel = jnp.take(P, k_idx, axis=0)   # [M, 9] gather
    dF_sel = jnp.take(dF, k_idx, axis=0)
    dT_sel = jnp.take(dT, k_idx, axis=0)
    g_sel = jnp.take(g_soft, k_idx, axis=0)
    f_c = F_DIM / (2.0 * math.pi) * zeta_f
    n_c = N_DIM / (2.0 * math.pi) * zeta_t
    # amp = exp(log_rho) * exp(1j * theta), kept as (re, im) planes
    rho = jnp.exp(log_rho)
    amp_re = rho * jnp.cos(theta)
    amp_im = rho * jnp.sin(theta)
    A = jnp.zeros((2, F_DIM, N_DIM), dtype=jnp.float32)
    for c in range(9):
        w_c = g_sel[:, c]
        f_hat = f_c + dF_sel[:, c]
        n_hat = n_c + dT_sel[:, c]
        base = P_sel[:, c] * w_c
        val = jnp.stack([amp_re * base, amp_im * base])  # [2, M]
        A = bilinear_deposit(A, f_hat, n_hat, val)
    return A[0] + 1j * A[1]

if __name__ == "__main__":
    import jax
    _d = setup_inputs()
    print(jax.jit(kernel)(*tuple(_d.values())))

</pallas_src>

<mosaic_0001>
#map = affine_map<(d0, d1) -> (0)>
module attributes {stable_mosaic.version = 14 : i64} {
  func.func @body(%arg0: i32, %arg1: i32, %arg2: memref<576xf32, #tpu.memory_space<hbm>>, %arg3: memref<576xf32, #tpu.memory_space<hbm>>, %arg4: memref<576xf32, #tpu.memory_space<hbm>>, %arg5: memref<576xf32, #tpu.memory_space<hbm>>, %arg6: memref<200704xi32, #tpu.memory_space<hbm>>, %arg7: memref<200704xf32, #tpu.memory_space<hbm>>, %arg8: memref<200704xf32, #tpu.memory_space<hbm>>, %arg9: memref<200704xf32, #tpu.memory_space<hbm>>, %arg10: memref<200704xf32, #tpu.memory_space<hbm>>, %arg11: memref<4096xf32, #tpu.memory_space<hbm>>, %arg12: memref<8388608xf32, #tpu.memory_space<hbm>>, %arg13: memref<576xf32, #tpu.memory_space<vmem>>, %arg14: memref<576xf32, #tpu.memory_space<vmem>>, %arg15: memref<576xf32, #tpu.memory_space<vmem>>, %arg16: memref<576xf32, #tpu.memory_space<vmem>>, %arg17: memref<576xf32, #tpu.memory_space<vmem>>, %arg18: memref<1792xi32, #tpu.memory_space<vmem>>, %arg19: memref<1792xf32, #tpu.memory_space<vmem>>, %arg20: memref<1792xf32, #tpu.memory_space<vmem>>, %arg21: memref<1792xf32, #tpu.memory_space<vmem>>, %arg22: memref<1792xf32, #tpu.memory_space<vmem>>, %arg23: memref<8192xf32, #tpu.memory_space<vmem>>, %arg24: memref<8192xi32, #tpu.memory_space<vmem>>, %arg25: memref<4096xf32, #tpu.memory_space<vmem>>, %arg26: memref<4096xf32, #tpu.memory_space<vmem>>, %arg27: memref<1441792xf32, #tpu.memory_space<vmem_shared>>) attributes {dimension_semantics = [#tpu.dimension_semantics<core_parallel>, #tpu.dimension_semantics<subcore_parallel>], iteration_bounds = array<i64: 2, 16>, scalar_prefetch = 0 : i64, scratch_operands = 15 : i64, tpu.core_type = #tpu.core_type<sc_vector_subcore>, window_params = [{transform_indices = #map}, {transform_indices = #map}, {transform_indices = #map}, {transform_indices = #map}, {transform_indices = #map}, {transform_indices = #map}, {transform_indices = #map}, {transform_indices = #map}, {transform_indices = #map}, {transform_indices = #map}, {transform_indices = #map}]} {
    %eq3A = arith.constant 0 : i32
    %eq3A_0 = arith.cmpi eq, %arg0, %eq3A : i32
    %iota3A = tpu.iota {dimensions = array<i32: 0>} : vector<16xi32>
    %broadcast_in_dim3A = arith.constant 0.000000e+00 : f32
    %broadcast_in_dim3A_1 = vector.broadcast %broadcast_in_dim3A : f32 to vector<16xf32>
    "tpu.region"() ({
      %run_scoped3A = tpu.sem_alloc : memref<!tpu.dma_semaphore, #tpu.memory_space<semaphore_mem>>
      tpu.enqueue_dma source(%arg2 : memref<576xf32, #tpu.memory_space<hbm>>) target(%arg16 : memref<576xf32, #tpu.memory_space<vmem>>) target_semaphore(%run_scoped3A : memref<!tpu.dma_semaphore, #tpu.memory_space<semaphore_mem>>)
      tpu.wait_dma2 semaphore(%run_scoped3A : memref<!tpu.dma_semaphore, #tpu.memory_space<semaphore_mem>>) src(%arg2 : memref<576xf32, #tpu.memory_space<hbm>>) dst(%arg16 : memref<576xf32, #tpu.memory_space<vmem>>)
      tpu.yield
    }) : () -> ()
    "tpu.region"() ({
      %run_scoped3A = tpu.sem_alloc : memref<!tpu.dma_semaphore, #tpu.memory_space<semaphore_mem>>
      tpu.enqueue_dma source(%arg5 : memref<576xf32, #tpu.memory_space<hbm>>) target(%arg17 : memref<576xf32, #tpu.memory_space<vmem>>) target_semaphore(%run_scoped3A : memref<!tpu.dma_semaphore, #tpu.memory_space<semaphore_mem>>)
      tpu.wait_dma2 semaphore(%run_scoped3A : memref<!tpu.dma_semaphore, #tpu.memory_space<semaphore_mem>>) src(%arg5 : memref<576xf32, #tpu.memory_space<hbm>>) dst(%arg17 : memref<576xf32, #tpu.memory_space<vmem>>)
      tpu.yield
    }) : () -> ()
    "tpu.region"() ({
      %run_scoped3A = tpu.sem_alloc : memref<!tpu.dma_semaphore, #tpu.memory_space<semaphore_mem>>
      tpu.enqueue_dma source(%arg3 : memref<576xf32, #tpu.memory_space<hbm>>) target(%arg14 : memref<576xf32, #tpu.memory_space<vmem>>) target_semaphore(%run_scoped3A : memref<!tpu.dma_semaphore, #tpu.memory_space<semaphore_mem>>)
      tpu.wait_dma2 semaphore(%run_scoped3A : memref<!tpu.dma_semaphore, #tpu.memory_space<semaphore_mem>>) src(%arg3 : memref<576xf32, #tpu.memory_space<hbm>>) dst(%arg14 : memref<576xf32, #tpu.memory_space<vmem>>)
      tpu.yield
    }) : () -> ()
    "tpu.region"() ({
      %run_scoped3A = tpu.sem_alloc : memref<!tpu.dma_semaphore, #tpu.memory_space<semaphore_mem>>
      tpu.enqueue_dma source(%arg4 : memref<576xf32, #tpu.memory_space<hbm>>) target(%arg15 : memref<576xf32, #tpu.memory_space<vmem>>) target_semaphore(%run_scoped3A : memref<!tpu.dma_semaphore, #tpu.memory_space<semaphore_mem>>)
      tpu.wait_dma2 semaphore(%run_scoped3A : memref<!tpu.dma_semaphore, #tpu.memory_space<semaphore_mem>>) src(%arg4 : memref<576xf32, #tpu.memory_space<hbm>>) dst(%arg15 : memref<576xf32, #tpu.memory_space<vmem>>)
      tpu.yield
    }) : () -> ()
    "tpu.region"() ({
      %run_scoped3A = tpu.sem_alloc : memref<!tpu.dma_semaphore, #tpu.memory_space<semaphore_mem>>
      tpu.enqueue_dma source(%arg11 : memref<4096xf32, #tpu.memory_space<hbm>>) target(%arg25 : memref<4096xf32, #tpu.memory_space<vmem>>) target_semaphore(%run_scoped3A : memref<!tpu.dma_semaphore, #tpu.memory_space<semaphore_mem>>)
      tpu.wait_dma2 semaphore(%run_scoped3A : memref<!tpu.dma_semaphore, #tpu.memory_space<semaphore_mem>>) src(%arg11 : memref<4096xf32, #tpu.memory_space<hbm>>) dst(%arg25 : memref<4096xf32, #tpu.memory_space<vmem>>)
      tpu.yield
    }) : () -> ()
    %scan3A = arith.constant 0 : i32
    %scan3A_2 = arith.constant 0 : i32
    %scan3A_3 = arith.constant 36 : i32
    %scan3A_4 = arith.addi %scan3A_2, %scan3A_3 : i32
    %scan3A_5 = arith.constant 1 : i32
    scf.for %scan3A_13 = %scan3A_2 to %scan3A_4 step %scan3A_5  : i32 {
      %mul3A = arith.constant 16 : i32
      %mul3A_14 = arith.muli %scan3A_13, %mul3A : i32
      %get3A = arith.index_cast %mul3A_14 : i32 to index
      %get3A_15 = tpu.vector_load %arg16[%get3A] {strides = array<i32>} : memref<576xf32, #tpu.memory_space<vmem>>, vector<16xf32>,
      %get3A_16 = arith.index_cast %mul3A_14 : i32 to index
      %get3A_17 = tpu.vector_load %arg17[%get3A_16] {strides = array<i32>} : memref<576xf32, #tpu.memory_space<vmem>>, vector<16xf32>,
      %neg3A = arith.constant 0.000000e+00 : f32
      %neg3A_18 = vector.broadcast %neg3A : f32 to vector<16xf32>
      %neg3A_19 = arith.subf %neg3A_18, %get3A_17 : vector<16xf32>
      %exp3A = math.exp %neg3A_19 : vector<16xf32>
      %add3A = arith.constant 1.000000e+00 : f32
      %add3A_20 = vector.broadcast %add3A : f32 to vector<16xf32>
      %add3A_21 = arith.addf %add3A_20, %exp3A : vector<16xf32>
      %div3A = arith.constant 1.000000e+00 : f32
      %div3A_22 = vector.broadcast %div3A : f32 to vector<16xf32>
      %div3A_23 = arith.divf %div3A_22, %add3A_21 : vector<16xf32>
      %mul3A_24 = arith.mulf %get3A_15, %div3A_23 : vector<16xf32>
      %swap3A = arith.index_cast %mul3A_14 : i32 to index
      %swap3A_25 = tpu.vector_load %arg13[%swap3A] {strides = array<i32>} : memref<576xf32, #tpu.memory_space<vmem>>, vector<16xf32>,
      tpu.vector_store %arg13[%swap3A], %mul3A_24 {strides = array<i32>} : memref<576xf32, #tpu.memory_space<vmem>>, vector<16xf32>,
    }
    %scan3A_6 = arith.constant 36 : i32
    %scan3A_7 = arith.constant 0 : i32
    %scan3A_8 = arith.constant 0 : i32
    %scan3A_9 = arith.constant 3 : i32
    %scan3A_10 = arith.addi %scan3A_8, %scan3A_9 : i32
    %scan3A_11 = arith.constant 1 : i32
    scf.for %scan3A_13 = %scan3A_8 to %scan3A_10 step %scan3A_11  : i32 {
      %mul3A = arith.constant 352 : i32
      %mul3A_14 = arith.muli %scan3A_13, %mul3A : i32
      %sub3A = arith.constant 1024 : i32
      %sub3A_15 = arith.subi %sub3A, %mul3A_14 : i32
      %min3A = arith.constant 352 : i32
      %min3A_16 = arith.minsi %min3A, %sub3A_15 : i32
      %mul3A_17 = arith.constant 4096 : i32
      %mul3A_18 = arith.muli %min3A_16, %mul3A_17 : i32
      %shift_right_arithmetic3A = arith.constant 4 : i32
      %shift_right_arithmetic3A_19 = arith.shrsi %mul3A_18, %shift_right_arithmetic3A : i32
      %shift_right_arithmetic3A_20 = arith.constant 12 : i32
      %shift_right_arithmetic3A_21 = arith.shrsi %shift_right_arithmetic3A_19, %shift_right_arithmetic3A_20 : i32
      %add3A = arith.constant 352 : i32
      %add3A_22 = arith.addi %mul3A_14, %add3A : i32
      %scan3A_23 = arith.constant 0 : i32
      %scan3A_24 = arith.constant 0 : i32
      %scan3A_25 = arith.constant 22 : i32
      %scan3A_26 = arith.addi %scan3A_24, %scan3A_25 : i32
      %scan3A_27 = arith.constant 1 : i32
      scf.for %scan3A_49 = %scan3A_24 to %scan3A_26 step %scan3A_27  : i32 {
        %mul3A_50 = arith.constant 90112 : i32
        %mul3A_51 = arith.muli %arg1, %mul3A_50 : i32
        %mul3A_52 = arith.constant 4096 : i32
        %mul3A_53 = arith.muli %scan3A_49, %mul3A_52 : i32
        %add3A_54 = arith.addi %mul3A_51, %mul3A_53 : i32
        "tpu.region"() ({
          %run_scoped3A = tpu.sem_alloc : memref<!tpu.dma_semaphore, #tpu.memory_space<semaphore_mem>>
          %dma_start3A = tpu.memref_slice %arg27[%add3A_54] : memref<1441792xf32, #tpu.memory_space<vmem_shared>> -> memref<4096xf32, #tpu.memory_space<vmem_shared>>
          %dma_start3A_55 = tpu.memref_slice %arg27[%add3A_54] : memref<1441792xf32, #tpu.memory_space<vmem_shared>> -> memref<4096xf32, #tpu.memory_space<vmem_shared>>
          tpu.enqueue_dma source(%arg25 : memref<4096xf32, #tpu.memory_space<vmem>>) target(%dma_start3A_55 : memref<4096xf32, #tpu.memory_space<vmem_shared>>) target_semaphore(%run_scoped3A : memref<!tpu.dma_semaphore, #tpu.memory_space<semaphore_mem>>)
          %dma_wait3A = tpu.memref_slice %arg27[%add3A_54] : memref<1441792xf32, #tpu.memory_space<vmem_shared>> -> memref<4096xf32, #tpu.memory_space<vmem_shared>>
          %dma_wait3A_56 = tpu.memref_slice %arg27[%add3A_54] : memref<1441792xf32, #tpu.memory_space<vmem_shared>> -> memref<4096xf32, #tpu.memory_space<vmem_shared>>
          tpu.wait_dma2 semaphore(%run_scoped3A : memref<!tpu.dma_semaphore, #tpu.memory_space<semaphore_mem>>) src(%arg25 : memref<4096xf32, #tpu.memory_space<vmem>>) dst(%dma_wait3A_56 : memref<4096xf32, #tpu.memory_space<vmem_shared>>)
          tpu.yield
        }) : () -> ()
      }
      %scan3A_28 = arith.constant 22 : i32
      %barrier3A = arith.constant 0 : index
      tpu.barrier barrier_id(%barrier3A)
      %scan3A_29 = arith.constant 0 : i32
      %scan3A_30 = arith.constant 0 : i32
      %scan3A_31 = arith.constant 7 : i32
      %scan3A_32 = arith.addi %scan3A_30, %scan3A_31 : i32
      %scan3A_33 = arith.constant 1 : i32
      %scan3A_34 = scf.for %scan3A_49 = %scan3A_30 to %scan3A_32 step %scan3A_33 iter_args(%scan3A_50 = %scan3A_29) -> (i32)  : i32 {
        %mul3A_51 = arith.constant 12544 : i32
        %mul3A_52 = arith.muli %arg1, %mul3A_51 : i32
        %mul3A_53 = arith.constant 1792 : i32
        %mul3A_54 = arith.muli %scan3A_49, %mul3A_53 : i32
        %add3A_55 = arith.addi %mul3A_52, %mul3A_54 : i32
        "tpu.region"() ({
          %run_scoped3A = tpu.sem_alloc : memref<!tpu.dma_semaphore, #tpu.memory_space<semaphore_mem>>
          %dma_start3A = tpu.memref_slice %arg6[%add3A_55] : memref<200704xi32, #tpu.memory_space<hbm>> -> memref<1792xi32, #tpu.memory_space<hbm>>
          %dma_start3A_62 = tpu.memref_slice %arg6[%add3A_55] : memref<200704xi32, #tpu.memory_space<hbm>> -> memref<1792xi32, #tpu.memory_space<hbm>>
          tpu.enqueue_dma source(%dma_start3A_62 : memref<1792xi32, #tpu.memory_space<hbm>>) target(%arg18 : memref<1792xi32, #tpu.memory_space<vmem>>) target_semaphore(%run_scoped3A : memref<!tpu.dma_semaphore, #tpu.memory_space<semaphore_mem>>)
          %dma_wait3A = tpu.memref_slice %arg6[%add3A_55] : memref<200704xi32, #tpu.memory_space<hbm>> -> memref<1792xi32, #tpu.memory_space<hbm>>
          %dma_wait3A_63 = tpu.memref_slice %arg6[%add3A_55] : memref<200704xi32, #tpu.memory_space<hbm>> -> memref<1792xi32, #tpu.memory_space<hbm>>
          tpu.wait_dma2 semaphore(%run_scoped3A : memref<!tpu.dma_semaphore, #tpu.memory_space<semaphore_mem>>) src(%dma_wait3A_63 : memref<1792xi32, #tpu.memory_space<hbm>>) dst(%arg18 : memref<1792xi32, #tpu.memory_space<vmem>>)
          tpu.yield
        }) : () -> ()
        "tpu.region"() ({
          %run_scoped3A = tpu.sem_alloc : memref<!tpu.dma_semaphore, #tpu.memory_space<semaphore_mem>>
          %dma_start3A = tpu.memref_slice %arg7[%add3A_55] : memref<200704xf32, #tpu.memory_space<hbm>> -> memref<1792xf32, #tpu.memory_space<hbm>>
          %dma_start3A_62 = tpu.memref_slice %arg7[%add3A_55] : memref<200704xf32, #tpu.memory_space<hbm>> -> memref<1792xf32, #tpu.memory_space<hbm>>
          tpu.enqueue_dma source(%dma_start3A_62 : memref<1792xf32, #tpu.memory_space<hbm>>) target(%arg19 : memref<1792xf32, #tpu.memory_space<vmem>>) target_semaphore(%run_scoped3A : memref<!tpu.dma_semaphore, #tpu.memory_space<semaphore_mem>>)
          %dma_wait3A = tpu.memref_slice %arg7[%add3A_55] : memref<200704xf32, #tpu.memory_space<hbm>> -> memref<1792xf32, #tpu.memory_space<hbm>>
          %dma_wait3A_63 = tpu.memref_slice %arg7[%add3A_55] : memref<200704xf32, #tpu.memory_space<hbm>> -> memref<1792xf32, #tpu.memory_space<hbm>>
          tpu.wait_dma2 semaphore(%run_scoped3A : memref<!tpu.dma_semaphore, #tpu.memory_space<semaphore_mem>>) src(%dma_wait3A_63 : memref<1792xf32, #tpu.memory_space<hbm>>) dst(%arg19 : memref<1792xf32, #tpu.memory_space<vmem>>)
          tpu.yield
        }) : () -> ()
        "tpu.region"() ({
          %run_scoped3A = tpu.sem_alloc : memref<!tpu.dma_semaphore, #tpu.memory_space<semaphore_mem>>
          %dma_start3A = tpu.memref_slice %arg8[%add3A_55] : memref<200704xf32, #tpu.memory_space<hbm>> -> memref<1792xf32, #tpu.memory_space<hbm>>
          %dma_start3A_62 = tpu.memref_slice %arg8[%add3A_55] : memref<200704xf32, #tpu.memory_space<hbm>> -> memref<1792xf32, #tpu.memory_space<hbm>>
          tpu.enqueue_dma source(%dma_start3A_62 : memref<1792xf32, #tpu.memory_space<hbm>>) target(%arg20 : memref<1792xf32, #tpu.memory_space<vmem>>) target_semaphore(%run_scoped3A : memref<!tpu.dma_semaphore, #tpu.memory_space<semaphore_mem>>)
          %dma_wait3A = tpu.memref_slice %arg8[%add3A_55] : memref<200704xf32, #tpu.memory_space<hbm>> -> memref<1792xf32, #tpu.memory_space<hbm>>
          %dma_wait3A_63 = tpu.memref_slice %arg8[%add3A_55] : memref<200704xf32, #tpu.memory_space<hbm>> -> memref<1792xf32, #tpu.memory_space<hbm>>
          tpu.wait_dma2 semaphore(%run_scoped3A : memref<!tpu.dma_semaphore, #tpu.memory_space<semaphore_mem>>) src(%dma_wait3A_63 : memref<1792xf32, #tpu.memory_space<hbm>>) dst(%arg20 : memref<1792xf32, #tpu.memory_space<vmem>>)
          tpu.yield
        }) : () -> ()
        "tpu.region"() ({
          %run_scoped3A = tpu.sem_alloc : memref<!tpu.dma_semaphore, #tpu.memory_space<semaphore_mem>>
          %dma_start3A = tpu.memref_slice %arg9[%add3A_55] : memref<200704xf32, #tpu.memory_space<hbm>> -> memref<1792xf32, #tpu.memory_space<hbm>>
          %dma_start3A_62 = tpu.memref_slice %arg9[%add3A_55] : memref<200704xf32, #tpu.memory_space<hbm>> -> memref<1792xf32, #tpu.memory_space<hbm>>
          tpu.enqueue_dma source(%dma_start3A_62 : memref<1792xf32, #tpu.memory_space<hbm>>) target(%arg21 : memref<1792xf32, #tpu.memory_space<vmem>>) target_semaphore(%run_scoped3A : memref<!tpu.dma_semaphore, #tpu.memory_space<semaphore_mem>>)
          %dma_wait3A = tpu.memref_slice %arg9[%add3A_55] : memref<200704xf32, #tpu.memory_space<hbm>> -> memref<1792xf32, #tpu.memory_space<hbm>>
          %dma_wait3A_63 = tpu.memref_slice %arg9[%add3A_55] : memref<200704xf32, #tpu.memory_space<hbm>> -> memref<1792xf32, #tpu.memory_space<hbm>>
          tpu.wait_dma2 semaphore(%run_scoped3A : memref<!tpu.dma_semaphore, #tpu.memory_space<semaphore_mem>>) src(%dma_wait3A_63 : memref<1792xf32, #tpu.memory_space<hbm>>) dst(%arg21 : memref<1792xf32, #tpu.memory_space<vmem>>)
          tpu.yield
        }) : () -> ()
        "tpu.region"() ({
          %run_scoped3A = tpu.sem_alloc : memref<!tpu.dma_semaphore, #tpu.memory_space<semaphore_mem>>
          %dma_start3A = tpu.memref_slice %arg10[%add3A_55] : memref<200704xf32, #tpu.memory_space<hbm>> -> memref<1792xf32, #tpu.memory_space<hbm>>
          %dma_start3A_62 = tpu.memref_slice %arg10[%add3A_55] : memref<200704xf32, #tpu.memory_space<hbm>> -> memref<1792xf32, #tpu.memory_space<hbm>>
          tpu.enqueue_dma source(%dma_start3A_62 : memref<1792xf32, #tpu.memory_space<hbm>>) target(%arg22 : memref<1792xf32, #tpu.memory_space<vmem>>) target_semaphore(%run_scoped3A : memref<!tpu.dma_semaphore, #tpu.memory_space<semaphore_mem>>)
          %dma_wait3A = tpu.memref_slice %arg10[%add3A_55] : memref<200704xf32, #tpu.memory_space<hbm>> -> memref<1792xf32, #tpu.memory_space<hbm>>
          %dma_wait3A_63 = tpu.memref_slice %arg10[%add3A_55] : memref<200704xf32, #tpu.memory_space<hbm>> -> memref<1792xf32, #tpu.memory_space<hbm>>
          tpu.wait_dma2 semaphore(%run_scoped3A : memref<!tpu.dma_semaphore, #tpu.memory_space<semaphore_mem>>) src(%dma_wait3A_63 : memref<1792xf32, #tpu.memory_space<hbm>>) dst(%arg22 : memref<1792xf32, #tpu.memory_space<vmem>>)
          tpu.yield
        }) : () -> ()
        %scan3A_56 = arith.constant 0 : i32
        %scan3A_57 = arith.constant 112 : i32
        %scan3A_58 = arith.addi %scan3A_56, %scan3A_57 : i32
        %scan3A_59 = arith.constant 1 : i32
        %scan3A_60 = scf.for %scan3A_62 = %scan3A_56 to %scan3A_58 step %scan3A_59 iter_args(%scan3A_63 = %scan3A_50) -> (i32)  : i32 {
          %mul3A_64 = arith.constant 16 : i32
          %mul3A_65 = arith.muli %scan3A_62, %mul3A_64 : i32
          %get3A = arith.index_cast %mul3A_65 : i32 to index
          %get3A_66 = tpu.vector_load %arg18[%get3A] {strides = array<i32>} : memref<1792xi32, #tpu.memory_space<vmem>>, vector<16xi32>,
          %get3A_67 = arith.index_cast %mul3A_65 : i32 to index
          %get3A_68 = tpu.vector_load %arg19[%get3A_67] {strides = array<i32>} : memref<1792xf32, #tpu.memory_space<vmem>>, vector<16xf32>,
          %get3A_69 = arith.index_cast %mul3A_65 : i32 to index
          %get3A_70 = tpu.vector_load %arg20[%get3A_69] {strides = array<i32>} : memref<1792xf32, #tpu.memory_space<vmem>>, vector<16xf32>,
          %get3A_71 = arith.index_cast %mul3A_65 : i32 to index
          %get3A_72 = tpu.vector_load %arg21[%get3A_71] {strides = array<i32>} : memref<1792xf32, #tpu.memory_space<vmem>>, vector<16xf32>,
          %get3A_73 = arith.index_cast %mul3A_65 : i32 to index
          %get3A_74 = tpu.vector_load %arg22[%get3A_73] {strides = array<i32>} : memref<1792xf32, #tpu.memory_space<vmem>>, vector<16xf32>,
          %select_n3A = arith.select %eq3A_0, %get3A_72, %get3A_74 : vector<16xf32>
          %mul3A_75 = arith.constant 9 : i32
          %mul3A_76 = vector.broadcast %mul3A_75 : i32 to vector<16xi32>
          %mul3A_77 = arith.muli %get3A_66, %mul3A_76 : vector<16xi32>
          %add3A_78 = arith.constant 0 : i32
          %add3A_79 = vector.broadcast %add3A_78 : i32 to vector<16xi32>
          %add3A_80 = arith.addi %mul3A_77, %add3A_79 : vector<16xi32>
          %gather3A = tpu.vector_load_idx %arg13[%add3A_80] : memref<576xf32, #tpu.memory_space<vmem>>[vector<16xi32>], vector<16xf32>,
          %gather3A_81 = tpu.vector_load_idx %arg14[%add3A_80] : memref<576xf32, #tpu.memory_space<vmem>>[vector<16xi32>], vector<16xf32>,
          %gather3A_82 = tpu.vector_load_idx %arg15[%add3A_80] : memref<576xf32, #tpu.memory_space<vmem>>[vector<16xi32>], vector<16xf32>,
          %mul3A_83 = arith.mulf %select_n3A, %gather3A : vector<16xf32>
          %add3A_84 = arith.addf %get3A_68, %gather3A_81 : vector<16xf32>
          %add3A_85 = arith.addf %get3A_70, %gather3A_82 : vector<16xf32>
          %convert_element_type3A_86 = arith.fptosi %add3A_84 : vector<16xf32> to vector<16xi32>
          %convert_element_type3A_87 = arith.sitofp %convert_element_type3A_86 : vector<16xi32> to vector<16xf32>
          %gt3A = arith.cmpf ogt, %convert_element_type3A_87, %add3A_84 : vector<16xf32>
          %jit3A = arith.constant 1 : i32
          %jit3A_88 = arith.constant 0 : i32
          %broadcast_in_dim3A_89 = vector.broadcast %jit3A : i32 to vector<16xi32>
          %broadcast_in_dim3A_90 = vector.broadcast %jit3A_88 : i32 to vector<16xi32>
          %select_n3A_91 = arith.select %gt3A, %broadcast_in_dim3A_89, %broadcast_in_dim3A_90 : vector<16xi1>, vector<16xi32>
          %sub3A_92 = arith.subi %convert_element_type3A_86, %select_n3A_91 : vector<16xi32>
          %jit3A_93 = arith.constant 1.000000e+00 : f32
          %jit3A_94 = arith.constant 0.000000e+00 : f32
          %broadcast_in_dim3A_95 = vector.broadcast %jit3A_93 : f32 to vector<16xf32>
          %broadcast_in_dim3A_96 = vector.broadcast %jit3A_94 : f32 to vector<16xf32>
          %select_n3A_97 = arith.select %gt3A, %broadcast_in_dim3A_95, %broadcast_in_dim3A_96 : vector<16xi1>, vector<16xf32>
          %sub3A_98 = arith.subf %convert_element_type3A_87, %select_n3A_97 : vector<16xf32>
          %sub3A_99 = arith.subf %add3A_84, %sub3A_98 : vector<16xf32>
          %convert_element_type3A_100 = arith.fptosi %add3A_85 : vector<16xf32> to vector<16xi32>
          %convert_element_type3A_101 = arith.sitofp %convert_element_type3A_100 : vector<16xi32> to vector<16xf32>
          %gt3A_102 = arith.cmpf ogt, %convert_element_type3A_101, %add3A_85 : vector<16xf32>
          %jit3A_103 = arith.constant 1 : i32
          %jit3A_104 = arith.constant 0 : i32
          %broadcast_in_dim3A_105 = vector.broadcast %jit3A_103 : i32 to vector<16xi32>
          %broadcast_in_dim3A_106 = vector.broadcast %jit3A_104 : i32 to vector<16xi32>
          %select_n3A_107 = arith.select %gt3A_102, %broadcast_in_dim3A_105, %broadcast_in_dim3A_106 : vector<16xi1>, vector<16xi32>
          %sub3A_108 = arith.subi %convert_element_type3A_100, %select_n3A_107 : vector<16xi32>
          %jit3A_109 = arith.constant 1.000000e+00 : f32
          %jit3A_110 = arith.constant 0.000000e+00 : f32
          %broadcast_in_dim3A_111 = vector.broadcast %jit3A_109 : f32 to vector<16xf32>
          %broadcast_in_dim3A_112 = vector.broadcast %jit3A_110 : f32 to vector<16xf32>
          %select_n3A_113 = arith.select %gt3A_102, %broadcast_in_dim3A_111, %broadcast_in_dim3A_112 : vector<16xi1>, vector<16xf32>
          %sub3A_114 = arith.subf %convert_element_type3A_101, %select_n3A_113 : vector<16xf32>
          %sub3A_115 = arith.subf %add3A_85, %sub3A_114 : vector<16xf32>
          %jit3A_116 = arith.constant 0 : i32
          %jit3A_117 = arith.constant 1023 : i32
          %max3A = vector.broadcast %jit3A_116 : i32 to vector<16xi32>
          %max3A_118 = arith.maxsi %max3A, %sub3A_92 : vector<16xi32>
          %min3A_119 = vector.broadcast %jit3A_117 : i32 to vector<16xi32>
          %min3A_120 = arith.minsi %min3A_119, %max3A_118 : vector<16xi32>
          %add3A_121 = arith.constant 1 : i32
          %add3A_122 = vector.broadcast %add3A_121 : i32 to vector<16xi32>
          %add3A_123 = arith.addi %sub3A_92, %add3A_122 : vector<16xi32>
          %jit3A_124 = arith.constant 0 : i32
          %jit3A_125 = arith.constant 1023 : i32
          %max3A_126 = vector.broadcast %jit3A_124 : i32 to vector<16xi32>
          %max3A_127 = arith.maxsi %max3A_126, %add3A_123 : vector<16xi32>
          %min3A_128 = vector.broadcast %jit3A_125 : i32 to vector<16xi32>
          %min3A_129 = arith.minsi %min3A_128, %max3A_127 : vector<16xi32>
          %jit3A_130 = arith.constant 0 : i32
          %jit3A_131 = arith.constant 4095 : i32
          %max3A_132 = vector.broadcast %jit3A_130 : i32 to vector<16xi32>
          %max3A_133 = arith.maxsi %max3A_132, %sub3A_108 : vector<16xi32>
          %min3A_134 = vector.broadcast %jit3A_131 : i32 to vector<16xi32>
          %min3A_135 = arith.minsi %min3A_134, %max3A_133 : vector<16xi32>
          %add3A_136 = arith.constant 1 : i32
          %add3A_137 = vector.broadcast %add3A_136 : i32 to vector<16xi32>
          %add3A_138 = arith.addi %sub3A_108, %add3A_137 : vector<16xi32>
          %jit3A_139 = arith.constant 0 : i32
          %jit3A_140 = arith.constant 4095 : i32
          %max3A_141 = vector.broadcast %jit3A_139 : i32 to vector<16xi32>
          %max3A_142 = arith.maxsi %max3A_141, %add3A_138 : vector<16xi32>
          %min3A_143 = vector.broadcast %jit3A_140 : i32 to vector<16xi32>
          %min3A_144 = arith.minsi %min3A_143, %max3A_142 : vector<16xi32>
          %ge3A = vector.broadcast %mul3A_14 : i32 to vector<16xi32>
          %ge3A_145 = arith.cmpi sge, %min3A_120, %ge3A : vector<16xi32>
          %lt3A = vector.broadcast %add3A_22 : i32 to vector<16xi32>
          %lt3A_146 = arith.cmpi slt, %min3A_120, %lt3A : vector<16xi32>
          %and3A_147 = arith.andi %ge3A_145, %lt3A_146 : vector<16xi1>
          %ge3A_148 = vector.broadcast %mul3A_14 : i32 to vector<16xi32>
          %ge3A_149 = arith.cmpi sge, %min3A_129, %ge3A_148 : vector<16xi32>
          %lt3A_150 = vector.broadcast %add3A_22 : i32 to vector<16xi32>
          %lt3A_151 = arith.cmpi slt, %min3A_129, %lt3A_150 : vector<16xi32>
          %and3A_152 = arith.andi %ge3A_149, %lt3A_151 : vector<16xi1>
          %or3A = arith.ori %and3A_147, %and3A_152 : vector<16xi1>
          %jit3A_153 = arith.constant 1.000000e+00 : f32
          %jit3A_154 = arith.constant 0.000000e+00 : f32
          %broadcast_in_dim3A_155 = vector.broadcast %jit3A_153 : f32 to vector<16xf32>
          %broadcast_in_dim3A_156 = vector.broadcast %jit3A_154 : f32 to vector<16xf32>
          %select_n3A_157 = arith.select %and3A_147, %broadcast_in_dim3A_155, %broadcast_in_dim3A_156 : vector<16xi1>, vector<16xf32>
          %jit3A_158 = arith.constant 1.000000e+00 : f32
          %jit3A_159 = arith.constant 0.000000e+00 : f32
          %broadcast_in_dim3A_160 = vector.broadcast %jit3A_158 : f32 to vector<16xf32>
          %broadcast_in_dim3A_161 = vector.broadcast %jit3A_159 : f32 to vector<16xf32>
          %select_n3A_162 = arith.select %and3A_152, %broadcast_in_dim3A_160, %broadcast_in_dim3A_161 : vector<16xi1>, vector<16xf32>
          %sub3A_163 = arith.constant 1.000000e+00 : f32
          %sub3A_164 = vector.broadcast %sub3A_163 : f32 to vector<16xf32>
          %sub3A_165 = arith.subf %sub3A_164, %sub3A_99 : vector<16xf32>
          %sub3A_166 = arith.constant 1.000000e+00 : f32
          %sub3A_167 = vector.broadcast %sub3A_166 : f32 to vector<16xf32>
          %sub3A_168 = arith.subf %sub3A_167, %sub3A_115 : vector<16xf32>
          %mul3A_169 = arith.mulf %sub3A_165, %sub3A_168 : vector<16xf32>
          %mul3A_170 = arith.mulf %mul3A_169, %select_n3A_157 : vector<16xf32>
          %mul3A_171 = arith.mulf %sub3A_165, %sub3A_115 : vector<16xf32>
          %mul3A_172 = arith.mulf %mul3A_171, %select_n3A_157 : vector<16xf32>
          %mul3A_173 = arith.mulf %sub3A_99, %sub3A_168 : vector<16xf32>
          %mul3A_174 = arith.mulf %mul3A_173, %select_n3A_162 : vector<16xf32>
          %mul3A_175 = arith.mulf %sub3A_99, %sub3A_115 : vector<16xf32>
          %mul3A_176 = arith.mulf %mul3A_175, %select_n3A_162 : vector<16xf32>
          %sub3A_177 = vector.broadcast %mul3A_14 : i32 to vector<16xi32>
          %sub3A_178 = arith.subi %min3A_120, %sub3A_177 : vector<16xi32>
          %jit3A_179 = arith.constant 0 : i32
          %jit3A_180 = arith.constant 351 : i32
          %max3A_181 = vector.broadcast %jit3A_179 : i32 to vector<16xi32>
          %max3A_182 = arith.maxsi %max3A_181, %sub3A_178 : vector<16xi32>
          %min3A_183 = vector.broadcast %jit3A_180 : i32 to vector<16xi32>
          %min3A_184 = arith.minsi %min3A_183, %max3A_182 : vector<16xi32>
          %sub3A_185 = vector.broadcast %mul3A_14 : i32 to vector<16xi32>
          %sub3A_186 = arith.subi %min3A_129, %sub3A_185 : vector<16xi32>
          %jit3A_187 = arith.constant 0 : i32
          %jit3A_188 = arith.constant 351 : i32
          %max3A_189 = vector.broadcast %jit3A_187 : i32 to vector<16xi32>
          %max3A_190 = arith.maxsi %max3A_189, %sub3A_186 : vector<16xi32>
          %min3A_191 = vector.broadcast %jit3A_188 : i32 to vector<16xi32>
          %min3A_192 = arith.minsi %min3A_191, %max3A_190 : vector<16xi32>
          %shift_left3A = arith.constant 12 : i32
          %shift_left3A_193 = vector.broadcast %shift_left3A : i32 to vector<16xi32>
          %shift_left3A_194 = arith.shli %min3A_184, %shift_left3A_193 : vector<16xi32>
          %shift_left3A_195 = arith.constant 12 : i32
          %shift_left3A_196 = vector.broadcast %shift_left3A_195 : i32 to vector<16xi32>
          %shift_left3A_197 = arith.shli %min3A_192, %shift_left3A_196 : vector<16xi32>
          %add3A_198 = arith.addi %shift_left3A_194, %min3A_135 : vector<16xi32>
          %add3A_199 = arith.addi %shift_left3A_194, %min3A_144 : vector<16xi32>
          %add3A_200 = arith.addi %shift_left3A_197, %min3A_135 : vector<16xi32>
          %add3A_201 = arith.addi %shift_left3A_197, %min3A_144 : vector<16xi32>
          %jit3A_202 = arith.constant 1 : i32
          %jit3A_203 = arith.constant 0 : i32
          %broadcast_in_dim3A_204 = vector.broadcast %jit3A_202 : i32 to vector<16xi32>
          %broadcast_in_dim3A_205 = vector.broadcast %jit3A_203 : i32 to vector<16xi32>
          %select_n3A_206 = arith.select %or3A, %broadcast_in_dim3A_204, %broadcast_in_dim3A_205 : vector<16xi1>, vector<16xi32>
          %broadcast_in_dim3A_207 = arith.constant true
          %broadcast_in_dim3A_208 = vector.broadcast %broadcast_in_dim3A_207 : i1 to vector<16xi1>
          %masked_cumsum3A = tpu.scan <sum>, %select_n3A_206 masked %broadcast_in_dim3A_208 : vector<16xi32>, vector<16xi1> -> vector<16xi32>
          %sub3A_209 = arith.constant 1 : i32
          %sub3A_210 = vector.broadcast %sub3A_209 : i32 to vector<16xi32>
          %sub3A_211 = arith.subi %masked_cumsum3A, %sub3A_210 : vector<16xi32>
          %mul3A_212 = arith.constant 4 : i32
          %mul3A_213 = vector.broadcast %mul3A_212 : i32 to vector<16xi32>
          %mul3A_214 = arith.muli %sub3A_211, %mul3A_213 : vector<16xi32>
          %add3A_215 = vector.broadcast %scan3A_63 : i32 to vector<16xi32>
          %add3A_216 = arith.addi %add3A_215, %mul3A_214 : vector<16xi32>
          %add3A_217 = arith.constant 0 : i32
          %add3A_218 = vector.broadcast %add3A_217 : i32 to vector<16xi32>
          %add3A_219 = arith.addi %add3A_216, %add3A_218 : vector<16xi32>
          %and3A_220 = arith.constant 8191 : i32
          %and3A_221 = vector.broadcast %and3A_220 : i32 to vector<16xi32>
          %and3A_222 = arith.andi %add3A_219, %and3A_221 : vector<16xi32>
          %mul3A_223 = arith.mulf %mul3A_83, %mul3A_170 : vector<16xf32>
          tpu.vector_store_idx %arg23[%and3A_222], %mul3A_223 masked %or3A : memref<8192xf32, #tpu.memory_space<vmem>>[vector<16xi32>], vector<16xf32>, vector<16xi1>
          tpu.vector_store_idx %arg24[%and3A_222], %add3A_198 masked %or3A : memref<8192xi32, #tpu.memory_space<vmem>>[vector<16xi32>], vector<16xi32>, vector<16xi1>
          %add3A_224 = arith.constant 1 : i32
          %add3A_225 = vector.broadcast %add3A_224 : i32 to vector<16xi32>
          %add3A_226 = arith.addi %add3A_216, %add3A_225 : vector<16xi32>
          %and3A_227 = arith.constant 8191 : i32
          %and3A_228 = vector.broadcast %and3A_227 : i32 to vector<16xi32>
          %and3A_229 = arith.andi %add3A_226, %and3A_228 : vector<16xi32>
          %mul3A_230 = arith.mulf %mul3A_83, %mul3A_172 : vector<16xf32>
          tpu.vector_store_idx %arg23[%and3A_229], %mul3A_230 masked %or3A : memref<8192xf32, #tpu.memory_space<vmem>>[vector<16xi32>], vector<16xf32>, vector<16xi1>
          tpu.vector_store_idx %arg24[%and3A_229], %add3A_199 masked %or3A : memref<8192xi32, #tpu.memory_space<vmem>>[vector<16xi32>], vector<16xi32>, vector<16xi1>
          %add3A_231 = arith.constant 2 : i32
          %add3A_232 = vector.broadcast %add3A_231 : i32 to vector<16xi32>
          %add3A_233 = arith.addi %add3A_216, %add3A_232 : vector<16xi32>
          %and3A_234 = arith.constant 8191 : i32
          %and3A_235 = vector.broadcast %and3A_234 : i32 to vector<16xi32>
          %and3A_236 = arith.andi %add3A_233, %and3A_235 : vector<16xi32>
          %mul3A_237 = arith.mulf %mul3A_83, %mul3A_174 : vector<16xf32>
          tpu.vector_store_idx %arg23[%and3A_236], %mul3A_237 masked %or3A : memref<8192xf32, #tpu.memory_space<vmem>>[vector<16xi32>], vector<16xf32>, vector<16xi1>
          tpu.vector_store_idx %arg24[%and3A_236], %add3A_200 masked %or3A : memref<8192xi32, #tpu.memory_space<vmem>>[vector<16xi32>], vector<16xi32>, vector<16xi1>
          %add3A_238 = arith.constant 3 : i32
          %add3A_239 = vector.broadcast %add3A_238 : i32 to vector<16xi32>
          %add3A_240 = arith.addi %add3A_216, %add3A_239 : vector<16xi32>
          %and3A_241 = arith.constant 8191 : i32
          %and3A_242 = vector.broadcast %and3A_241 : i32 to vector<16xi32>
          %and3A_243 = arith.andi %add3A_240, %and3A_242 : vector<16xi32>
          %mul3A_244 = arith.mulf %mul3A_83, %mul3A_176 : vector<16xf32>
          tpu.vector_store_idx %arg23[%and3A_243], %mul3A_244 masked %or3A : memref<8192xf32, #tpu.memory_space<vmem>>[vector<16xi32>], vector<16xf32>, vector<16xi1>
          tpu.vector_store_idx %arg24[%and3A_243], %add3A_201 masked %or3A : memref<8192xi32, #tpu.memory_space<vmem>>[vector<16xi32>], vector<16xi32>, vector<16xi1>
          %reduce_sum3A = arith.constant true
          %reduce_sum3A_245 = vector.broadcast %reduce_sum3A : i1 to vector<16xi1>
          %reduce_sum3A_246 = tpu.scan <sum>, %select_n3A_206 masked %reduce_sum3A_245 : vector<16xi32>, vector<16xi1> -> vector<16xi32>
          %reduce_sum3A_247 = vector.extract %reduce_sum3A_246[15] : i32 from vector<16xi32>
          %mul3A_248 = arith.constant 4 : i32
          %mul3A_249 = arith.muli %mul3A_248, %reduce_sum3A_247 : i32
          %add3A_250 = arith.addi %scan3A_63, %mul3A_249 : i32
          %add3A_251 = arith.constant 1 : i32
          %add3A_252 = vector.broadcast %add3A_251 : i32 to vector<16xi32>
          %add3A_253 = arith.addi %mul3A_77, %add3A_252 : vector<16xi32>
          %gather3A_254 = tpu.vector_load_idx %arg13[%add3A_253] : memref<576xf32, #tpu.memory_space<vmem>>[vector<16xi32>], vector<16xf32>,
          %gather3A_255 = tpu.vector_load_idx %arg14[%add3A_253] : memref<576xf32, #tpu.memory_space<vmem>>[vector<16xi32>], vector<16xf32>,
          %gather3A_256 = tpu.vector_load_idx %arg15[%add3A_253] : memref<576xf32, #tpu.memory_space<vmem>>[vector<16xi32>], vector<16xf32>,
          %mul3A_257 = arith.mulf %select_n3A, %gather3A_254 : vector<16xf32>
          %add3A_258 = arith.addf %get3A_68, %gather3A_255 : vector<16xf32>
          %add3A_259 = arith.addf %get3A_70, %gather3A_256 : vector<16xf32>
          %convert_element_type3A_260 = arith.fptosi %add3A_258 : vector<16xf32> to vector<16xi32>
          %convert_element_type3A_261 = arith.sitofp %convert_element_type3A_260 : vector<16xi32> to vector<16xf32>
          %gt3A_262 = arith.cmpf ogt, %convert_element_type3A_261, %add3A_258 : vector<16xf32>
          %jit3A_263 = arith.constant 1 : i32
          %jit3A_264 = arith.constant 0 : i32
          %broadcast_in_dim3A_265 = vector.broadcast %jit3A_263 : i32 to vector<16xi32>
          %broadcast_in_dim3A_266 = vector.broadcast %jit3A_264 : i32 to vector<16xi32>
          %select_n3A_267 = arith.select %gt3A_262, %broadcast_in_dim3A_265, %broadcast_in_dim3A_266 : vector<16xi1>, vector<16xi32>
          %sub3A_268 = arith.subi %convert_element_type3A_260, %select_n3A_267 : vector<16xi32>
          %jit3A_269 = arith.constant 1.000000e+00 : f32
          %jit3A_270 = arith.constant 0.000000e+00 : f32
          %broadcast_in_dim3A_271 = vector.broadcast %jit3A_269 : f32 to vector<16xf32>
          %broadcast_in_dim3A_272 = vector.broadcast %jit3A_270 : f32 to vector<16xf32>
          %select_n3A_273 = arith.select %gt3A_262, %broadcast_in_dim3A_271, %broadcast_in_dim3A_272 : vector<16xi1>, vector<16xf32>
          %sub3A_274 = arith.subf %convert_element_type3A_261, %select_n3A_273 : vector<16xf32>
          %sub3A_275 = arith.subf %add3A_258, %sub3A_274 : vector<16xf32>
          %convert_element_type3A_276 = arith.fptosi %add3A_259 : vector<16xf32> to vector<16xi32>
          %convert_element_type3A_277 = arith.sitofp %convert_element_type3A_276 : vector<16xi32> to vector<16xf32>
          %gt3A_278 = arith.cmpf ogt, %convert_element_type3A_277, %add3A_259 : vector<16xf32>
          %jit3A_279 = arith.constant 1 : i32
          %jit3A_280 = arith.constant 0 : i32
          %broadcast_in_dim3A_281 = vector.broadcast %jit3A_279 : i32 to vector<16xi32>
          %broadcast_in_dim3A_282 = vector.broadcast %jit3A_280 : i32 to vector<16xi32>
          %select_n3A_283 = arith.select %gt3A_278, %broadcast_in_dim3A_281, %broadcast_in_dim3A_282 : vector<16xi1>, vector<16xi32>
          %sub3A_284 = arith.subi %convert_element_type3A_276, %select_n3A_283 : vector<16xi32>
          %jit3A_285 = arith.constant 1.000000e+00 : f32
          %jit3A_286 = arith.constant 0.000000e+00 : f32
          %broadcast_in_dim3A_287 = vector.broadcast %jit3A_285 : f32 to vector<16xf32>
          %broadcast_in_dim3A_288 = vector.broadcast %jit3A_286 : f32 to vector<16xf32>
          %select_n3A_289 = arith.select %gt3A_278, %broadcast_in_dim3A_287, %broadcast_in_dim3A_288 : vector<16xi1>, vector<16xf32>
          %sub3A_290 = arith.subf %convert_element_type3A_277, %select_n3A_289 : vector<16xf32>
          %sub3A_291 = arith.subf %add3A_259, %sub3A_290 : vector<16xf32>
          %jit3A_292 = arith.constant 0 : i32
          %jit3A_293 = arith.constant 1023 : i32
          %max3A_294 = vector.broadcast %jit3A_292 : i32 to vector<16xi32>
          %max3A_295 = arith.maxsi %max3A_294, %sub3A_268 : vector<16xi32>
          %min3A_296 = vector.broadcast %jit3A_293 : i32 to vector<16xi32>
          %min3A_297 = arith.minsi %min3A_296, %max3A_295 : vector<16xi32>
          %add3A_298 = arith.constant 1 : i32
          %add3A_299 = vector.broadcast %add3A_298 : i32 to vector<16xi32>
          %add3A_300 = arith.addi %sub3A_268, %add3A_299 : vector<16xi32>
          %jit3A_301 = arith.constant 0 : i32
          %jit3A_302 = arith.constant 1023 : i32
          %max3A_303 = vector.broadcast %jit3A_301 : i32 to vector<16xi32>
          %max3A_304 = arith.maxsi %max3A_303, %add3A_300 : vector<16xi32>
          %min3A_305 = vector.broadcast %jit3A_302 : i32 to vector<16xi32>
          %min3A_306 = arith.minsi %min3A_305, %max3A_304 : vector<16xi32>
          %jit3A_307 = arith.constant 0 : i32
          %jit3A_308 = arith.constant 4095 : i32
          %max3A_309 = vector.broadcast %jit3A_307 : i32 to vector<16xi32>
          %max3A_310 = arith.maxsi %max3A_309, %sub3A_284 : vector<16xi32>
          %min3A_311 = vector.broadcast %jit3A_308 : i32 to vector<16xi32>
          %min3A_312 = arith.minsi %min3A_311, %max3A_310 : vector<16xi32>
          %add3A_313 = arith.constant 1 : i32
          %add3A_314 = vector.broadcast %add3A_313 : i32 to vector<16xi32>
          %add3A_315 = arith.addi %sub3A_284, %add3A_314 : vector<16xi32>
          %jit3A_316 = arith.constant 0 : i32
          %jit3A_317 = arith.constant 4095 : i32
          %max3A_318 = vector.broadcast %jit3A_316 : i32 to vector<16xi32>
          %max3A_319 = arith.maxsi %max3A_318, %add3A_315 : vector<16xi32>
          %min3A_320 = vector.broadcast %jit3A_317 : i32 to vector<16xi32>
          %min3A_321 = arith.minsi %min3A_320, %max3A_319 : vector<16xi32>
          %ge3A_322 = vector.broadcast %mul3A_14 : i32 to vector<16xi32>
          %ge3A_323 = arith.cmpi sge, %min3A_297, %ge3A_322 : vector<16xi32>
          %lt3A_324 = vector.broadcast %add3A_22 : i32 to vector<16xi32>
          %lt3A_325 = arith.cmpi slt, %min3A_297, %lt3A_324 : vector<16xi32>
          %and3A_326 = arith.andi %ge3A_323, %lt3A_325 : vector<16xi1>
          %ge3A_327 = vector.broadcast %mul3A_14 : i32 to vector<16xi32>
          %ge3A_328 = arith.cmpi sge, %min3A_306, %ge3A_327 : vector<16xi32>
          %lt3A_329 = vector.broadcast %add3A_22 : i32 to vector<16xi32>
          %lt3A_330 = arith.cmpi slt, %min3A_306, %lt3A_329 : vector<16xi32>
          %and3A_331 = arith.andi %ge3A_328, %lt3A_330 : vector<16xi1>
          %or3A_332 = arith.ori %and3A_326, %and3A_331 : vector<16xi1>
          %jit3A_333 = arith.constant 1.000000e+00 : f32
          %jit3A_334 = arith.constant 0.000000e+00 : f32
          %broadcast_in_dim3A_335 = vector.broadcast %jit3A_333 : f32 to vector<16xf32>
          %broadcast_in_dim3A_336 = vector.broadcast %jit3A_334 : f32 to vector<16xf32>
          %select_n3A_337 = arith.select %and3A_326, %broadcast_in_dim3A_335, %broadcast_in_dim3A_336 : vector<16xi1>, vector<16xf32>
          %jit3A_338 = arith.constant 1.000000e+00 : f32
          %jit3A_339 = arith.constant 0.000000e+00 : f32
          %broadcast_in_dim3A_340 = vector.broadcast %jit3A_338 : f32 to vector<16xf32>
          %broadcast_in_dim3A_341 = vector.broadcast %jit3A_339 : f32 to vector<16xf32>
          %select_n3A_342 = arith.select %and3A_331, %broadcast_in_dim3A_340, %broadcast_in_dim3A_341 : vector<16xi1>, vector<16xf32>
          %sub3A_343 = arith.constant 1.000000e+00 : f32
          %sub3A_344 = vector.broadcast %sub3A_343 : f32 to vector<16xf32>
          %sub3A_345 = arith.subf %sub3A_344, %sub3A_275 : vector<16xf32>
          %sub3A_346 = arith.constant 1.000000e+00 : f32
          %sub3A_347 = vector.broadcast %sub3A_346 : f32 to vector<16xf32>
          %sub3A_348 = arith.subf %sub3A_347, %sub3A_291 : vector<16xf32>
          %mul3A_349 = arith.mulf %sub3A_345, %sub3A_348 : vector<16xf32>
          %mul3A_350 = arith.mulf %mul3A_349, %select_n3A_337 : vector<16xf32>
          %mul3A_351 = arith.mulf %sub3A_345, %sub3A_291 : vector<16xf32>
          %mul3A_352 = arith.mulf %mul3A_351, %select_n3A_337 : vector<16xf32>
          %mul3A_353 = arith.mulf %sub3A_275, %sub3A_348 : vector<16xf32>
          %mul3A_354 = arith.mulf %mul3A_353, %select_n3A_342 : vector<16xf32>
          %mul3A_355 = arith.mulf %sub3A_275, %sub3A_291 : vector<16xf32>
          %mul3A_356 = arith.mulf %mul3A_355, %select_n3A_342 : vector<16xf32>
          %sub3A_357 = vector.broadcast %mul3A_14 : i32 to vector<16xi32>
          %sub3A_358 = arith.subi %min3A_297, %sub3A_357 : vector<16xi32>
          %jit3A_359 = arith.constant 0 : i32
          %jit3A_360 = arith.constant 351 : i32
          %max3A_361 = vector.broadcast %jit3A_359 : i32 to vector<16xi32>
          %max3A_362 = arith.maxsi %max3A_361, %sub3A_358 : vector<16xi32>
          %min3A_363 = vector.broadcast %jit3A_360 : i32 to vector<16xi32>
          %min3A_364 = arith.minsi %min3A_363, %max3A_362 : vector<16xi32>
          %sub3A_365 = vector.broadcast %mul3A_14 : i32 to vector<16xi32>
          %sub3A_366 = arith.subi %min3A_306, %sub3A_365 : vector<16xi32>
          %jit3A_367 = arith.constant 0 : i32
          %jit3A_368 = arith.constant 351 : i32
          %max3A_369 = vector.broadcast %jit3A_367 : i32 to vector<16xi32>
          %max3A_370 = arith.maxsi %max3A_369, %sub3A_366 : vector<16xi32>
          %min3A_371 = vector.broadcast %jit3A_368 : i32 to vector<16xi32>
          %min3A_372 = arith.minsi %min3A_371, %max3A_370 : vector<16xi32>
          %shift_left3A_373 = arith.constant 12 : i32
          %shift_left3A_374 = vector.broadcast %shift_left3A_373 : i32 to vector<16xi32>
          %shift_left3A_375 = arith.shli %min3A_364, %shift_left3A_374 : vector<16xi32>
          %shift_left3A_376 = arith.constant 12 : i32
          %shift_left3A_377 = vector.broadcast %shift_left3A_376 : i32 to vector<16xi32>
          %shift_left3A_378 = arith.shli %min3A_372, %shift_left3A_377 : vector<16xi32>
          %add3A_379 = arith.addi %shift_left3A_375, %min3A_312 : vector<16xi32>
          %add3A_380 = arith.addi %shift_left3A_375, %min3A_321 : vector<16xi32>
          %add3A_381 = arith.addi %shift_left3A_378, %min3A_312 : vector<16xi32>
          %add3A_382 = arith.addi %shift_left3A_378, %min3A_321 : vector<16xi32>
          %jit3A_383 = arith.constant 1 : i32
          %jit3A_384 = arith.constant 0 : i32
          %broadcast_in_dim3A_385 = vector.broadcast %jit3A_383 : i32 to vector<16xi32>
          %broadcast_in_dim3A_386 = vector.broadcast %jit3A_384 : i32 to vector<16xi32>
          %select_n3A_387 = arith.select %or3A_332, %broadcast_in_dim3A_385, %broadcast_in_dim3A_386 : vector<16xi1>, vector<16xi32>
          %broadcast_in_dim3A_388 = arith.constant true
          %broadcast_in_dim3A_389 = vector.broadcast %broadcast_in_dim3A_388 : i1 to vector<16xi1>
          %masked_cumsum3A_390 = tpu.scan <sum>, %select_n3A_387 masked %broadcast_in_dim3A_389 : vector<16xi32>, vector<16xi1> -> vector<16xi32>
          %sub3A_391 = arith.constant 1 : i32
          %sub3A_392 = vector.broadcast %sub3A_391 : i32 to vector<16xi32>
          %sub3A_393 = arith.subi %masked_cumsum3A_390, %sub3A_392 : vector<16xi32>
          %mul3A_394 = arith.constant 4 : i32
          %mul3A_395 = vector.broadcast %mul3A_394 : i32 to vector<16xi32>
          %mul3A_396 = arith.muli %sub3A_393, %mul3A_395 : vector<16xi32>
          %add3A_397 = vector.broadcast %add3A_250 : i32 to vector<16xi32>
          %add3A_398 = arith.addi %add3A_397, %mul3A_396 : vector<16xi32>
          %add3A_399 = arith.constant 0 : i32
          %add3A_400 = vector.broadcast %add3A_399 : i32 to vector<16xi32>
          %add3A_401 = arith.addi %add3A_398, %add3A_400 : vector<16xi32>
          %and3A_402 = arith.constant 8191 : i32
          %and3A_403 = vector.broadcast %and3A_402 : i32 to vector<16xi32>
          %and3A_404 = arith.andi %add3A_401, %and3A_403 : vector<16xi32>
          %mul3A_405 = arith.mulf %mul3A_257, %mul3A_350 : vector<16xf32>
          tpu.vector_store_idx %arg23[%and3A_404], %mul3A_405 masked %or3A_332 : memref<8192xf32, #tpu.memory_space<vmem>>[vector<16xi32>], vector<16xf32>, vector<16xi1>
          tpu.vector_store_idx %arg24[%and3A_404], %add3A_379 masked %or3A_332 : memref<8192xi32, #tpu.memory_space<vmem>>[vector<16xi32>], vector<16xi32>, vector<16xi1>
          %add3A_406 = arith.constant 1 : i32
          %add3A_407 = vector.broadcast %add3A_406 : i32 to vector<16xi32>
          %add3A_408 = arith.addi %add3A_398, %add3A_407 : vector<16xi32>
          %and3A_409 = arith.constant 8191 : i32
          %and3A_410 = vector.broadcast %and3A_409 : i32 to vector<16xi32>
          %and3A_411 = arith.andi %add3A_408, %and3A_410 : vector<16xi32>
          %mul3A_412 = arith.mulf %mul3A_257, %mul3A_352 : vector<16xf32>
          tpu.vector_store_idx %arg23[%and3A_411], %mul3A_412 masked %or3A_332 : memref<8192xf32, #tpu.memory_space<vmem>>[vector<16xi32>], vector<16xf32>, vector<16xi1>
          tpu.vector_store_idx %arg24[%and3A_411], %add3A_380 masked %or3A_332 : memref<8192xi32, #tpu.memory_space<vmem>>[vector<16xi32>], vector<16xi32>, vector<16xi1>
          %add3A_413 = arith.constant 2 : i32
          %add3A_414 = vector.broadcast %add3A_413 : i32 to vector<16xi32>
          %add3A_415 = arith.addi %add3A_398, %add3A_414 : vector<16xi32>
          %and3A_416 = arith.constant 8191 : i32
          %and3A_417 = vector.broadcast %and3A_416 : i32 to vector<16xi32>
          %and3A_418 = arith.andi %add3A_415, %and3A_417 : vector<16xi32>
          %mul3A_419 = arith.mulf %mul3A_257, %mul3A_354 : vector<16xf32>
          tpu.vector_store_idx %arg23[%and3A_418], %mul3A_419 masked %or3A_332 : memref<8192xf32, #tpu.memory_space<vmem>>[vector<16xi32>], vector<16xf32>, vector<16xi1>
          tpu.vector_store_idx %arg24[%and3A_418], %add3A_381 masked %or3A_332 : memref<8192xi32, #tpu.memory_space<vmem>>[vector<16xi32>], vector<16xi32>, vector<16xi1>
          %add3A_420 = arith.constant 3 : i32
          %add3A_421 = vector.broadcast %add3A_420 : i32 to vector<16xi32>
          %add3A_422 = arith.addi %add3A_398, %add3A_421 : vector<16xi32>
          %and3A_423 = arith.constant 8191 : i32
          %and3A_424 = vector.broadcast %and3A_423 : i32 to vector<16xi32>
          %and3A_425 = arith.andi %add3A_422, %and3A_424 : vector<16xi32>
          %mul3A_426 = arith.mulf %mul3A_257, %mul3A_356 : vector<16xf32>
          tpu.vector_store_idx %arg23[%and3A_425], %mul3A_426 masked %or3A_332 : memref<8192xf32, #tpu.memory_space<vmem>>[vector<16xi32>], vector<16xf32>, vector<16xi1>
          tpu.vector_store_idx %arg24[%and3A_425], %add3A_382 masked %or3A_332 : memref<8192xi32, #tpu.memory_space<vmem>>[vector<16xi32>], vector<16xi32>, vector<16xi1>
          %reduce_sum3A_427 = arith.constant true
          %reduce_sum3A_428 = vector.broadcast %reduce_sum3A_427 : i1 to vector<16xi1>
          %reduce_sum3A_429 = tpu.scan <sum>, %select_n3A_387 masked %reduce_sum3A_428 : vector<16xi32>, vector<16xi1> -> vector<16xi32>
          %reduce_sum3A_430 = vector.extract %reduce_sum3A_429[15] : i32 from vector<16xi32>
          %mul3A_431 = arith.constant 4 : i32
          %mul3A_432 = arith.muli %mul3A_431, %reduce_sum3A_430 : i32
          %add3A_433 = arith.addi %add3A_250, %mul3A_432 : i32
          %add3A_434 = arith.constant 2 : i32
          %add3A_435 = vector.broadcast %add3A_434 : i32 to vector<16xi32>
          %add3A_436 = arith.addi %mul3A_77, %add3A_435 : vector<16xi32>
          %gather3A_437 = tpu.vector_load_idx %arg13[%add3A_436] : memref<576xf32, #tpu.memory_space<vmem>>[vector<16xi32>], vector<16xf32>,
          %gather3A_438 = tpu.vector_load_idx %arg14[%add3A_436] : memref<576xf32, #tpu.memory_space<vmem>>[vector<16xi32>], vector<16xf32>,
          %gather3A_439 = tpu.vector_load_idx %arg15[%add3A_436] : memref<576xf32, #tpu.memory_space<vmem>>[vector<16xi32>], vector<16xf32>,
          %mul3A_440 = arith.mulf %select_n3A, %gather3A_437 : vector<16xf32>
          %add3A_441 = arith.addf %get3A_68, %gather3A_438 : vector<16xf32>
          %add3A_442 = arith.addf %get3A_70, %gather3A_439 : vector<16xf32>
          %convert_element_type3A_443 = arith.fptosi %add3A_441 : vector<16xf32> to vector<16xi32>
          %convert_element_type3A_444 = arith.sitofp %convert_element_type3A_443 : vector<16xi32> to vector<16xf32>
          %gt3A_445 = arith.cmpf ogt, %convert_element_type3A_444, %add3A_441 : vector<16xf32>
          %jit3A_446 = arith.constant 1 : i32
          %jit3A_447 = arith.constant 0 : i32
          %broadcast_in_dim3A_448 = vector.broadcast %jit3A_446 : i32 to vector<16xi32>
          %broadcast_in_dim3A_449 = vector.broadcast %jit3A_447 : i32 to vector<16xi32>
          %select_n3A_450 = arith.select %gt3A_445, %broadcast_in_dim3A_448, %broadcast_in_dim3A_449 : vector<16xi1>, vector<16xi32>
          %sub3A_451 = arith.subi %convert_element_type3A_443, %select_n3A_450 : vector<16xi32>
          %jit3A_452 = arith.constant 1.000000e+00 : f32
          %jit3A_453 = arith.constant 0.000000e+00 : f32
          %broadcast_in_dim3A_454 = vector.broadcast %jit3A_452 : f32 to vector<16xf32>
          %broadcast_in_dim3A_455 = vector.broadcast %jit3A_453 : f32 to vector<16xf32>
          %select_n3A_456 = arith.select %gt3A_445, %broadcast_in_dim3A_454, %broadcast_in_dim3A_455 : vector<16xi1>, vector<16xf32>
          %sub3A_457 = arith.subf %convert_element_type3A_444, %select_n3A_456 : vector<16xf32>
          %sub3A_458 = arith.subf %add3A_441, %sub3A_457 : vector<16xf32>
          %convert_element_type3A_459 = arith.fptosi %add3A_442 : vector<16xf32> to vector<16xi32>
          %convert_element_type3A_460 = arith.sitofp %convert_element_type3A_459 : vector<16xi32> to vector<16xf32>
          %gt3A_461 = arith.cmpf ogt, %convert_element_type3A_460, %add3A_442 : vector<16xf32>
          %jit3A_462 = arith.constant 1 : i32
          %jit3A_463 = arith.constant 0 : i32
          %broadcast_in_dim3A_464 = vector.broadcast %jit3A_462 : i32 to vector<16xi32>
          %broadcast_in_dim3A_465 = vector.broadcast %jit3A_463 : i32 to vector<16xi32>
          %select_n3A_466 = arith.select %gt3A_461, %broadcast_in_dim3A_464, %broadcast_in_dim3A_465 : vector<16xi1>, vector<16xi32>
          %sub3A_467 = arith.subi %convert_element_type3A_459, %select_n3A_466 : vector<16xi32>
          %jit3A_468 = arith.constant 1.000000e+00 : f32
          %jit3A_469 = arith.constant 0.000000e+00 : f32
          %broadcast_in_dim3A_470 = vector.broadcast %jit3A_468 : f32 to vector<16xf32>
          %broadcast_in_dim3A_471 = vector.broadcast %jit3A_469 : f32 to vector<16xf32>
          %select_n3A_472 = arith.select %gt3A_461, %broadcast_in_dim3A_470, %broadcast_in_dim3A_471 : vector<16xi1>, vector<16xf32>
          %sub3A_473 = arith.subf %convert_element_type3A_460, %select_n3A_472 : vector<16xf32>
          %sub3A_474 = arith.subf %add3A_442, %sub3A_473 : vector<16xf32>
          %jit3A_475 = arith.constant 0 : i32
          %jit3A_476 = arith.constant 1023 : i32
          %max3A_477 = vector.broadcast %jit3A_475 : i32 to vector<16xi32>
          %max3A_478 = arith.maxsi %max3A_477, %sub3A_451 : vector<16xi32>
          %min3A_479 = vector.broadcast %jit3A_476 : i32 to vector<16xi32>
          %min3A_480 = arith.minsi %min3A_479, %max3A_478 : vector<16xi32>
          %add3A_481 = arith.constant 1 : i32
          %add3A_482 = vector.broadcast %add3A_481 : i32 to vector<16xi32>
          %add3A_483 = arith.addi %sub3A_451, %add3A_482 : vector<16xi32>
          %jit3A_484 = arith.constant 0 : i32
          %jit3A_485 = arith.constant 1023 : i32
          %max3A_486 = vector.broadcast %jit3A_484 : i32 to vector<16xi32>
          %max3A_487 = arith.maxsi %max3A_486, %add3A_483 : vector<16xi32>
          %min3A_488 = vector.broadcast %jit3A_485 : i32 to vector<16xi32>
          %min3A_489 = arith.minsi %min3A_488, %max3A_487 : vector<16xi32>
          %jit3A_490 = arith.constant 0 : i32
          %jit3A_491 = arith.constant 4095 : i32
          %max3A_492 = vector.broadcast %jit3A_490 : i32 to vector<16xi32>
          %max3A_493 = arith.maxsi %max3A_492, %sub3A_467 : vector<16xi32>
          %min3A_494 = vector.broadcast %jit3A_491 : i32 to vector<16xi32>
          %min3A_495 = arith.minsi %min3A_494, %max3A_493 : vector<16xi32>
          %add3A_496 = arith.constant 1 : i32
          %add3A_497 = vector.broadcast %add3A_496 : i32 to vector<16xi32>
          %add3A_498 = arith.addi %sub3A_467, %add3A_497 : vector<16xi32>
          %jit3A_499 = arith.constant 0 : i32
          %jit3A_500 = arith.constant 4095 : i32
          %max3A_501 = vector.broadcast %jit3A_499 : i32 to vector<16xi32>
          %max3A_502 = arith.maxsi %max3A_501, %add3A_498 : vector<16xi32>
          %min3A_503 = vector.broadcast %jit3A_500 : i32 to vector<16xi32>
          %min3A_504 = arith.minsi %min3A_503, %max3A_502 : vector<16xi32>
          %ge3A_505 = vector.broadcast %mul3A_14 : i32 to vector<16xi32>
          %ge3A_506 = arith.cmpi sge, %min3A_480, %ge3A_505 : vector<16xi32>
          %lt3A_507 = vector.broadcast %add3A_22 : i32 to vector<16xi32>
          %lt3A_508 = arith.cmpi slt, %min3A_480, %lt3A_507 : vector<16xi32>
          %and3A_509 = arith.andi %ge3A_506, %lt3A_508 : vector<16xi1>
          %ge3A_510 = vector.broadcast %mul3A_14 : i32 to vector<16xi32>
          %ge3A_511 = arith.cmpi sge, %min3A_489, %ge3A_510 : vector<16xi32>
          %lt3A_512 = vector.broadcast %add3A_22 : i32 to vector<16xi32>
          %lt3A_513 = arith.cmpi slt, %min3A_489, %lt3A_512 : vector<16xi32>
          %and3A_514 = arith.andi %ge3A_511, %lt3A_513 : vector<16xi1>
          %or3A_515 = arith.ori %and3A_509, %and3A_514 : vector<16xi1>
          %jit3A_516 = arith.constant 1.000000e+00 : f32
          %jit3A_517 = arith.constant 0.000000e+00 : f32
          %broadcast_in_dim3A_518 = vector.broadcast %jit3A_516 : f32 to vector<16xf32>
          %broadcast_in_dim3A_519 = vector.broadcast %jit3A_517 : f32 to vector<16xf32>
          %select_n3A_520 = arith.select %and3A_509, %broadcast_in_dim3A_518, %broadcast_in_dim3A_519 : vector<16xi1>, vector<16xf32>
          %jit3A_521 = arith.constant 1.000000e+00 : f32
          %jit3A_522 = arith.constant 0.000000e+00 : f32
          %broadcast_in_dim3A_523 = vector.broadcast %jit3A_521 : f32 to vector<16xf32>
          %broadcast_in_dim3A_524 = vector.broadcast %jit3A_522 : f32 to vector<16xf32>
          %select_n3A_525 = arith.select %and3A_514, %broadcast_in_dim3A_523, %broadcast_in_dim3A_524 : vector<16xi1>, vector<16xf32>
          %sub3A_526 = arith.constant 1.000000e+00 : f32
          %sub3A_527 = vector.broadcast %sub3A_526 : f32 to vector<16xf32>
          %sub3A_528 = arith.subf %sub3A_527, %sub3A_458 : vector<16xf32>
          %sub3A_529 = arith.constant 1.000000e+00 : f32
          %sub3A_530 = vector.broadcast %sub3A_529 : f32 to vector<16xf32>
          %sub3A_531 = arith.subf %sub3A_530, %sub3A_474 : vector<16xf32>
          %mul3A_532 = arith.mulf %sub3A_528, %sub3A_531 : vector<16xf32>
          %mul3A_533 = arith.mulf %mul3A_532, %select_n3A_520 : vector<16xf32>
          %mul3A_534 = arith.mulf %sub3A_528, %sub3A_474 : vector<16xf32>
          %mul3A_535 = arith.mulf %mul3A_534, %select_n3A_520 : vector<16xf32>
          %mul3A_536 = arith.mulf %sub3A_458, %sub3A_531 : vector<16xf32>
          %mul3A_537 = arith.mulf %mul3A_536, %select_n3A_525 : vector<16xf32>
          %mul3A_538 = arith.mulf %sub3A_458, %sub3A_474 : vector<16xf32>
          %mul3A_539 = arith.mulf %mul3A_538, %select_n3A_525 : vector<16xf32>
          %sub3A_540 = vector.broadcast %mul3A_14 : i32 to vector<16xi32>
          %sub3A_541 = arith.subi %min3A_480, %sub3A_540 : vector<16xi32>
          %jit3A_542 = arith.constant 0 : i32
          %jit3A_543 = arith.constant 351 : i32
          %max3A_544 = vector.broadcast %jit3A_542 : i32 to vector<16xi32>
          %max3A_545 = arith.maxsi %max3A_544, %sub3A_541 : vector<16xi32>
          %min3A_546 = vector.broadcast %jit3A_543 : i32 to vector<16xi32>
          %min3A_547 = arith.minsi %min3A_546, %max3A_545 : vector<16xi32>
          %sub3A_548 = vector.broadcast %mul3A_14 : i32 to vector<16xi32>
          %sub3A_549 = arith.subi %min3A_489, %sub3A_548 : vector<16xi32>
          %jit3A_550 = arith.constant 0 : i32
          %jit3A_551 = arith.constant 351 : i32
          %max3A_552 = vector.broadcast %jit3A_550 : i32 to vector<16xi32>
          %max3A_553 = arith.maxsi %max3A_552, %sub3A_549 : vector<16xi32>
          %min3A_554 = vector.broadcast %jit3A_551 : i32 to vector<16xi32>
          %min3A_555 = arith.minsi %min3A_554, %max3A_553 : vector<16xi32>
          %shift_left3A_556 = arith.constant 12 : i32
          %shift_left3A_557 = vector.broadcast %shift_left3A_556 : i32 to vector<16xi32>
          %shift_left3A_558 = arith.shli %min3A_547, %shift_left3A_557 : vector<16xi32>
          %shift_left3A_559 = arith.constant 12 : i32
          %shift_left3A_560 = vector.broadcast %shift_left3A_559 : i32 to vector<16xi32>
          %shift_left3A_561 = arith.shli %min3A_555, %shift_left3A_560 : vector<16xi32>
          %add3A_562 = arith.addi %shift_left3A_558, %min3A_495 : vector<16xi32>
          %add3A_563 = arith.addi %shift_left3A_558, %min3A_504 : vector<16xi32>
          %add3A_564 = arith.addi %shift_left3A_561, %min3A_495 : vector<16xi32>
          %add3A_565 = arith.addi %shift_left3A_561, %min3A_504 : vector<16xi32>
          %jit3A_566 = arith.constant 1 : i32
          %jit3A_567 = arith.constant 0 : i32
          %broadcast_in_dim3A_568 = vector.broadcast %jit3A_566 : i32 to vector<16xi32>
          %broadcast_in_dim3A_569 = vector.broadcast %jit3A_567 : i32 to vector<16xi32>
          %select_n3A_570 = arith.select %or3A_515, %broadcast_in_dim3A_568, %broadcast_in_dim3A_569 : vector<16xi1>, vector<16xi32>
          %broadcast_in_dim3A_571 = arith.constant true
          %broadcast_in_dim3A_572 = vector.broadcast %broadcast_in_dim3A_571 : i1 to vector<16xi1>
          %masked_cumsum3A_573 = tpu.scan <sum>, %select_n3A_570 masked %broadcast_in_dim3A_572 : vector<16xi32>, vector<16xi1> -> vector<16xi32>
          %sub3A_574 = arith.constant 1 : i32
          %sub3A_575 = vector.broadcast %sub3A_574 : i32 to vector<16xi32>
          %sub3A_576 = arith.subi %masked_cumsum3A_573, %sub3A_575 : vector<16xi32>
          %mul3A_577 = arith.constant 4 : i32
          %mul3A_578 = vector.broadcast %mul3A_577 : i32 to vector<16xi32>
          %mul3A_579 = arith.muli %sub3A_576, %mul3A_578 : vector<16xi32>
          %add3A_580 = vector.broadcast %add3A_433 : i32 to vector<16xi32>
          %add3A_581 = arith.addi %add3A_580, %mul3A_579 : vector<16xi32>
          %add3A_582 = arith.constant 0 : i32
          %add3A_583 = vector.broadcast %add3A_582 : i32 to vector<16xi32>
          %add3A_584 = arith.addi %add3A_581, %add3A_583 : vector<16xi32>
          %and3A_585 = arith.constant 8191 : i32
          %and3A_586 = vector.broadcast %and3A_585 : i32 to vector<16xi32>
          %and3A_587 = arith.andi %add3A_584, %and3A_586 : vector<16xi32>
          %mul3A_588 = arith.mulf %mul3A_440, %mul3A_533 : vector<16xf32>
          tpu.vector_store_idx %arg23[%and3A_587], %mul3A_588 masked %or3A_515 : memref<8192xf32, #tpu.memory_space<vmem>>[vector<16xi32>], vector<16xf32>, vector<16xi1>
          tpu.vector_store_idx %arg24[%and3A_587], %add3A_562 masked %or3A_515 : memref<8192xi32, #tpu.memory_space<vmem>>[vector<16xi32>], vector<16xi32>, vector<16xi1>
          %add3A_589 = arith.constant 1 : i32
          %add3A_590 = vector.broadcast %add3A_589 : i32 to vector<16xi32>
          %add3A_591 = arith.addi %add3A_581, %add3A_590 : vector<16xi32>
          %and3A_592 = arith.constant 8191 : i32
          %and3A_593 = vector.broadcast %and3A_592 : i32 to vector<16xi32>
          %and3A_594 = arith.andi %add3A_591, %and3A_593 : vector<16xi32>
          %mul3A_595 = arith.mulf %mul3A_440, %mul3A_535 : vector<16xf32>
          tpu.vector_store_idx %arg23[%and3A_594], %mul3A_595 masked %or3A_515 : memref<8192xf32, #tpu.memory_space<vmem>>[vector<16xi32>], vector<16xf32>, vector<16xi1>
          tpu.vector_store_idx %arg24[%and3A_594], %add3A_563 masked %or3A_515 : memref<8192xi32, #tpu.memory_space<vmem>>[vector<16xi32>], vector<16xi32>, vector<16xi1>
          %add3A_596 = arith.constant 2 : i32
          %add3A_597 = vector.broadcast %add3A_596 : i32 to vector<16xi32>
          %add3A_598 = arith.addi %add3A_581, %add3A_597 : vector<16xi32>
          %and3A_599 = arith.constant 8191 : i32
          %and3A_600 = vector.broadcast %and3A_599 : i32 to vector<16xi32>
          %and3A_601 = arith.andi %add3A_598, %and3A_600 : vector<16xi32>
          %mul3A_602 = arith.mulf %mul3A_440, %mul3A_537 : vector<16xf32>
          tpu.vector_store_idx %arg23[%and3A_601], %mul3A_602 masked %or3A_515 : memref<8192xf32, #tpu.memory_space<vmem>>[vector<16xi32>], vector<16xf32>, vector<16xi1>
          tpu.vector_store_idx %arg24[%and3A_601], %add3A_564 masked %or3A_515 : memref<8192xi32, #tpu.memory_space<vmem>>[vector<16xi32>], vector<16xi32>, vector<16xi1>
          %add3A_603 = arith.constant 3 : i32
          %add3A_604 = vector.broadcast %add3A_603 : i32 to vector<16xi32>
          %add3A_605 = arith.addi %add3A_581, %add3A_604 : vector<16xi32>
          %and3A_606 = arith.constant 8191 : i32
          %and3A_607 = vector.broadcast %and3A_606 : i32 to vector<16xi32>
          %and3A_608 = arith.andi %add3A_605, %and3A_607 : vector<16xi32>
          %mul3A_609 = arith.mulf %mul3A_440, %mul3A_539 : vector<16xf32>
          tpu.vector_store_idx %arg23[%and3A_608], %mul3A_609 masked %or3A_515 : memref<8192xf32, #tpu.memory_space<vmem>>[vector<16xi32>], vector<16xf32>, vector<16xi1>
          tpu.vector_store_idx %arg24[%and3A_608], %add3A_565 masked %or3A_515 : memref<8192xi32, #tpu.memory_space<vmem>>[vector<16xi32>], vector<16xi32>, vector<16xi1>
          %reduce_sum3A_610 = arith.constant true
          %reduce_sum3A_611 = vector.broadcast %reduce_sum3A_610 : i1 to vector<16xi1>
          %reduce_sum3A_612 = tpu.scan <sum>, %select_n3A_570 masked %reduce_sum3A_611 : vector<16xi32>, vector<16xi1> -> vector<16xi32>
          %reduce_sum3A_613 = vector.extract %reduce_sum3A_612[15] : i32 from vector<16xi32>
          %mul3A_614 = arith.constant 4 : i32
          %mul3A_615 = arith.muli %mul3A_614, %reduce_sum3A_613 : i32
          %add3A_616 = arith.addi %add3A_433, %mul3A_615 : i32
          %add3A_617 = arith.constant 3 : i32
          %add3A_618 = vector.broadcast %add3A_617 : i32 to vector<16xi32>
          %add3A_619 = arith.addi %mul3A_77, %add3A_618 : vector<16xi32>
          %gather3A_620 = tpu.vector_load_idx %arg13[%add3A_619] : memref<576xf32, #tpu.memory_space<vmem>>[vector<16xi32>], vector<16xf32>,
          %gather3A_621 = tpu.vector_load_idx %arg14[%add3A_619] : memref<576xf32, #tpu.memory_space<vmem>>[vector<16xi32>], vector<16xf32>,
          %gather3A_622 = tpu.vector_load_idx %arg15[%add3A_619] : memref<576xf32, #tpu.memory_space<vmem>>[vector<16xi32>], vector<16xf32>,
          %mul3A_623 = arith.mulf %select_n3A, %gather3A_620 : vector<16xf32>
          %add3A_624 = arith.addf %get3A_68, %gather3A_621 : vector<16xf32>
          %add3A_625 = arith.addf %get3A_70, %gather3A_622 : vector<16xf32>
          %convert_element_type3A_626 = arith.fptosi %add3A_624 : vector<16xf32> to vector<16xi32>
          %convert_element_type3A_627 = arith.sitofp %convert_element_type3A_626 : vector<16xi32> to vector<16xf32>
          %gt3A_628 = arith.cmpf ogt, %convert_element_type3A_627, %add3A_624 : vector<16xf32>
          %jit3A_629 = arith.constant 1 : i32
          %jit3A_630 = arith.constant 0 : i32
          %broadcast_in_dim3A_631 = vector.broadcast %jit3A_629 : i32 to vector<16xi32>
          %broadcast_in_dim3A_632 = vector.broadcast %jit3A_630 : i32 to vector<16xi32>
          %select_n3A_633 = arith.select %gt3A_628, %broadcast_in_dim3A_631, %broadcast_in_dim3A_632 : vector<16xi1>, vector<16xi32>
          %sub3A_634 = arith.subi %convert_element_type3A_626, %select_n3A_633 : vector<16xi32>
          %jit3A_635 = arith.constant 1.000000e+00 : f32
          %jit3A_636 = arith.constant 0.000000e+00 : f32
          %broadcast_in_dim3A_637 = vector.broadcast %jit3A_635 : f32 to vector<16xf32>
          %broadcast_in_dim3A_638 = vector.broadcast %jit3A_636 : f32 to vector<16xf32>
          %select_n3A_639 = arith.select %gt3A_628, %broadcast_in_dim3A_637, %broadcast_in_dim3A_638 : vector<16xi1>, vector<16xf32>
          %sub3A_640 = arith.subf %convert_element_type3A_627, %select_n3A_639 : vector<16xf32>
          %sub3A_641 = arith.subf %add3A_624, %sub3A_640 : vector<16xf32>
          %convert_element_type3A_642 = arith.fptosi %add3A_625 : vector<16xf32> to vector<16xi32>
          %convert_element_type3A_643 = arith.sitofp %convert_element_type3A_642 : vector<16xi32> to vector<16xf32>
          %gt3A_644 = arith.cmpf ogt, %convert_element_type3A_643, %add3A_625 : vector<16xf32>
          %jit3A_645 = arith.constant 1 : i32
          %jit3A_646 = arith.constant 0 : i32
          %broadcast_in_dim3A_647 = vector.broadcast %jit3A_645 : i32 to vector<16xi32>
          %broadcast_in_dim3A_648 = vector.broadcast %jit3A_646 : i32 to vector<16xi32>
          %select_n3A_649 = arith.select %gt3A_644, %broadcast_in_dim3A_647, %broadcast_in_dim3A_648 : vector<16xi1>, vector<16xi32>
          %sub3A_650 = arith.subi %convert_element_type3A_642, %select_n3A_649 : vector<16xi32>
          %jit3A_651 = arith.constant 1.000000e+00 : f32
          %jit3A_652 = arith.constant 0.000000e+00 : f32
          %broadcast_in_dim3A_653 = vector.broadcast %jit3A_651 : f32 to vector<16xf32>
          %broadcast_in_dim3A_654 = vector.broadcast %jit3A_652 : f32 to vector<16xf32>
          %select_n3A_655 = arith.select %gt3A_644, %broadcast_in_dim3A_653, %broadcast_in_dim3A_654 : vector<16xi1>, vector<16xf32>
          %sub3A_656 = arith.subf %convert_element_type3A_643, %select_n3A_655 : vector<16xf32>
          %sub3A_657 = arith.subf %add3A_625, %sub3A_656 : vector<16xf32>
          %jit3A_658 = arith.constant 0 : i32
          %jit3A_659 = arith.constant 1023 : i32
          %max3A_660 = vector.broadcast %jit3A_658 : i32 to vector<16xi32>
          %max3A_661 = arith.maxsi %max3A_660, %sub3A_634 : vector<16xi32>
          %min3A_662 = vector.broadcast %jit3A_659 : i32 to vector<16xi32>
          %min3A_663 = arith.minsi %min3A_662, %max3A_661 : vector<16xi32>
          %add3A_664 = arith.constant 1 : i32
          %add3A_665 = vector.broadcast %add3A_664 : i32 to vector<16xi32>
          %add3A_666 = arith.addi %sub3A_634, %add3A_665 : vector<16xi32>
          %jit3A_667 = arith.constant 0 : i32
          %jit3A_668 = arith.constant 1023 : i32
          %max3A_669 = vector.broadcast %jit3A_667 : i32 to vector<16xi32>
          %max3A_670 = arith.maxsi %max3A_669, %add3A_666 : vector<16xi32>
          %min3A_671 = vector.broadcast %jit3A_668 : i32 to vector<16xi32>
          %min3A_672 = arith.minsi %min3A_671, %max3A_670 : vector<16xi32>
          %jit3A_673 = arith.constant 0 : i32
          %jit3A_674 = arith.constant 4095 : i32
          %max3A_675 = vector.broadcast %jit3A_673 : i32 to vector<16xi32>
          %max3A_676 = arith.maxsi %max3A_675, %sub3A_650 : vector<16xi32>
          %min3A_677 = vector.broadcast %jit3A_674 : i32 to vector<16xi32>
          %min3A_678 = arith.minsi %min3A_677, %max3A_676 : vector<16xi32>
          %add3A_679 = arith.constant 1 : i32
          %add3A_680 = vector.broadcast %add3A_679 : i32 to vector<16xi32>
          %add3A_681 = arith.addi %sub3A_650, %add3A_680 : vector<16xi32>
          %jit3A_682 = arith.constant 0 : i32
          %jit3A_683 = arith.constant 4095 : i32
          %max3A_684 = vector.broadcast %jit3A_682 : i32 to vector<16xi32>
          %max3A_685 = arith.maxsi %max3A_684, %add3A_681 : vector<16xi32>
          %min3A_686 = vector.broadcast %jit3A_683 : i32 to vector<16xi32>
          %min3A_687 = arith.minsi %min3A_686, %max3A_685 : vector<16xi32>
          %ge3A_688 = vector.broadcast %mul3A_14 : i32 to vector<16xi32>
          %ge3A_689 = arith.cmpi sge, %min3A_663, %ge3A_688 : vector<16xi32>
          %lt3A_690 = vector.broadcast %add3A_22 : i32 to vector<16xi32>
          %lt3A_691 = arith.cmpi slt, %min3A_663, %lt3A_690 : vector<16xi32>
          %and3A_692 = arith.andi %ge3A_689, %lt3A_691 : vector<16xi1>
          %ge3A_693 = vector.broadcast %mul3A_14 : i32 to vector<16xi32>
          %ge3A_694 = arith.cmpi sge, %min3A_672, %ge3A_693 : vector<16xi32>
          %lt3A_695 = vector.broadcast %add3A_22 : i32 to vector<16xi32>
          %lt3A_696 = arith.cmpi slt, %min3A_672, %lt3A_695 : vector<16xi32>
          %and3A_697 = arith.andi %ge3A_694, %lt3A_696 : vector<16xi1>
          %or3A_698 = arith.ori %and3A_692, %and3A_697 : vector<16xi1>
          %jit3A_699 = arith.constant 1.000000e+00 : f32
          %jit3A_700 = arith.constant 0.000000e+00 : f32
          %broadcast_in_dim3A_701 = vector.broadcast %jit3A_699 : f32 to vector<16xf32>
          %broadcast_in_dim3A_702 = vector.broadcast %jit3A_700 : f32 to vector<16xf32>
          %select_n3A_703 = arith.select %and3A_692, %broadcast_in_dim3A_701, %broadcast_in_dim3A_702 : vector<16xi1>, vector<16xf32>
          %jit3A_704 = arith.constant 1.000000e+00 : f32
          %jit3A_705 = arith.constant 0.000000e+00 : f32
          %broadcast_in_dim3A_706 = vector.broadcast %jit3A_704 : f32 to vector<16xf32>
          %broadcast_in_dim3A_707 = vector.broadcast %jit3A_705 : f32 to vector<16xf32>
          %select_n3A_708 = arith.select %and3A_697, %broadcast_in_dim3A_706, %broadcast_in_dim3A_707 : vector<16xi1>, vector<16xf32>
          %sub3A_709 = arith.constant 1.000000e+00 : f32
          %sub3A_710 = vector.broadcast %sub3A_709 : f32 to vector<16xf32>
          %sub3A_711 = arith.subf %sub3A_710, %sub3A_641 : vector<16xf32>
          %sub3A_712 = arith.constant 1.000000e+00 : f32
          %sub3A_713 = vector.broadcast %sub3A_712 : f32 to vector<16xf32>
          %sub3A_714 = arith.subf %sub3A_713, %sub3A_657 : vector<16xf32>
          %mul3A_715 = arith.mulf %sub3A_711, %sub3A_714 : vector<16xf32>
          %mul3A_716 = arith.mulf %mul3A_715, %select_n3A_703 : vector<16xf32>
          %mul3A_717 = arith.mulf %sub3A_711, %sub3A_657 : vector<16xf32>
          %mul3A_718 = arith.mulf %mul3A_717, %select_n3A_703 : vector<16xf32>
          %mul3A_719 = arith.mulf %sub3A_641, %sub3A_714 : vector<16xf32>
          %mul3A_720 = arith.mulf %mul3A_719, %select_n3A_708 : vector<16xf32>
          %mul3A_721 = arith.mulf %sub3A_641, %sub3A_657 : vector<16xf32>
          %mul3A_722 = arith.mulf %mul3A_721, %select_n3A_708 : vector<16xf32>
          %sub3A_723 = vector.broadcast %mul3A_14 : i32 to vector<16xi32>
          %sub3A_724 = arith.subi %min3A_663, %sub3A_723 : vector<16xi32>
          %jit3A_725 = arith.constant 0 : i32
          %jit3A_726 = arith.constant 351 : i32
          %max3A_727 = vector.broadcast %jit3A_725 : i32 to vector<16xi32>
          %max3A_728 = arith.maxsi %max3A_727, %sub3A_724 : vector<16xi32>
          %min3A_729 = vector.broadcast %jit3A_726 : i32 to vector<16xi32>
          %min3A_730 = arith.minsi %min3A_729, %max3A_728 : vector<16xi32>
          %sub3A_731 = vector.broadcast %mul3A_14 : i32 to vector<16xi32>
          %sub3A_732 = arith.subi %min3A_672, %sub3A_731 : vector<16xi32>
          %jit3A_733 = arith.constant 0 : i32
          %jit3A_734 = arith.constant 351 : i32
          %max3A_735 = vector.broadcast %jit3A_733 : i32 to vector<16xi32>
          %max3A_736 = arith.maxsi %max3A_735, %sub3A_732 : vector<16xi32>
          %min3A_737 = vector.broadcast %jit3A_734 : i32 to vector<16xi32>
          %min3A_738 = arith.minsi %min3A_737, %max3A_736 : vector<16xi32>
          %shift_left3A_739 = arith.constant 12 : i32
          %shift_left3A_740 = vector.broadcast %shift_left3A_739 : i32 to vector<16xi32>
          %shift_left3A_741 = arith.shli %min3A_730, %shift_left3A_740 : vector<16xi32>
          %shift_left3A_742 = arith.constant 12 : i32
          %shift_left3A_743 = vector.broadcast %shift_left3A_742 : i32 to vector<16xi32>
          %shift_left3A_744 = arith.shli %min3A_738, %shift_left3A_743 : vector<16xi32>
          %add3A_745 = arith.addi %shift_left3A_741, %min3A_678 : vector<16xi32>
          %add3A_746 = arith.addi %shift_left3A_741, %min3A_687 : vector<16xi32>
          %add3A_747 = arith.addi %shift_left3A_744, %min3A_678 : vector<16xi32>
          %add3A_748 = arith.addi %shift_left3A_744, %min3A_687 : vector<16xi32>
          %jit3A_749 = arith.constant 1 : i32
          %jit3A_750 = arith.constant 0 : i32
          %broadcast_in_dim3A_751 = vector.broadcast %jit3A_749 : i32 to vector<16xi32>
          %broadcast_in_dim3A_752 = vector.broadcast %jit3A_750 : i32 to vector<16xi32>
          %select_n3A_753 = arith.select %or3A_698, %broadcast_in_dim3A_751, %broadcast_in_dim3A_752 : vector<16xi1>, vector<16xi32>
          %broadcast_in_dim3A_754 = arith.constant true
          %broadcast_in_dim3A_755 = vector.broadcast %broadcast_in_dim3A_754 : i1 to vector<16xi1>
          %masked_cumsum3A_756 = tpu.scan <sum>, %select_n3A_753 masked %broadcast_in_dim3A_755 : vector<16xi32>, vector<16xi1> -> vector<16xi32>
          %sub3A_757 = arith.constant 1 : i32
          %sub3A_758 = vector.broadcast %sub3A_757 : i32 to vector<16xi32>
          %sub3A_759 = arith.subi %masked_cumsum3A_756, %sub3A_758 : vector<16xi32>
          %mul3A_760 = arith.constant 4 : i32
          %mul3A_761 = vector.broadcast %mul3A_760 : i32 to vector<16xi32>
          %mul3A_762 = arith.muli %sub3A_759, %mul3A_761 : vector<16xi32>
          %add3A_763 = vector.broadcast %add3A_616 : i32 to vector<16xi32>
          %add3A_764 = arith.addi %add3A_763, %mul3A_762 : vector<16xi32>
          %add3A_765 = arith.constant 0 : i32
          %add3A_766 = vector.broadcast %add3A_765 : i32 to vector<16xi32>
          %add3A_767 = arith.addi %add3A_764, %add3A_766 : vector<16xi32>
          %and3A_768 = arith.constant 8191 : i32
          %and3A_769 = vector.broadcast %and3A_768 : i32 to vector<16xi32>
          %and3A_770 = arith.andi %add3A_767, %and3A_769 : vector<16xi32>
          %mul3A_771 = arith.mulf %mul3A_623, %mul3A_716 : vector<16xf32>
          tpu.vector_store_idx %arg23[%and3A_770], %mul3A_771 masked %or3A_698 : memref<8192xf32, #tpu.memory_space<vmem>>[vector<16xi32>], vector<16xf32>, vector<16xi1>
          tpu.vector_store_idx %arg24[%and3A_770], %add3A_745 masked %or3A_698 : memref<8192xi32, #tpu.memory_space<vmem>>[vector<16xi32>], vector<16xi32>, vector<16xi1>
          %add3A_772 = arith.constant 1 : i32
          %add3A_773 = vector.broadcast %add3A_772 : i32 to vector<16xi32>
          %add3A_774 = arith.addi %add3A_764, %add3A_773 : vector<16xi32>
          %and3A_775 = arith.constant 8191 : i32
          %and3A_776 = vector.broadcast %and3A_775 : i32 to vector<16xi32>
          %and3A_777 = arith.andi %add3A_774, %and3A_776 : vector<16xi32>
          %mul3A_778 = arith.mulf %mul3A_623, %mul3A_718 : vector<16xf32>
          tpu.vector_store_idx %arg23[%and3A_777], %mul3A_778 masked %or3A_698 : memref<8192xf32, #tpu.memory_space<vmem>>[vector<16xi32>], vector<16xf32>, vector<16xi1>
          tpu.vector_store_idx %arg24[%and3A_777], %add3A_746 masked %or3A_698 : memref<8192xi32, #tpu.memory_space<vmem>>[vector<16xi32>], vector<16xi32>, vector<16xi1>
          %add3A_779 = arith.constant 2 : i32
          %add3A_780 = vector.broadcast %add3A_779 : i32 to vector<16xi32>
          %add3A_781 = arith.addi %add3A_764, %add3A_780 : vector<16xi32>
          %and3A_782 = arith.constant 8191 : i32
          %and3A_783 = vector.broadcast %and3A_782 : i32 to vector<16xi32>
          %and3A_784 = arith.andi %add3A_781, %and3A_783 : vector<16xi32>
          %mul3A_785 = arith.mulf %mul3A_623, %mul3A_720 : vector<16xf32>
          tpu.vector_store_idx %arg23[%and3A_784], %mul3A_785 masked %or3A_698 : memref<8192xf32, #tpu.memory_space<vmem>>[vector<16xi32>], vector<16xf32>, vector<16xi1>
          tpu.vector_store_idx %arg24[%and3A_784], %add3A_747 masked %or3A_698 : memref<8192xi32, #tpu.memory_space<vmem>>[vector<16xi32>], vector<16xi32>, vector<16xi1>
          %add3A_786 = arith.constant 3 : i32
          %add3A_787 = vector.broadcast %add3A_786 : i32 to vector<16xi32>
          %add3A_788 = arith.addi %add3A_764, %add3A_787 : vector<16xi32>
          %and3A_789 = arith.constant 8191 : i32
          %and3A_790 = vector.broadcast %and3A_789 : i32 to vector<16xi32>
          %and3A_791 = arith.andi %add3A_788, %and3A_790 : vector<16xi32>
          %mul3A_792 = arith.mulf %mul3A_623, %mul3A_722 : vector<16xf32>
          tpu.vector_store_idx %arg23[%and3A_791], %mul3A_792 masked %or3A_698 : memref<8192xf32, #tpu.memory_space<vmem>>[vector<16xi32>], vector<16xf32>, vector<16xi1>
          tpu.vector_store_idx %arg24[%and3A_791], %add3A_748 masked %or3A_698 : memref<8192xi32, #tpu.memory_space<vmem>>[vector<16xi32>], vector<16xi32>, vector<16xi1>
          %reduce_sum3A_793 = arith.constant true
          %reduce_sum3A_794 = vector.broadcast %reduce_sum3A_793 : i1 to vector<16xi1>
          %reduce_sum3A_795 = tpu.scan <sum>, %select_n3A_753 masked %reduce_sum3A_794 : vector<16xi32>, vector<16xi1> -> vector<16xi32>
          %reduce_sum3A_796 = vector.extract %reduce_sum3A_795[15] : i32 from vector<16xi32>
          %mul3A_797 = arith.constant 4 : i32
          %mul3A_798 = arith.muli %mul3A_797, %reduce_sum3A_796 : i32
          %add3A_799 = arith.addi %add3A_616, %mul3A_798 : i32
          %add3A_800 = arith.constant 4 : i32
          %add3A_801 = vector.broadcast %add3A_800 : i32 to vector<16xi32>
          %add3A_802 = arith.addi %mul3A_77, %add3A_801 : vector<16xi32>
          %gather3A_803 = tpu.vector_load_idx %arg13[%add3A_802] : memref<576xf32, #tpu.memory_space<vmem>>[vector<16xi32>], vector<16xf32>,
          %gather3A_804 = tpu.vector_load_idx %arg14[%add3A_802] : memref<576xf32, #tpu.memory_space<vmem>>[vector<16xi32>], vector<16xf32>,
          %gather3A_805 = tpu.vector_load_idx %arg15[%add3A_802] : memref<576xf32, #tpu.memory_space<vmem>>[vector<16xi32>], vector<16xf32>,
          %mul3A_806 = arith.mulf %select_n3A, %gather3A_803 : vector<16xf32>
          %add3A_807 = arith.addf %get3A_68, %gather3A_804 : vector<16xf32>
          %add3A_808 = arith.addf %get3A_70, %gather3A_805 : vector<16xf32>
          %convert_element_type3A_809 = arith.fptosi %add3A_807 : vector<16xf32> to vector<16xi32>
          %convert_element_type3A_810 = arith.sitofp %convert_element_type3A_809 : vector<16xi32> to vector<16xf32>
          %gt3A_811 = arith.cmpf ogt, %convert_element_type3A_810, %add3A_807 : vector<16xf32>
          %jit3A_812 = arith.constant 1 : i32
          %jit3A_813 = arith.constant 0 : i32
          %broadcast_in_dim3A_814 = vector.broadcast %jit3A_812 : i32 to vector<16xi32>
          %broadcast_in_dim3A_815 = vector.broadcast %jit3A_813 : i32 to vector<16xi32>
          %select_n3A_816 = arith.select %gt3A_811, %broadcast_in_dim3A_814, %broadcast_in_dim3A_815 : vector<16xi1>, vector<16xi32>
          %sub3A_817 = arith.subi %convert_element_type3A_809, %select_n3A_816 : vector<16xi32>
          %jit3A_818 = arith.constant 1.000000e+00 : f32
          %jit3A_819 = arith.constant 0.000000e+00 : f32
          %broadcast_in_dim3A_820 = vector.broadcast %jit3A_818 : f32 to vector<16xf32>
          %broadcast_in_dim3A_821 = vector.broadcast %jit3A_819 : f32 to vector<16xf32>
          %select_n3A_822 = arith.select %gt3A_811, %broadcast_in_dim3A_820, %broadcast_in_dim3A_821 : vector<16xi1>, vector<16xf32>
          %sub3A_823 = arith.subf %convert_element_type3A_810, %select_n3A_822 : vector<16xf32>
          %sub3A_824 = arith.subf %add3A_807, %sub3A_823 : vector<16xf32>
          %convert_element_type3A_825 = arith.fptosi %add3A_808 : vector<16xf32> to vector<16xi32>
          %convert_element_type3A_826 = arith.sitofp %convert_element_type3A_825 : vector<16xi32> to vector<16xf32>
          %gt3A_827 = arith.cmpf ogt, %convert_element_type3A_826, %add3A_808 : vector<16xf32>
          %jit3A_828 = arith.constant 1 : i32
          %jit3A_829 = arith.constant 0 : i32
          %broadcast_in_dim3A_830 = vector.broadcast %jit3A_828 : i32 to vector<16xi32>
          %broadcast_in_dim3A_831 = vector.broadcast %jit3A_829 : i32 to vector<16xi32>
          %select_n3A_832 = arith.select %gt3A_827, %broadcast_in_dim3A_830, %broadcast_in_dim3A_831 : vector<16xi1>, vector<16xi32>
          %sub3A_833 = arith.subi %convert_element_type3A_825, %select_n3A_832 : vector<16xi32>
          %jit3A_834 = arith.constant 1.000000e+00 : f32
          %jit3A_835 = arith.constant 0.000000e+00 : f32
          %broadcast_in_dim3A_836 = vector.broadcast %jit3A_834 : f32 to vector<16xf32>
          %broadcast_in_dim3A_837 = vector.broadcast %jit3A_835 : f32 to vector<16xf32>
          %select_n3A_838 = arith.select %gt3A_827, %broadcast_in_dim3A_836, %broadcast_in_dim3A_837 : vector<16xi1>, vector<16xf32>
          %sub3A_839 = arith.subf %convert_element_type3A_826, %select_n3A_838 : vector<16xf32>
          %sub3A_840 = arith.subf %add3A_808, %sub3A_839 : vector<16xf32>
          %jit3A_841 = arith.constant 0 : i32
          %jit3A_842 = arith.constant 1023 : i32
          %max3A_843 = vector.broadcast %jit3A_841 : i32 to vector<16xi32>
          %max3A_844 = arith.maxsi %max3A_843, %sub3A_817 : vector<16xi32>
          %min3A_845 = vector.broadcast %jit3A_842 : i32 to vector<16xi32>
          %min3A_846 = arith.minsi %min3A_845, %max3A_844 : vector<16xi32>
          %add3A_847 = arith.constant 1 : i32
          %add3A_848 = vector.broadcast %add3A_847 : i32 to vector<16xi32>
          %add3A_849 = arith.addi %sub3A_817, %add3A_848 : vector<16xi32>
          %jit3A_850 = arith.constant 0 : i32
          %jit3A_851 = arith.constant 1023 : i32
          %max3A_852 = vector.broadcast %jit3A_850 : i32 to vector<16xi32>
          %max3A_853 = arith.maxsi %max3A_852, %add3A_849 : vector<16xi32>
          %min3A_854 = vector.broadcast %jit3A_851 : i32 to vector<16xi32>
          %min3A_855 = arith.minsi %min3A_854, %max3A_853 : vector<16xi32>
          %jit3A_856 = arith.constant 0 : i32
          %jit3A_857 = arith.constant 4095 : i32
          %max3A_858 = vector.broadcast %jit3A_856 : i32 to vector<16xi32>
          %max3A_859 = arith.maxsi %max3A_858, %sub3A_833 : vector<16xi32>
          %min3A_860 = vector.broadcast %jit3A_857 : i32 to vector<16xi32>
          %min3A_861 = arith.minsi %min3A_860, %max3A_859 : vector<16xi32>
          %add3A_862 = arith.constant 1 : i32
          %add3A_863 = vector.broadcast %add3A_862 : i32 to vector<16xi32>
          %add3A_864 = arith.addi %sub3A_833, %add3A_863 : vector<16xi32>
          %jit3A_865 = arith.constant 0 : i32
          %jit3A_866 = arith.constant 4095 : i32
          %max3A_867 = vector.broadcast %jit3A_865 : i32 to vector<16xi32>
          %max3A_868 = arith.maxsi %max3A_867, %add3A_864 : vector<16xi32>
          %min3A_869 = vector.broadcast %jit3A_866 : i32 to vector<16xi32>
          %min3A_870 = arith.minsi %min3A_869, %max3A_868 : vector<16xi32>
          %ge3A_871 = vector.broadcast %mul3A_14 : i32 to vector<16xi32>
          %ge3A_872 = arith.cmpi sge, %min3A_846, %ge3A_871 : vector<16xi32>
          %lt3A_873 = vector.broadcast %add3A_22 : i32 to vector<16xi32>
          %lt3A_874 = arith.cmpi slt, %min3A_846, %lt3A_873 : vector<16xi32>
          %and3A_875 = arith.andi %ge3A_872, %lt3A_874 : vector<16xi1>
          %ge3A_876 = vector.broadcast %mul3A_14 : i32 to vector<16xi32>
          %ge3A_877 = arith.cmpi sge, %min3A_855, %ge3A_876 : vector<16xi32>
          %lt3A_878 = vector.broadcast %add3A_22 : i32 to vector<16xi32>
          %lt3A_879 = arith.cmpi slt, %min3A_855, %lt3A_878 : vector<16xi32>
          %and3A_880 = arith.andi %ge3A_877, %lt3A_879 : vector<16xi1>
          %or3A_881 = arith.ori %and3A_875, %and3A_880 : vector<16xi1>
          %jit3A_882 = arith.constant 1.000000e+00 : f32
          %jit3A_883 = arith.constant 0.000000e+00 : f32
          %broadcast_in_dim3A_884 = vector.broadcast %jit3A_882 : f32 to vector<16xf32>
          %broadcast_in_dim3A_885 = vector.broadcast %jit3A_883 : f32 to vector<16xf32>
          %select_n3A_886 = arith.select %and3A_875, %broadcast_in_dim3A_884, %broadcast_in_dim3A_885 : vector<16xi1>, vector<16xf32>
          %jit3A_887 = arith.constant 1.000000e+00 : f32
          %jit3A_888 = arith.constant 0.000000e+00 : f32
          %broadcast_in_dim3A_889 = vector.broadcast %jit3A_887 : f32 to vector<16xf32>
          %broadcast_in_dim3A_890 = vector.broadcast %jit3A_888 : f32 to vector<16xf32>
          %select_n3A_891 = arith.select %and3A_880, %broadcast_in_dim3A_889, %broadcast_in_dim3A_890 : vector<16xi1>, vector<16xf32>
          %sub3A_892 = arith.constant 1.000000e+00 : f32
          %sub3A_893 = vector.broadcast %sub3A_892 : f32 to vector<16xf32>
          %sub3A_894 = arith.subf %sub3A_893, %sub3A_824 : vector<16xf32>
          %sub3A_895 = arith.constant 1.000000e+00 : f32
          %sub3A_896 = vector.broadcast %sub3A_895 : f32 to vector<16xf32>
          %sub3A_897 = arith.subf %sub3A_896, %sub3A_840 : vector<16xf32>
          %mul3A_898 = arith.mulf %sub3A_894, %sub3A_897 : vector<16xf32>
          %mul3A_899 = arith.mulf %mul3A_898, %select_n3A_886 : vector<16xf32>
          %mul3A_900 = arith.mulf %sub3A_894, %sub3A_840 : vector<16xf32>
          %mul3A_901 = arith.mulf %mul3A_900, %select_n3A_886 : vector<16xf32>
          %mul3A_902 = arith.mulf %sub3A_824, %sub3A_897 : vector<16xf32>
          %mul3A_903 = arith.mulf %mul3A_902, %select_n3A_891 : vector<16xf32>
          %mul3A_904 = arith.mulf %sub3A_824, %sub3A_840 : vector<16xf32>
          %mul3A_905 = arith.mulf %mul3A_904, %select_n3A_891 : vector<16xf32>
          %sub3A_906 = vector.broadcast %mul3A_14 : i32 to vector<16xi32>
          %sub3A_907 = arith.subi %min3A_846, %sub3A_906 : vector<16xi32>
          %jit3A_908 = arith.constant 0 : i32
          %jit3A_909 = arith.constant 351 : i32
          %max3A_910 = vector.broadcast %jit3A_908 : i32 to vector<16xi32>
          %max3A_911 = arith.maxsi %max3A_910, %sub3A_907 : vector<16xi32>
          %min3A_912 = vector.broadcast %jit3A_909 : i32 to vector<16xi32>
          %min3A_913 = arith.minsi %min3A_912, %max3A_911 : vector<16xi32>
          %sub3A_914 = vector.broadcast %mul3A_14 : i32 to vector<16xi32>
          %sub3A_915 = arith.subi %min3A_855, %sub3A_914 : vector<16xi32>
          %jit3A_916 = arith.constant 0 : i32
          %jit3A_917 = arith.constant 351 : i32
          %max3A_918 = vector.broadcast %jit3A_916 : i32 to vector<16xi32>
          %max3A_919 = arith.maxsi %max3A_918, %sub3A_915 : vector<16xi32>
          %min3A_920 = vector.broadcast %jit3A_917 : i32 to vector<16xi32>
          %min3A_921 = arith.minsi %min3A_920, %max3A_919 : vector<16xi32>
          %shift_left3A_922 = arith.constant 12 : i32
          %shift_left3A_923 = vector.broadcast %shift_left3A_922 : i32 to vector<16xi32>
          %shift_left3A_924 = arith.shli %min3A_913, %shift_left3A_923 : vector<16xi32>
          %shift_left3A_925 = arith.constant 12 : i32
          %shift_left3A_926 = vector.broadcast %shift_left3A_925 : i32 to vector<16xi32>
          %shift_left3A_927 = arith.shli %min3A_921, %shift_left3A_926 : vector<16xi32>
          %add3A_928 = arith.addi %shift_left3A_924, %min3A_861 : vector<16xi32>
          %add3A_929 = arith.addi %shift_left3A_924, %min3A_870 : vector<16xi32>
          %add3A_930 = arith.addi %shift_left3A_927, %min3A_861 : vector<16xi32>
          %add3A_931 = arith.addi %shift_left3A_927, %min3A_870 : vector<16xi32>
          %jit3A_932 = arith.constant 1 : i32
          %jit3A_933 = arith.constant 0 : i32
          %broadcast_in_dim3A_934 = vector.broadcast %jit3A_932 : i32 to vector<16xi32>
          %broadcast_in_dim3A_935 = vector.broadcast %jit3A_933 : i32 to vector<16xi32>
          %select_n3A_936 = arith.select %or3A_881, %broadcast_in_dim3A_934, %broadcast_in_dim3A_935 : vector<16xi1>, vector<16xi32>
          %broadcast_in_dim3A_937 = arith.constant true
          %broadcast_in_dim3A_938 = vector.broadcast %broadcast_in_dim3A_937 : i1 to vector<16xi1>
          %masked_cumsum3A_939 = tpu.scan <sum>, %select_n3A_936 masked %broadcast_in_dim3A_938 : vector<16xi32>, vector<16xi1> -> vector<16xi32>
          %sub3A_940 = arith.constant 1 : i32
          %sub3A_941 = vector.broadcast %sub3A_940 : i32 to vector<16xi32>
          %sub3A_942 = arith.subi %masked_cumsum3A_939, %sub3A_941 : vector<16xi32>
          %mul3A_943 = arith.constant 4 : i32
          %mul3A_944 = vector.broadcast %mul3A_943 : i32 to vector<16xi32>
          %mul3A_945 = arith.muli %sub3A_942, %mul3A_944 : vector<16xi32>
          %add3A_946 = vector.broadcast %add3A_799 : i32 to vector<16xi32>
          %add3A_947 = arith.addi %add3A_946, %mul3A_945 : vector<16xi32>
          %add3A_948 = arith.constant 0 : i32
          %add3A_949 = vector.broadcast %add3A_948 : i32 to vector<16xi32>
          %add3A_950 = arith.addi %add3A_947, %add3A_949 : vector<16xi32>
          %and3A_951 = arith.constant 8191 : i32
          %and3A_952 = vector.broadcast %and3A_951 : i32 to vector<16xi32>
          %and3A_953 = arith.andi %add3A_950, %and3A_952 : vector<16xi32>
          %mul3A_954 = arith.mulf %mul3A_806, %mul3A_899 : vector<16xf32>
          tpu.vector_store_idx %arg23[%and3A_953], %mul3A_954 masked %or3A_881 : memref<8192xf32, #tpu.memory_space<vmem>>[vector<16xi32>], vector<16xf32>, vector<16xi1>
          tpu.vector_store_idx %arg24[%and3A_953], %add3A_928 masked %or3A_881 : memref<8192xi32, #tpu.memory_space<vmem>>[vector<16xi32>], vector<16xi32>, vector<16xi1>
          %add3A_955 = arith.constant 1 : i32
          %add3A_956 = vector.broadcast %add3A_955 : i32 to vector<16xi32>
          %add3A_957 = arith.addi %add3A_947, %add3A_956 : vector<16xi32>
          %and3A_958 = arith.constant 8191 : i32
          %and3A_959 = vector.broadcast %and3A_958 : i32 to vector<16xi32>
          %and3A_960 = arith.andi %add3A_957, %and3A_959 : vector<16xi32>
          %mul3A_961 = arith.mulf %mul3A_806, %mul3A_901 : vector<16xf32>
          tpu.vector_store_idx %arg23[%and3A_960], %mul3A_961 masked %or3A_881 : memref<8192xf32, #tpu.memory_space<vmem>>[vector<16xi32>], vector<16xf32>, vector<16xi1>
          tpu.vector_store_idx %arg24[%and3A_960], %add3A_929 masked %or3A_881 : memref<8192xi32, #tpu.memory_space<vmem>>[vector<16xi32>], vector<16xi32>, vector<16xi1>
          %add3A_962 = arith.constant 2 : i32
          %add3A_963 = vector.broadcast %add3A_962 : i32 to vector<16xi32>
          %add3A_964 = arith.addi %add3A_947, %add3A_963 : vector<16xi32>
          %and3A_965 = arith.constant 8191 : i32
          %and3A_966 = vector.broadcast %and3A_965 : i32 to vector<16xi32>
          %and3A_967 = arith.andi %add3A_964, %and3A_966 : vector<16xi32>
          %mul3A_968 = arith.mulf %mul3A_806, %mul3A_903 : vector<16xf32>
          tpu.vector_store_idx %arg23[%and3A_967], %mul3A_968 masked %or3A_881 : memref<8192xf32, #tpu.memory_space<vmem>>[vector<16xi32>], vector<16xf32>, vector<16xi1>
          tpu.vector_store_idx %arg24[%and3A_967], %add3A_930 masked %or3A_881 : memref<8192xi32, #tpu.memory_space<vmem>>[vector<16xi32>], vector<16xi32>, vector<16xi1>
          %add3A_969 = arith.constant 3 : i32
          %add3A_970 = vector.broadcast %add3A_969 : i32 to vector<16xi32>
          %add3A_971 = arith.addi %add3A_947, %add3A_970 : vector<16xi32>
          %and3A_972 = arith.constant 8191 : i32
          %and3A_973 = vector.broadcast %and3A_972 : i32 to vector<16xi32>
          %and3A_974 = arith.andi %add3A_971, %and3A_973 : vector<16xi32>
          %mul3A_975 = arith.mulf %mul3A_806, %mul3A_905 : vector<16xf32>
          tpu.vector_store_idx %arg23[%and3A_974], %mul3A_975 masked %or3A_881 : memref<8192xf32, #tpu.memory_space<vmem>>[vector<16xi32>], vector<16xf32>, vector<16xi1>
          tpu.vector_store_idx %arg24[%and3A_974], %add3A_931 masked %or3A_881 : memref<8192xi32, #tpu.memory_space<vmem>>[vector<16xi32>], vector<16xi32>, vector<16xi1>
          %reduce_sum3A_976 = arith.constant true
          %reduce_sum3A_977 = vector.broadcast %reduce_sum3A_976 : i1 to vector<16xi1>
          %reduce_sum3A_978 = tpu.scan <sum>, %select_n3A_936 masked %reduce_sum3A_977 : vector<16xi32>, vector<16xi1> -> vector<16xi32>
          %reduce_sum3A_979 = vector.extract %reduce_sum3A_978[15] : i32 from vector<16xi32>
          %mul3A_980 = arith.constant 4 : i32
          %mul3A_981 = arith.muli %mul3A_980, %reduce_sum3A_979 : i32
          %add3A_982 = arith.addi %add3A_799, %mul3A_981 : i32
          %add3A_983 = arith.constant 5 : i32
          %add3A_984 = vector.broadcast %add3A_983 : i32 to vector<16xi32>
          %add3A_985 = arith.addi %mul3A_77, %add3A_984 : vector<16xi32>
          %gather3A_986 = tpu.vector_load_idx %arg13[%add3A_985] : memref<576xf32, #tpu.memory_space<vmem>>[vector<16xi32>], vector<16xf32>,
          %gather3A_987 = tpu.vector_load_idx %arg14[%add3A_985] : memref<576xf32, #tpu.memory_space<vmem>>[vector<16xi32>], vector<16xf32>,
          %gather3A_988 = tpu.vector_load_idx %arg15[%add3A_985] : memref<576xf32, #tpu.memory_space<vmem>>[vector<16xi32>], vector<16xf32>,
          %mul3A_989 = arith.mulf %select_n3A, %gather3A_986 : vector<16xf32>
          %add3A_990 = arith.addf %get3A_68, %gather3A_987 : vector<16xf32>
          %add3A_991 = arith.addf %get3A_70, %gather3A_988 : vector<16xf32>
          %convert_element_type3A_992 = arith.fptosi %add3A_990 : vector<16xf32> to vector<16xi32>
          %convert_element_type3A_993 = arith.sitofp %convert_element_type3A_992 : vector<16xi32> to vector<16xf32>
          %gt3A_994 = arith.cmpf ogt, %convert_element_type3A_993, %add3A_990 : vector<16xf32>
          %jit3A_995 = arith.constant 1 : i32
          %jit3A_996 = arith.constant 0 : i32
          %broadcast_in_dim3A_997 = vector.broadcast %jit3A_995 : i32 to vector<16xi32>
          %broadcast_in_dim3A_998 = vector.broadcast %jit3A_996 : i32 to vector<16xi32>
          %select_n3A_999 = arith.select %gt3A_994, %broadcast_in_dim3A_997, %broadcast_in_dim3A_998 : vector<16xi1>, vector<16xi32>
          %sub3A_1000 = arith.subi %convert_element_type3A_992, %select_n3A_999 : vector<16xi32>
          %jit3A_1001 = arith.constant 1.000000e+00 : f32
          %jit3A_1002 = arith.constant 0.000000e+00 : f32
          %broadcast_in_dim3A_1003 = vector.broadcast %jit3A_1001 : f32 to vector<16xf32>
          %broadcast_in_dim3A_1004 = vector.broadcast %jit3A_1002 : f32 to vector<16xf32>
          %select_n3A_1005 = arith.select %gt3A_994, %broadcast_in_dim3A_1003, %broadcast_in_dim3A_1004 : vector<16xi1>, vector<16xf32>
          %sub3A_1006 = arith.subf %convert_element_type3A_993, %select_n3A_1005 : vector<16xf32>
          %sub3A_1007 = arith.subf %add3A_990, %sub3A_1006 : vector<16xf32>
          %convert_element_type3A_1008 = arith.fptosi %add3A_991 : vector<16xf32> to vector<16xi32>
          %convert_element_type3A_1009 = arith.sitofp %convert_element_type3A_1008 : vector<16xi32> to vector<16xf32>
          %gt3A_1010 = arith.cmpf ogt, %convert_element_type3A_1009, %add3A_991 : vector<16xf32>
          %jit3A_1011 = arith.constant 1 : i32
          %jit3A_1012 = arith.constant 0 : i32
          %broadcast_in_dim3A_1013 = vector.broadcast %jit3A_1011 : i32 to vector<16xi32>
          %broadcast_in_dim3A_1014 = vector.broadcast %jit3A_1012 : i32 to vector<16xi32>
          %select_n3A_1015 = arith.select %gt3A_1010, %broadcast_in_dim3A_1013, %broadcast_in_dim3A_1014 : vector<16xi1>, vector<16xi32>
          %sub3A_1016 = arith.subi %convert_element_type3A_1008, %select_n3A_1015 : vector<16xi32>
          %jit3A_1017 = arith.constant 1.000000e+00 : f32
          %jit3A_1018 = arith.constant 0.000000e+00 : f32
          %broadcast_in_dim3A_1019 = vector.broadcast %jit3A_1017 : f32 to vector<16xf32>
          %broadcast_in_dim3A_1020 = vector.broadcast %jit3A_1018 : f32 to vector<16xf32>
          %select_n3A_1021 = arith.select %gt3A_1010, %broadcast_in_dim3A_1019, %broadcast_in_dim3A_1020 : vector<16xi1>, vector<16xf32>
          %sub3A_1022 = arith.subf %convert_element_type3A_1009, %select_n3A_1021 : vector<16xf32>
          %sub3A_1023 = arith.subf %add3A_991, %sub3A_1022 : vector<16xf32>
          %jit3A_1024 = arith.constant 0 : i32
          %jit3A_1025 = arith.constant 1023 : i32
          %max3A_1026 = vector.broadcast %jit3A_1024 : i32 to vector<16xi32>
          %max3A_1027 = arith.maxsi %max3A_1026, %sub3A_1000 : vector<16xi32>
          %min3A_1028 = vector.broadcast %jit3A_1025 : i32 to vector<16xi32>
          %min3A_1029 = arith.minsi %min3A_1028, %max3A_1027 : vector<16xi32>
          %add3A_1030 = arith.constant 1 : i32
          %add3A_1031 = vector.broadcast %add3A_1030 : i32 to vector<16xi32>
          %add3A_1032 = arith.addi %sub3A_1000, %add3A_1031 : vector<16xi32>
          %jit3A_1033 = arith.constant 0 : i32
          %jit3A_1034 = arith.constant 1023 : i32
          %max3A_1035 = vector.broadcast %jit3A_1033 : i32 to vector<16xi32>
          %max3A_1036 = arith.maxsi %max3A_1035, %add3A_1032 : vector<16xi32>
          %min3A_1037 = vector.broadcast %jit3A_1034 : i32 to vector<16xi32>
          %min3A_1038 = arith.minsi %min3A_1037, %max3A_1036 : vector<16xi32>
          %jit3A_1039 = arith.constant 0 : i32
          %jit3A_1040 = arith.constant 4095 : i32
          %max3A_1041 = vector.broadcast %jit3A_1039 : i32 to vector<16xi32>
          %max3A_1042 = arith.maxsi %max3A_1041, %sub3A_1016 : vector<16xi32>
          %min3A_1043 = vector.broadcast %jit3A_1040 : i32 to vector<16xi32>
          %min3A_1044 = arith.minsi %min3A_1043, %max3A_1042 : vector<16xi32>
          %add3A_1045 = arith.constant 1 : i32
          %add3A_1046 = vector.broadcast %add3A_1045 : i32 to vector<16xi32>
          %add3A_1047 = arith.addi %sub3A_1016, %add3A_1046 : vector<16xi32>
          %jit3A_1048 = arith.constant 0 : i32
          %jit3A_1049 = arith.constant 4095 : i32
          %max3A_1050 = vector.broadcast %jit3A_1048 : i32 to vector<16xi32>
          %max3A_1051 = arith.maxsi %max3A_1050, %add3A_1047 : vector<16xi32>
          %min3A_1052 = vector.broadcast %jit3A_1049 : i32 to vector<16xi32>
          %min3A_1053 = arith.minsi %min3A_1052, %max3A_1051 : vector<16xi32>
          %ge3A_1054 = vector.broadcast %mul3A_14 : i32 to vector<16xi32>
          %ge3A_1055 = arith.cmpi sge, %min3A_1029, %ge3A_1054 : vector<16xi32>
          %lt3A_1056 = vector.broadcast %add3A_22 : i32 to vector<16xi32>
          %lt3A_1057 = arith.cmpi slt, %min3A_1029, %lt3A_1056 : vector<16xi32>
          %and3A_1058 = arith.andi %ge3A_1055, %lt3A_1057 : vector<16xi1>
          %ge3A_1059 = vector.broadcast %mul3A_14 : i32 to vector<16xi32>
          %ge3A_1060 = arith.cmpi sge, %min3A_1038, %ge3A_1059 : vector<16xi32>
          %lt3A_1061 = vector.broadcast %add3A_22 : i32 to vector<16xi32>
          %lt3A_1062 = arith.cmpi slt, %min3A_1038, %lt3A_1061 : vector<16xi32>
          %and3A_1063 = arith.andi %ge3A_1060, %lt3A_1062 : vector<16xi1>
          %or3A_1064 = arith.ori %and3A_1058, %and3A_1063 : vector<16xi1>
          %jit3A_1065 = arith.constant 1.000000e+00 : f32
          %jit3A_1066 = arith.constant 0.000000e+00 : f32
          %broadcast_in_dim3A_1067 = vector.broadcast %jit3A_1065 : f32 to vector<16xf32>
          %broadcast_in_dim3A_1068 = vector.broadcast %jit3A_1066 : f32 to vector<16xf32>
          %select_n3A_1069 = arith.select %and3A_1058, %broadcast_in_dim3A_1067, %broadcast_in_dim3A_1068 : vector<16xi1>, vector<16xf32>
          %jit3A_1070 = arith.constant 1.000000e+00 : f32
          %jit3A_1071 = arith.constant 0.000000e+00 : f32
          %broadcast_in_dim3A_1072 = vector.broadcast %jit3A_1070 : f32 to vector<16xf32>
          %broadcast_in_dim3A_1073 = vector.broadcast %jit3A_1071 : f32 to vector<16xf32>
          %select_n3A_1074 = arith.select %and3A_1063, %broadcast_in_dim3A_1072, %broadcast_in_dim3A_1073 : vector<16xi1>, vector<16xf32>
          %sub3A_1075 = arith.constant 1.000000e+00 : f32
          %sub3A_1076 = vector.broadcast %sub3A_1075 : f32 to vector<16xf32>
          %sub3A_1077 = arith.subf %sub3A_1076, %sub3A_1007 : vector<16xf32>
          %sub3A_1078 = arith.constant 1.000000e+00 : f32
          %sub3A_1079 = vector.broadcast %sub3A_1078 : f32 to vector<16xf32>
          %sub3A_1080 = arith.subf %sub3A_1079, %sub3A_1023 : vector<16xf32>
          %mul3A_1081 = arith.mulf %sub3A_1077, %sub3A_1080 : vector<16xf32>
          %mul3A_1082 = arith.mulf %mul3A_1081, %select_n3A_1069 : vector<16xf32>
          %mul3A_1083 = arith.mulf %sub3A_1077, %sub3A_1023 : vector<16xf32>
          %mul3A_1084 = arith.mulf %mul3A_1083, %select_n3A_1069 : vector<16xf32>
          %mul3A_1085 = arith.mulf %sub3A_1007, %sub3A_1080 : vector<16xf32>
          %mul3A_1086 = arith.mulf %mul3A_1085, %select_n3A_1074 : vector<16xf32>
          %mul3A_1087 = arith.mulf %sub3A_1007, %sub3A_1023 : vector<16xf32>
          %mul3A_1088 = arith.mulf %mul3A_1087, %select_n3A_1074 : vector<16xf32>
          %sub3A_1089 = vector.broadcast %mul3A_14 : i32 to vector<16xi32>
          %sub3A_1090 = arith.subi %min3A_1029, %sub3A_1089 : vector<16xi32>
          %jit3A_1091 = arith.constant 0 : i32
          %jit3A_1092 = arith.constant 351 : i32
          %max3A_1093 = vector.broadcast %jit3A_1091 : i32 to vector<16xi32>
          %max3A_1094 = arith.maxsi %max3A_1093, %sub3A_1090 : vector<16xi32>
          %min3A_1095 = vector.broadcast %jit3A_1092 : i32 to vector<16xi32>
          %min3A_1096 = arith.minsi %min3A_1095, %max3A_1094 : vector<16xi32>
          %sub3A_1097 = vector.broadcast %mul3A_14 : i32 to vector<16xi32>
          %sub3A_1098 = arith.subi %min3A_1038, %sub3A_1097 : vector<16xi32>
          %jit3A_1099 = arith.constant 0 : i32
          %jit3A_1100 = arith.constant 351 : i32
          %max3A_1101 = vector.broadcast %jit3A_1099 : i32 to vector<16xi32>
          %max3A_1102 = arith.maxsi %max3A_1101, %sub3A_1098 : vector<16xi32>
          %min3A_1103 = vector.broadcast %jit3A_1100 : i32 to vector<16xi32>
          %min3A_1104 = arith.minsi %min3A_1103, %max3A_1102 : vector<16xi32>
          %shift_left3A_1105 = arith.constant 12 : i32
          %shift_left3A_1106 = vector.broadcast %shift_left3A_1105 : i32 to vector<16xi32>
          %shift_left3A_1107 = arith.shli %min3A_1096, %shift_left3A_1106 : vector<16xi32>
          %shift_left3A_1108 = arith.constant 12 : i32
          %shift_left3A_1109 = vector.broadcast %shift_left3A_1108 : i32 to vector<16xi32>
          %shift_left3A_1110 = arith.shli %min3A_1104, %shift_left3A_1109 : vector<16xi32>
          %add3A_1111 = arith.addi %shift_left3A_1107, %min3A_1044 : vector<16xi32>
          %add3A_1112 = arith.addi %shift_left3A_1107, %min3A_1053 : vector<16xi32>
          %add3A_1113 = arith.addi %shift_left3A_1110, %min3A_1044 : vector<16xi32>
          %add3A_1114 = arith.addi %shift_left3A_1110, %min3A_1053 : vector<16xi32>
          %jit3A_1115 = arith.constant 1 : i32
          %jit3A_1116 = arith.constant 0 : i32
          %broadcast_in_dim3A_1117 = vector.broadcast %jit3A_1115 : i32 to vector<16xi32>
          %broadcast_in_dim3A_1118 = vector.broadcast %jit3A_1116 : i32 to vector<16xi32>
          %select_n3A_1119 = arith.select %or3A_1064, %broadcast_in_dim3A_1117, %broadcast_in_dim3A_1118 : vector<16xi1>, vector<16xi32>
          %broadcast_in_dim3A_1120 = arith.constant true
          %broadcast_in_dim3A_1121 = vector.broadcast %broadcast_in_dim3A_1120 : i1 to vector<16xi1>
          %masked_cumsum3A_1122 = tpu.scan <sum>, %select_n3A_1119 masked %broadcast_in_dim3A_1121 : vector<16xi32>, vector<16xi1> -> vector<16xi32>
          %sub3A_1123 = arith.constant 1 : i32
          %sub3A_1124 = vector.broadcast %sub3A_1123 : i32 to vector<16xi32>
          %sub3A_1125 = arith.subi %masked_cumsum3A_1122, %sub3A_1124 : vector<16xi32>
          %mul3A_1126 = arith.constant 4 : i32
          %mul3A_1127 = vector.broadcast %mul3A_1126 : i32 to vector<16xi32>
          %mul3A_1128 = arith.muli %sub3A_1125, %mul3A_1127 : vector<16xi32>
          %add3A_1129 = vector.broadcast %add3A_982 : i32 to vector<16xi32>
          %add3A_1130 = arith.addi %add3A_1129, %mul3A_1128 : vector<16xi32>
          %add3A_1131 = arith.constant 0 : i32
          %add3A_1132 = vector.broadcast %add3A_1131 : i32 to vector<16xi32>
          %add3A_1133 = arith.addi %add3A_1130, %add3A_1132 : vector<16xi32>
          %and3A_1134 = arith.constant 8191 : i32
          %and3A_1135 = vector.broadcast %and3A_1134 : i32 to vector<16xi32>
          %and3A_1136 = arith.andi %add3A_1133, %and3A_1135 : vector<16xi32>
          %mul3A_1137 = arith.mulf %mul3A_989, %mul3A_1082 : vector<16xf32>
          tpu.vector_store_idx %arg23[%and3A_1136], %mul3A_1137 masked %or3A_1064 : memref<8192xf32, #tpu.memory_space<vmem>>[vector<16xi32>], vector<16xf32>, vector<16xi1>
          tpu.vector_store_idx %arg24[%and3A_1136], %add3A_1111 masked %or3A_1064 : memref<8192xi32, #tpu.memory_space<vmem>>[vector<16xi32>], vector<16xi32>, vector<16xi1>
          %add3A_1138 = arith.constant 1 : i32
          %add3A_1139 = vector.broadcast %add3A_1138 : i32 to vector<16xi32>
          %add3A_1140 = arith.addi %add3A_1130, %add3A_1139 : vector<16xi32>
          %and3A_1141 = arith.constant 8191 : i32
          %and3A_1142 = vector.broadcast %and3A_1141 : i32 to vector<16xi32>
          %and3A_1143 = arith.andi %add3A_1140, %and3A_1142 : vector<16xi32>
          %mul3A_1144 = arith.mulf %mul3A_989, %mul3A_1084 : vector<16xf32>
          tpu.vector_store_idx %arg23[%and3A_1143], %mul3A_1144 masked %or3A_1064 : memref<8192xf32, #tpu.memory_space<vmem>>[vector<16xi32>], vector<16xf32>, vector<16xi1>
          tpu.vector_store_idx %arg24[%and3A_1143], %add3A_1112 masked %or3A_1064 : memref<8192xi32, #tpu.memory_space<vmem>>[vector<16xi32>], vector<16xi32>, vector<16xi1>
          %add3A_1145 = arith.constant 2 : i32
          %add3A_1146 = vector.broadcast %add3A_1145 : i32 to vector<16xi32>
          %add3A_1147 = arith.addi %add3A_1130, %add3A_1146 : vector<16xi32>
          %and3A_1148 = arith.constant 8191 : i32
          %and3A_1149 = vector.broadcast %and3A_1148 : i32 to vector<16xi32>
          %and3A_1150 = arith.andi %add3A_1147, %and3A_1149 : vector<16xi32>
          %mul3A_1151 = arith.mulf %mul3A_989, %mul3A_1086 : vector<16xf32>
          tpu.vector_store_idx %arg23[%and3A_1150], %mul3A_1151 masked %or3A_1064 : memref<8192xf32, #tpu.memory_space<vmem>>[vector<16xi32>], vector<16xf32>, vector<16xi1>
          tpu.vector_store_idx %arg24[%and3A_1150], %add3A_1113 masked %or3A_1064 : memref<8192xi32, #tpu.memory_space<vmem>>[vector<16xi32>], vector<16xi32>, vector<16xi1>
          %add3A_1152 = arith.constant 3 : i32
          %add3A_1153 = vector.broadcast %add3A_1152 : i32 to vector<16xi32>
          %add3A_1154 = arith.addi %add3A_1130, %add3A_1153 : vector<16xi32>
          %and3A_1155 = arith.constant 8191 : i32
          %and3A_1156 = vector.broadcast %and3A_1155 : i32 to vector<16xi32>
          %and3A_1157 = arith.andi %add3A_1154, %and3A_1156 : vector<16xi32>
          %mul3A_1158 = arith.mulf %mul3A_989, %mul3A_1088 : vector<16xf32>
          tpu.vector_store_idx %arg23[%and3A_1157], %mul3A_1158 masked %or3A_1064 : memref<8192xf32, #tpu.memory_space<vmem>>[vector<16xi32>], vector<16xf32>, vector<16xi1>
          tpu.vector_store_idx %arg24[%and3A_1157], %add3A_1114 masked %or3A_1064 : memref<8192xi32, #tpu.memory_space<vmem>>[vector<16xi32>], vector<16xi32>, vector<16xi1>
          %reduce_sum3A_1159 = arith.constant true
          %reduce_sum3A_1160 = vector.broadcast %reduce_sum3A_1159 : i1 to vector<16xi1>
          %reduce_sum3A_1161 = tpu.scan <sum>, %select_n3A_1119 masked %reduce_sum3A_1160 : vector<16xi32>, vector<16xi1> -> vector<16xi32>
          %reduce_sum3A_1162 = vector.extract %reduce_sum3A_1161[15] : i32 from vector<16xi32>
          %mul3A_1163 = arith.constant 4 : i32
          %mul3A_1164 = arith.muli %mul3A_1163, %reduce_sum3A_1162 : i32
          %add3A_1165 = arith.addi %add3A_982, %mul3A_1164 : i32
          %add3A_1166 = arith.constant 6 : i32
          %add3A_1167 = vector.broadcast %add3A_1166 : i32 to vector<16xi32>
          %add3A_1168 = arith.addi %mul3A_77, %add3A_1167 : vector<16xi32>
          %gather3A_1169 = tpu.vector_load_idx %arg13[%add3A_1168] : memref<576xf32, #tpu.memory_space<vmem>>[vector<16xi32>], vector<16xf32>,
          %gather3A_1170 = tpu.vector_load_idx %arg14[%add3A_1168] : memref<576xf32, #tpu.memory_space<vmem>>[vector<16xi32>], vector<16xf32>,
          %gather3A_1171 = tpu.vector_load_idx %arg15[%add3A_1168] : memref<576xf32, #tpu.memory_space<vmem>>[vector<16xi32>], vector<16xf32>,
          %mul3A_1172 = arith.mulf %select_n3A, %gather3A_1169 : vector<16xf32>
          %add3A_1173 = arith.addf %get3A_68, %gather3A_1170 : vector<16xf32>
          %add3A_1174 = arith.addf %get3A_70, %gather3A_1171 : vector<16xf32>
          %convert_element_type3A_1175 = arith.fptosi %add3A_1173 : vector<16xf32> to vector<16xi32>
          %convert_element_type3A_1176 = arith.sitofp %convert_element_type3A_1175 : vector<16xi32> to vector<16xf32>
          %gt3A_1177 = arith.cmpf ogt, %convert_element_type3A_1176, %add3A_1173 : vector<16xf32>
          %jit3A_1178 = arith.constant 1 : i32
          %jit3A_1179 = arith.constant 0 : i32
          %broadcast_in_dim3A_1180 = vector.broadcast %jit3A_1178 : i32 to vector<16xi32>
          %broadcast_in_dim3A_1181 = vector.broadcast %jit3A_1179 : i32 to vector<16xi32>
          %select_n3A_1182 = arith.select %gt3A_1177, %broadcast_in_dim3A_1180, %broadcast_in_dim3A_1181 : vector<16xi1>, vector<16xi32>
          %sub3A_1183 = arith.subi %convert_element_type3A_1175, %select_n3A_1182 : vector<16xi32>
          %jit3A_1184 = arith.constant 1.000000e+00 : f32
          %jit3A_1185 = arith.constant 0.000000e+00 : f32
          %broadcast_in_dim3A_1186 = vector.broadcast %jit3A_1184 : f32 to vector<16xf32>
          %broadcast_in_dim3A_1187 = vector.broadcast %jit3A_1185 : f32 to vector<16xf32>
          %select_n3A_1188 = arith.select %gt3A_1177, %broadcast_in_dim3A_1186, %broadcast_in_dim3A_1187 : vector<16xi1>, vector<16xf32>
          %sub3A_1189 = arith.subf %convert_element_type3A_1176, %select_n3A_1188 : vector<16xf32>
          %sub3A_1190 = arith.subf %add3A_1173, %sub3A_1189 : vector<16xf32>
          %convert_element_type3A_1191 = arith.fptosi %add3A_1174 : vector<16xf32> to vector<16xi32>
          %convert_element_type3A_1192 = arith.sitofp %convert_element_type3A_1191 : vector<16xi32> to vector<16xf32>
          %gt3A_1193 = arith.cmpf ogt, %convert_element_type3A_1192, %add3A_1174 : vector<16xf32>
          %jit3A_1194 = arith.constant 1 : i32
          %jit3A_1195 = arith.constant 0 : i32
          %broadcast_in_dim3A_1196 = vector.broadcast %jit3A_1194 : i32 to vector<16xi32>
          %broadcast_in_dim3A_1197 = vector.broadcast %jit3A_1195 : i32 to vector<16xi32>
          %select_n3A_1198 = arith.select %gt3A_1193, %broadcast_in_dim3A_1196, %broadcast_in_dim3A_1197 : vector<16xi1>, vector<16xi32>
          %sub3A_1199 = arith.subi %convert_element_type3A_1191, %select_n3A_1198 : vector<16xi32>
          %jit3A_1200 = arith.constant 1.000000e+00 : f32
          %jit3A_1201 = arith.constant 0.000000e+00 : f32
          %broadcast_in_dim3A_1202 = vector.broadcast %jit3A_1200 : f32 to vector<16xf32>
          %broadcast_in_dim3A_1203 = vector.broadcast %jit3A_1201 : f32 to vector<16xf32>
          %select_n3A_1204 = arith.select %gt3A_1193, %broadcast_in_dim3A_1202, %broadcast_in_dim3A_1203 : vector<16xi1>, vector<16xf32>
          %sub3A_1205 = arith.subf %convert_element_type3A_1192, %select_n3A_1204 : vector<16xf32>
          %sub3A_1206 = arith.subf %add3A_1174, %sub3A_1205 : vector<16xf32>
          %jit3A_1207 = arith.constant 0 : i32
          %jit3A_1208 = arith.constant 1023 : i32
          %max3A_1209 = vector.broadcast %jit3A_1207 : i32 to vector<16xi32>
          %max3A_1210 = arith.maxsi %max3A_1209, %sub3A_1183 : vector<16xi32>
          %min3A_1211 = vector.broadcast %jit3A_1208 : i32 to vector<16xi32>
          %min3A_1212 = arith.minsi %min3A_1211, %max3A_1210 : vector<16xi32>
          %add3A_1213 = arith.constant 1 : i32
          %add3A_1214 = vector.broadcast %add3A_1213 : i32 to vector<16xi32>
          %add3A_1215 = arith.addi %sub3A_1183, %add3A_1214 : vector<16xi32>
          %jit3A_1216 = arith.constant 0 : i32
          %jit3A_1217 = arith.constant 1023 : i32
          %max3A_1218 = vector.broadcast %jit3A_1216 : i32 to vector<16xi32>
          %max3A_1219 = arith.maxsi %max3A_1218, %add3A_1215 : vector<16xi32>
          %min3A_1220 = vector.broadcast %jit3A_1217 : i32 to vector<16xi32>
          %min3A_1221 = arith.minsi %min3A_1220, %max3A_1219 : vector<16xi32>
          %jit3A_1222 = arith.constant 0 : i32
          %jit3A_1223 = arith.constant 4095 : i32
          %max3A_1224 = vector.broadcast %jit3A_1222 : i32 to vector<16xi32>
          %max3A_1225 = arith.maxsi %max3A_1224, %sub3A_1199 : vector<16xi32>
          %min3A_1226 = vector.broadcast %jit3A_1223 : i32 to vector<16xi32>
          %min3A_1227 = arith.minsi %min3A_1226, %max3A_1225 : vector<16xi32>
          %add3A_1228 = arith.constant 1 : i32
          %add3A_1229 = vector.broadcast %add3A_1228 : i32 to vector<16xi32>
          %add3A_1230 = arith.addi %sub3A_1199, %add3A_1229 : vector<16xi32>
          %jit3A_1231 = arith.constant 0 : i32
          %jit3A_1232 = arith.constant 4095 : i32
          %max3A_1233 = vector.broadcast %jit3A_1231 : i32 to vector<16xi32>
          %max3A_1234 = arith.maxsi %max3A_1233, %add3A_1230 : vector<16xi32>
          %min3A_1235 = vector.broadcast %jit3A_1232 : i32 to vector<16xi32>
          %min3A_1236 = arith.minsi %min3A_1235, %max3A_1234 : vector<16xi32>
          %ge3A_1237 = vector.broadcast %mul3A_14 : i32 to vector<16xi32>
          %ge3A_1238 = arith.cmpi sge, %min3A_1212, %ge3A_1237 : vector<16xi32>
          %lt3A_1239 = vector.broadcast %add3A_22 : i32 to vector<16xi32>
          %lt3A_1240 = arith.cmpi slt, %min3A_1212, %lt3A_1239 : vector<16xi32>
          %and3A_1241 = arith.andi %ge3A_1238, %lt3A_1240 : vector<16xi1>
          %ge3A_1242 = vector.broadcast %mul3A_14 : i32 to vector<16xi32>
          %ge3A_1243 = arith.cmpi sge, %min3A_1221, %ge3A_1242 : vector<16xi32>
          %lt3A_1244 = vector.broadcast %add3A_22 : i32 to vector<16xi32>
          %lt3A_1245 = arith.cmpi slt, %min3A_1221, %lt3A_1244 : vector<16xi32>
          %and3A_1246 = arith.andi %ge3A_1243, %lt3A_1245 : vector<16xi1>
          %or3A_1247 = arith.ori %and3A_1241, %and3A_1246 : vector<16xi1>
          %jit3A_1248 = arith.constant 1.000000e+00 : f32
          %jit3A_1249 = arith.constant 0.000000e+00 : f32
          %broadcast_in_dim3A_1250 = vector.broadcast %jit3A_1248 : f32 to vector<16xf32>
          %broadcast_in_dim3A_1251 = vector.broadcast %jit3A_1249 : f32 to vector<16xf32>
          %select_n3A_1252 = arith.select %and3A_1241, %broadcast_in_dim3A_1250, %broadcast_in_dim3A_1251 : vector<16xi1>, vector<16xf32>
          %jit3A_1253 = arith.constant 1.000000e+00 : f32
          %jit3A_1254 = arith.constant 0.000000e+00 : f32
          %broadcast_in_dim3A_1255 = vector.broadcast %jit3A_1253 : f32 to vector<16xf32>
          %broadcast_in_dim3A_1256 = vector.broadcast %jit3A_1254 : f32 to vector<16xf32>
          %select_n3A_1257 = arith.select %and3A_1246, %broadcast_in_dim3A_1255, %broadcast_in_dim3A_1256 : vector<16xi1>, vector<16xf32>
          %sub3A_1258 = arith.constant 1.000000e+00 : f32
          %sub3A_1259 = vector.broadcast %sub3A_1258 : f32 to vector<16xf32>
          %sub3A_1260 = arith.subf %sub3A_1259, %sub3A_1190 : vector<16xf32>
          %sub3A_1261 = arith.constant 1.000000e+00 : f32
          %sub3A_1262 = vector.broadcast %sub3A_1261 : f32 to vector<16xf32>
          %sub3A_1263 = arith.subf %sub3A_1262, %sub3A_1206 : vector<16xf32>
          %mul3A_1264 = arith.mulf %sub3A_1260, %sub3A_1263 : vector<16xf32>
          %mul3A_1265 = arith.mulf %mul3A_1264, %select_n3A_1252 : vector<16xf32>
          %mul3A_1266 = arith.mulf %sub3A_1260, %sub3A_1206 : vector<16xf32>
          %mul3A_1267 = arith.mulf %mul3A_1266, %select_n3A_1252 : vector<16xf32>
          %mul3A_1268 = arith.mulf %sub3A_1190, %sub3A_1263 : vector<16xf32>
          %mul3A_1269 = arith.mulf %mul3A_1268, %select_n3A_1257 : vector<16xf32>
          %mul3A_1270 = arith.mulf %sub3A_1190, %sub3A_1206 : vector<16xf32>
          %mul3A_1271 = arith.mulf %mul3A_1270, %select_n3A_1257 : vector<16xf32>
          %sub3A_1272 = vector.broadcast %mul3A_14 : i32 to vector<16xi32>
          %sub3A_1273 = arith.subi %min3A_1212, %sub3A_1272 : vector<16xi32>
          %jit3A_1274 = arith.constant 0 : i32
          %jit3A_1275 = arith.constant 351 : i32
          %max3A_1276 = vector.broadcast %jit3A_1274 : i32 to vector<16xi32>
          %max3A_1277 = arith.maxsi %max3A_1276, %sub3A_1273 : vector<16xi32>
          %min3A_1278 = vector.broadcast %jit3A_1275 : i32 to vector<16xi32>
          %min3A_1279 = arith.minsi %min3A_1278, %max3A_1277 : vector<16xi32>
          %sub3A_1280 = vector.broadcast %mul3A_14 : i32 to vector<16xi32>
          %sub3A_1281 = arith.subi %min3A_1221, %sub3A_1280 : vector<16xi32>
          %jit3A_1282 = arith.constant 0 : i32
          %jit3A_1283 = arith.constant 351 : i32
          %max3A_1284 = vector.broadcast %jit3A_1282 : i32 to vector<16xi32>
          %max3A_1285 = arith.maxsi %max3A_1284, %sub3A_1281 : vector<16xi32>
          %min3A_1286 = vector.broadcast %jit3A_1283 : i32 to vector<16xi32>
          %min3A_1287 = arith.minsi %min3A_1286, %max3A_1285 : vector<16xi32>
          %shift_left3A_1288 = arith.constant 12 : i32
          %shift_left3A_1289 = vector.broadcast %shift_left3A_1288 : i32 to vector<16xi32>
          %shift_left3A_1290 = arith.shli %min3A_1279, %shift_left3A_1289 : vector<16xi32>
          %shift_left3A_1291 = arith.constant 12 : i32
          %shift_left3A_1292 = vector.broadcast %shift_left3A_1291 : i32 to vector<16xi32>
          %shift_left3A_1293 = arith.shli %min3A_1287, %shift_left3A_1292 : vector<16xi32>
          %add3A_1294 = arith.addi %shift_left3A_1290, %min3A_1227 : vector<16xi32>
          %add3A_1295 = arith.addi %shift_left3A_1290, %min3A_1236 : vector<16xi32>
          %add3A_1296 = arith.addi %shift_left3A_1293, %min3A_1227 : vector<16xi32>
          %add3A_1297 = arith.addi %shift_left3A_1293, %min3A_1236 : vector<16xi32>
          %jit3A_1298 = arith.constant 1 : i32
          %jit3A_1299 = arith.constant 0 : i32
          %broadcast_in_dim3A_1300 = vector.broadcast %jit3A_1298 : i32 to vector<16xi32>
          %broadcast_in_dim3A_1301 = vector.broadcast %jit3A_1299 : i32 to vector<16xi32>
          %select_n3A_1302 = arith.select %or3A_1247, %broadcast_in_dim3A_1300, %broadcast_in_dim3A_1301 : vector<16xi1>, vector<16xi32>
          %broadcast_in_dim3A_1303 = arith.constant true
          %broadcast_in_dim3A_1304 = vector.broadcast %broadcast_in_dim3A_1303 : i1 to vector<16xi1>
          %masked_cumsum3A_1305 = tpu.scan <sum>, %select_n3A_1302 masked %broadcast_in_dim3A_1304 : vector<16xi32>, vector<16xi1> -> vector<16xi32>
          %sub3A_1306 = arith.constant 1 : i32
          %sub3A_1307 = vector.broadcast %sub3A_1306 : i32 to vector<16xi32>
          %sub3A_1308 = arith.subi %masked_cumsum3A_1305, %sub3A_1307 : vector<16xi32>
          %mul3A_1309 = arith.constant 4 : i32
          %mul3A_1310 = vector.broadcast %mul3A_1309 : i32 to vector<16xi32>
          %mul3A_1311 = arith.muli %sub3A_1308, %mul3A_1310 : vector<16xi32>
          %add3A_1312 = vector.broadcast %add3A_1165 : i32 to vector<16xi32>
          %add3A_1313 = arith.addi %add3A_1312, %mul3A_1311 : vector<16xi32>
          %add3A_1314 = arith.constant 0 : i32
          %add3A_1315 = vector.broadcast %add3A_1314 : i32 to vector<16xi32>
          %add3A_1316 = arith.addi %add3A_1313, %add3A_1315 : vector<16xi32>
          %and3A_1317 = arith.constant 8191 : i32
          %and3A_1318 = vector.broadcast %and3A_1317 : i32 to vector<16xi32>
          %and3A_1319 = arith.andi %add3A_1316, %and3A_1318 : vector<16xi32>
          %mul3A_1320 = arith.mulf %mul3A_1172, %mul3A_1265 : vector<16xf32>
          tpu.vector_store_idx %arg23[%and3A_1319], %mul3A_1320 masked %or3A_1247 : memref<8192xf32, #tpu.memory_space<vmem>>[vector<16xi32>], vector<16xf32>, vector<16xi1>
          tpu.vector_store_idx %arg24[%and3A_1319], %add3A_1294 masked %or3A_1247 : memref<8192xi32, #tpu.memory_space<vmem>>[vector<16xi32>], vector<16xi32>, vector<16xi1>
          %add3A_1321 = arith.constant 1 : i32
          %add3A_1322 = vector.broadcast %add3A_1321 : i32 to vector<16xi32>
          %add3A_1323 = arith.addi %add3A_1313, %add3A_1322 : vector<16xi32>
          %and3A_1324 = arith.constant 8191 : i32
          %and3A_1325 = vector.broadcast %and3A_1324 : i32 to vector<16xi32>
          %and3A_1326 = arith.andi %add3A_1323, %and3A_1325 : vector<16xi32>
          %mul3A_1327 = arith.mulf %mul3A_1172, %mul3A_1267 : vector<16xf32>
          tpu.vector_store_idx %arg23[%and3A_1326], %mul3A_1327 masked %or3A_1247 : memref<8192xf32, #tpu.memory_space<vmem>>[vector<16xi32>], vector<16xf32>, vector<16xi1>
          tpu.vector_store_idx %arg24[%and3A_1326], %add3A_1295 masked %or3A_1247 : memref<8192xi32, #tpu.memory_space<vmem>>[vector<16xi32>], vector<16xi32>, vector<16xi1>
          %add3A_1328 = arith.constant 2 : i32
          %add3A_1329 = vector.broadcast %add3A_1328 : i32 to vector<16xi32>
          %add3A_1330 = arith.addi %add3A_1313, %add3A_1329 : vector<16xi32>
          %and3A_1331 = arith.constant 8191 : i32
          %and3A_1332 = vector.broadcast %and3A_1331 : i32 to vector<16xi32>
          %and3A_1333 = arith.andi %add3A_1330, %and3A_1332 : vector<16xi32>
          %mul3A_1334 = arith.mulf %mul3A_1172, %mul3A_1269 : vector<16xf32>
          tpu.vector_store_idx %arg23[%and3A_1333], %mul3A_1334 masked %or3A_1247 : memref<8192xf32, #tpu.memory_space<vmem>>[vector<16xi32>], vector<16xf32>, vector<16xi1>
          tpu.vector_store_idx %arg24[%and3A_1333], %add3A_1296 masked %or3A_1247 : memref<8192xi32, #tpu.memory_space<vmem>>[vector<16xi32>], vector<16xi32>, vector<16xi1>
          %add3A_1335 = arith.constant 3 : i32
          %add3A_1336 = vector.broadcast %add3A_1335 : i32 to vector<16xi32>
          %add3A_1337 = arith.addi %add3A_1313, %add3A_1336 : vector<16xi32>
          %and3A_1338 = arith.constant 8191 : i32
          %and3A_1339 = vector.broadcast %and3A_1338 : i32 to vector<16xi32>
          %and3A_1340 = arith.andi %add3A_1337, %and3A_1339 : vector<16xi32>
          %mul3A_1341 = arith.mulf %mul3A_1172, %mul3A_1271 : vector<16xf32>
          tpu.vector_store_idx %arg23[%and3A_1340], %mul3A_1341 masked %or3A_1247 : memref<8192xf32, #tpu.memory_space<vmem>>[vector<16xi32>], vector<16xf32>, vector<16xi1>
          tpu.vector_store_idx %arg24[%and3A_1340], %add3A_1297 masked %or3A_1247 : memref<8192xi32, #tpu.memory_space<vmem>>[vector<16xi32>], vector<16xi32>, vector<16xi1>
          %reduce_sum3A_1342 = arith.constant true
          %reduce_sum3A_1343 = vector.broadcast %reduce_sum3A_1342 : i1 to vector<16xi1>
          %reduce_sum3A_1344 = tpu.scan <sum>, %select_n3A_1302 masked %reduce_sum3A_1343 : vector<16xi32>, vector<16xi1> -> vector<16xi32>
          %reduce_sum3A_1345 = vector.extract %reduce_sum3A_1344[15] : i32 from vector<16xi32>
          %mul3A_1346 = arith.constant 4 : i32
          %mul3A_1347 = arith.muli %mul3A_1346, %reduce_sum3A_1345 : i32
          %add3A_1348 = arith.addi %add3A_1165, %mul3A_1347 : i32
          %add3A_1349 = arith.constant 7 : i32
          %add3A_1350 = vector.broadcast %add3A_1349 : i32 to vector<16xi32>
          %add3A_1351 = arith.addi %mul3A_77, %add3A_1350 : vector<16xi32>
          %gather3A_1352 = tpu.vector_load_idx %arg13[%add3A_1351] : memref<576xf32, #tpu.memory_space<vmem>>[vector<16xi32>], vector<16xf32>,
          %gather3A_1353 = tpu.vector_load_idx %arg14[%add3A_1351] : memref<576xf32, #tpu.memory_space<vmem>>[vector<16xi32>], vector<16xf32>,
          %gather3A_1354 = tpu.vector_load_idx %arg15[%add3A_1351] : memref<576xf32, #tpu.memory_space<vmem>>[vector<16xi32>], vector<16xf32>,
          %mul3A_1355 = arith.mulf %select_n3A, %gather3A_1352 : vector<16xf32>
          %add3A_1356 = arith.addf %get3A_68, %gather3A_1353 : vector<16xf32>
          %add3A_1357 = arith.addf %get3A_70, %gather3A_1354 : vector<16xf32>
          %convert_element_type3A_1358 = arith.fptosi %add3A_1356 : vector<16xf32> to vector<16xi32>
          %convert_element_type3A_1359 = arith.sitofp %convert_element_type3A_1358 : vector<16xi32> to vector<16xf32>
          %gt3A_1360 = arith.cmpf ogt, %convert_element_type3A_1359, %add3A_1356 : vector<16xf32>
          %jit3A_1361 = arith.constant 1 : i32
          %jit3A_1362 = arith.constant 0 : i32
          %broadcast_in_dim3A_1363 = vector.broadcast %jit3A_1361 : i32 to vector<16xi32>
          %broadcast_in_dim3A_1364 = vector.broadcast %jit3A_1362 : i32 to vector<16xi32>
          %select_n3A_1365 = arith.select %gt3A_1360, %broadcast_in_dim3A_1363, %broadcast_in_dim3A_1364 : vector<16xi1>, vector<16xi32>
          %sub3A_1366 = arith.subi %convert_element_type3A_1358, %select_n3A_1365 : vector<16xi32>
          %jit3A_1367 = arith.constant 1.000000e+00 : f32
          %jit3A_1368 = arith.constant 0.000000e+00 : f32
          %broadcast_in_dim3A_1369 = vector.broadcast %jit3A_1367 : f32 to vector<16xf32>
          %broadcast_in_dim3A_1370 = vector.broadcast %jit3A_1368 : f32 to vector<16xf32>
          %select_n3A_1371 = arith.select %gt3A_1360, %broadcast_in_dim3A_1369, %broadcast_in_dim3A_1370 : vector<16xi1>, vector<16xf32>
          %sub3A_1372 = arith.subf %convert_element_type3A_1359, %select_n3A_1371 : vector<16xf32>
          %sub3A_1373 = arith.subf %add3A_1356, %sub3A_1372 : vector<16xf32>
          %convert_element_type3A_1374 = arith.fptosi %add3A_1357 : vector<16xf32> to vector<16xi32>
          %convert_element_type3A_1375 = arith.sitofp %convert_element_type3A_1374 : vector<16xi32> to vector<16xf32>
          %gt3A_1376 = arith.cmpf ogt, %convert_element_type3A_1375, %add3A_1357 : vector<16xf32>
          %jit3A_1377 = arith.constant 1 : i32
          %jit3A_1378 = arith.constant 0 : i32
          %broadcast_in_dim3A_1379 = vector.broadcast %jit3A_1377 : i32 to vector<16xi32>
          %broadcast_in_dim3A_1380 = vector.broadcast %jit3A_1378 : i32 to vector<16xi32>
          %select_n3A_1381 = arith.select %gt3A_1376, %broadcast_in_dim3A_1379, %broadcast_in_dim3A_1380 : vector<16xi1>, vector<16xi32>
          %sub3A_1382 = arith.subi %convert_element_type3A_1374, %select_n3A_1381 : vector<16xi32>
          %jit3A_1383 = arith.constant 1.000000e+00 : f32
          %jit3A_1384 = arith.constant 0.000000e+00 : f32
          %broadcast_in_dim3A_1385 = vector.broadcast %jit3A_1383 : f32 to vector<16xf32>
          %broadcast_in_dim3A_1386 = vector.broadcast %jit3A_1384 : f32 to vector<16xf32>
          %select_n3A_1387 = arith.select %gt3A_1376, %broadcast_in_dim3A_1385, %broadcast_in_dim3A_1386 : vector<16xi1>, vector<16xf32>
          %sub3A_1388 = arith.subf %convert_element_type3A_1375, %select_n3A_1387 : vector<16xf32>
          %sub3A_1389 = arith.subf %add3A_1357, %sub3A_1388 : vector<16xf32>
          %jit3A_1390 = arith.constant 0 : i32
          %jit3A_1391 = arith.constant 1023 : i32
          %max3A_1392 = vector.broadcast %jit3A_1390 : i32 to vector<16xi32>
          %max3A_1393 = arith.maxsi %max3A_1392, %sub3A_1366 : vector<16xi32>
          %min3A_1394 = vector.broadcast %jit3A_1391 : i32 to vector<16xi32>
          %min3A_1395 = arith.minsi %min3A_1394, %max3A_1393 : vector<16xi32>
          %add3A_1396 = arith.constant 1 : i32
          %add3A_1397 = vector.broadcast %add3A_1396 : i32 to vector<16xi32>
          %add3A_1398 = arith.addi %sub3A_1366, %add3A_1397 : vector<16xi32>
          %jit3A_1399 = arith.constant 0 : i32
          %jit3A_1400 = arith.constant 1023 : i32
          %max3A_1401 = vector.broadcast %jit3A_1399 : i32 to vector<16xi32>
          %max3A_1402 = arith.maxsi %max3A_1401, %add3A_1398 : vector<16xi32>
          %min3A_1403 = vector.broadcast %jit3A_1400 : i32 to vector<16xi32>
          %min3A_1404 = arith.minsi %min3A_1403, %max3A_1402 : vector<16xi32>
          %jit3A_1405 = arith.constant 0 : i32
          %jit3A_1406 = arith.constant 4095 : i32
          %max3A_1407 = vector.broadcast %jit3A_1405 : i32 to vector<16xi32>
          %max3A_1408 = arith.maxsi %max3A_1407, %sub3A_1382 : vector<16xi32>
          %min3A_1409 = vector.broadcast %jit3A_1406 : i32 to vector<16xi32>
          %min3A_1410 = arith.minsi %min3A_1409, %max3A_1408 : vector<16xi32>
          %add3A_1411 = arith.constant 1 : i32
          %add3A_1412 = vector.broadcast %add3A_1411 : i32 to vector<16xi32>
          %add3A_1413 = arith.addi %sub3A_1382, %add3A_1412 : vector<16xi32>
          %jit3A_1414 = arith.constant 0 : i32
          %jit3A_1415 = arith.constant 4095 : i32
          %max3A_1416 = vector.broadcast %jit3A_1414 : i32 to vector<16xi32>
          %max3A_1417 = arith.maxsi %max3A_1416, %add3A_1413 : vector<16xi32>
          %min3A_1418 = vector.broadcast %jit3A_1415 : i32 to vector<16xi32>
          %min3A_1419 = arith.minsi %min3A_1418, %max3A_1417 : vector<16xi32>
          %ge3A_1420 = vector.broadcast %mul3A_14 : i32 to vector<16xi32>
          %ge3A_1421 = arith.cmpi sge, %min3A_1395, %ge3A_1420 : vector<16xi32>
          %lt3A_1422 = vector.broadcast %add3A_22 : i32 to vector<16xi32>
          %lt3A_1423 = arith.cmpi slt, %min3A_1395, %lt3A_1422 : vector<16xi32>
          %and3A_1424 = arith.andi %ge3A_1421, %lt3A_1423 : vector<16xi1>
          %ge3A_1425 = vector.broadcast %mul3A_14 : i32 to vector<16xi32>
          %ge3A_1426 = arith.cmpi sge, %min3A_1404, %ge3A_1425 : vector<16xi32>
          %lt3A_1427 = vector.broadcast %add3A_22 : i32 to vector<16xi32>
          %lt3A_1428 = arith.cmpi slt, %min3A_1404, %lt3A_1427 : vector<16xi32>
          %and3A_1429 = arith.andi %ge3A_1426, %lt3A_1428 : vector<16xi1>
          %or3A_1430 = arith.ori %and3A_1424, %and3A_1429 : vector<16xi1>
          %jit3A_1431 = arith.constant 1.000000e+00 : f32
          %jit3A_1432 = arith.constant 0.000000e+00 : f32
          %broadcast_in_dim3A_1433 = vector.broadcast %jit3A_1431 : f32 to vector<16xf32>
          %broadcast_in_dim3A_1434 = vector.broadcast %jit3A_1432 : f32 to vector<16xf32>
          %select_n3A_1435 = arith.select %and3A_1424, %broadcast_in_dim3A_1433, %broadcast_in_dim3A_1434 : vector<16xi1>, vector<16xf32>
          %jit3A_1436 = arith.constant 1.000000e+00 : f32
          %jit3A_1437 = arith.constant 0.000000e+00 : f32
          %broadcast_in_dim3A_1438 = vector.broadcast %jit3A_1436 : f32 to vector<16xf32>
          %broadcast_in_dim3A_1439 = vector.broadcast %jit3A_1437 : f32 to vector<16xf32>
          %select_n3A_1440 = arith.select %and3A_1429, %broadcast_in_dim3A_1438, %broadcast_in_dim3A_1439 : vector<16xi1>, vector<16xf32>
          %sub3A_1441 = arith.constant 1.000000e+00 : f32
          %sub3A_1442 = vector.broadcast %sub3A_1441 : f32 to vector<16xf32>
          %sub3A_1443 = arith.subf %sub3A_1442, %sub3A_1373 : vector<16xf32>
          %sub3A_1444 = arith.constant 1.000000e+00 : f32
          %sub3A_1445 = vector.broadcast %sub3A_1444 : f32 to vector<16xf32>
          %sub3A_1446 = arith.subf %sub3A_1445, %sub3A_1389 : vector<16xf32>
          %mul3A_1447 = arith.mulf %sub3A_1443, %sub3A_1446 : vector<16xf32>
          %mul3A_1448 = arith.mulf %mul3A_1447, %select_n3A_1435 : vector<16xf32>
          %mul3A_1449 = arith.mulf %sub3A_1443, %sub3A_1389 : vector<16xf32>
          %mul3A_1450 = arith.mulf %mul3A_1449, %select_n3A_1435 : vector<16xf32>
          %mul3A_1451 = arith.mulf %sub3A_1373, %sub3A_1446 : vector<16xf32>
          %mul3A_1452 = arith.mulf %mul3A_1451, %select_n3A_1440 : vector<16xf32>
          %mul3A_1453 = arith.mulf %sub3A_1373, %sub3A_1389 : vector<16xf32>
          %mul3A_1454 = arith.mulf %mul3A_1453, %select_n3A_1440 : vector<16xf32>
          %sub3A_1455 = vector.broadcast %mul3A_14 : i32 to vector<16xi32>
          %sub3A_1456 = arith.subi %min3A_1395, %sub3A_1455 : vector<16xi32>
          %jit3A_1457 = arith.constant 0 : i32
          %jit3A_1458 = arith.constant 351 : i32
          %max3A_1459 = vector.broadcast %jit3A_1457 : i32 to vector<16xi32>
          %max3A_1460 = arith.maxsi %max3A_1459, %sub3A_1456 : vector<16xi32>
          %min3A_1461 = vector.broadcast %jit3A_1458 : i32 to vector<16xi32>
          %min3A_1462 = arith.minsi %min3A_1461, %max3A_1460 : vector<16xi32>
          %sub3A_1463 = vector.broadcast %mul3A_14 : i32 to vector<16xi32>
          %sub3A_1464 = arith.subi %min3A_1404, %sub3A_1463 : vector<16xi32>
          %jit3A_1465 = arith.constant 0 : i32
          %jit3A_1466 = arith.constant 351 : i32
          %max3A_1467 = vector.broadcast %jit3A_1465 : i32 to vector<16xi32>
          %max3A_1468 = arith.maxsi %max3A_1467, %sub3A_1464 : vector<16xi32>
          %min3A_1469 = vector.broadcast %jit3A_1466 : i32 to vector<16xi32>
          %min3A_1470 = arith.minsi %min3A_1469, %max3A_1468 : vector<16xi32>
          %shift_left3A_1471 = arith.constant 12 : i32
          %shift_left3A_1472 = vector.broadcast %shift_left3A_1471 : i32 to vector<16xi32>
          %shift_left3A_1473 = arith.shli %min3A_1462, %shift_left3A_1472 : vector<16xi32>
          %shift_left3A_1474 = arith.constant 12 : i32
          %shift_left3A_1475 = vector.broadcast %shift_left3A_1474 : i32 to vector<16xi32>
          %shift_left3A_1476 = arith.shli %min3A_1470, %shift_left3A_1475 : vector<16xi32>
          %add3A_1477 = arith.addi %shift_left3A_1473, %min3A_1410 : vector<16xi32>
          %add3A_1478 = arith.addi %shift_left3A_1473, %min3A_1419 : vector<16xi32>
          %add3A_1479 = arith.addi %shift_left3A_1476, %min3A_1410 : vector<16xi32>
          %add3A_1480 = arith.addi %shift_left3A_1476, %min3A_1419 : vector<16xi32>
          %jit3A_1481 = arith.constant 1 : i32
          %jit3A_1482 = arith.constant 0 : i32
          %broadcast_in_dim3A_1483 = vector.broadcast %jit3A_1481 : i32 to vector<16xi32>
          %broadcast_in_dim3A_1484 = vector.broadcast %jit3A_1482 : i32 to vector<16xi32>
          %select_n3A_1485 = arith.select %or3A_1430, %broadcast_in_dim3A_1483, %broadcast_in_dim3A_1484 : vector<16xi1>, vector<16xi32>
          %broadcast_in_dim3A_1486 = arith.constant true
          %broadcast_in_dim3A_1487 = vector.broadcast %broadcast_in_dim3A_1486 : i1 to vector<16xi1>
          %masked_cumsum3A_1488 = tpu.scan <sum>, %select_n3A_1485 masked %broadcast_in_dim3A_1487 : vector<16xi32>, vector<16xi1> -> vector<16xi32>
          %sub3A_1489 = arith.constant 1 : i32
          %sub3A_1490 = vector.broadcast %sub3A_1489 : i32 to vector<16xi32>
          %sub3A_1491 = arith.subi %masked_cumsum3A_1488, %sub3A_1490 : vector<16xi32>
          %mul3A_1492 = arith.constant 4 : i32
          %mul3A_1493 = vector.broadcast %mul3A_1492 : i32 to vector<16xi32>
          %mul3A_1494 = arith.muli %sub3A_1491, %mul3A_1493 : vector<16xi32>
          %add3A_1495 = vector.broadcast %add3A_1348 : i32 to vector<16xi32>
          %add3A_1496 = arith.addi %add3A_1495, %mul3A_1494 : vector<16xi32>
          %add3A_1497 = arith.constant 0 : i32
          %add3A_1498 = vector.broadcast %add3A_1497 : i32 to vector<16xi32>
          %add3A_1499 = arith.addi %add3A_1496, %add3A_1498 : vector<16xi32>
          %and3A_1500 = arith.constant 8191 : i32
          %and3A_1501 = vector.broadcast %and3A_1500 : i32 to vector<16xi32>
          %and3A_1502 = arith.andi %add3A_1499, %and3A_1501 : vector<16xi32>
          %mul3A_1503 = arith.mulf %mul3A_1355, %mul3A_1448 : vector<16xf32>
          tpu.vector_store_idx %arg23[%and3A_1502], %mul3A_1503 masked %or3A_1430 : memref<8192xf32, #tpu.memory_space<vmem>>[vector<16xi32>], vector<16xf32>, vector<16xi1>
          tpu.vector_store_idx %arg24[%and3A_1502], %add3A_1477 masked %or3A_1430 : memref<8192xi32, #tpu.memory_space<vmem>>[vector<16xi32>], vector<16xi32>, vector<16xi1>
          %add3A_1504 = arith.constant 1 : i32
          %add3A_1505 = vector.broadcast %add3A_1504 : i32 to vector<16xi32>
          %add3A_1506 = arith.addi %add3A_1496, %add3A_1505 : vector<16xi32>
          %and3A_1507 = arith.constant 8191 : i32
          %and3A_1508 = vector.broadcast %and3A_1507 : i32 to vector<16xi32>
          %and3A_1509 = arith.andi %add3A_1506, %and3A_1508 : vector<16xi32>
          %mul3A_1510 = arith.mulf %mul3A_1355, %mul3A_1450 : vector<16xf32>
          tpu.vector_store_idx %arg23[%and3A_1509], %mul3A_1510 masked %or3A_1430 : memref<8192xf32, #tpu.memory_space<vmem>>[vector<16xi32>], vector<16xf32>, vector<16xi1>
          tpu.vector_store_idx %arg24[%and3A_1509], %add3A_1478 masked %or3A_1430 : memref<8192xi32, #tpu.memory_space<vmem>>[vector<16xi32>], vector<16xi32>, vector<16xi1>
          %add3A_1511 = arith.constant 2 : i32
          %add3A_1512 = vector.broadcast %add3A_1511 : i32 to vector<16xi32>
          %add3A_1513 = arith.addi %add3A_1496, %add3A_1512 : vector<16xi32>
          %and3A_1514 = arith.constant 8191 : i32
          %and3A_1515 = vector.broadcast %and3A_1514 : i32 to vector<16xi32>
          %and3A_1516 = arith.andi %add3A_1513, %and3A_1515 : vector<16xi32>
          %mul3A_1517 = arith.mulf %mul3A_1355, %mul3A_1452 : vector<16xf32>
          tpu.vector_store_idx %arg23[%and3A_1516], %mul3A_1517 masked %or3A_1430 : memref<8192xf32, #tpu.memory_space<vmem>>[vector<16xi32>], vector<16xf32>, vector<16xi1>
          tpu.vector_store_idx %arg24[%and3A_1516], %add3A_1479 masked %or3A_1430 : memref<8192xi32, #tpu.memory_space<vmem>>[vector<16xi32>], vector<16xi32>, vector<16xi1>
          %add3A_1518 = arith.constant 3 : i32
          %add3A_1519 = vector.broadcast %add3A_1518 : i32 to vector<16xi32>
          %add3A_1520 = arith.addi %add3A_1496, %add3A_1519 : vector<16xi32>
          %and3A_1521 = arith.constant 8191 : i32
          %and3A_1522 = vector.broadcast %and3A_1521 : i32 to vector<16xi32>
          %and3A_1523 = arith.andi %add3A_1520, %and3A_1522 : vector<16xi32>
          %mul3A_1524 = arith.mulf %mul3A_1355, %mul3A_1454 : vector<16xf32>
          tpu.vector_store_idx %arg23[%and3A_1523], %mul3A_1524 masked %or3A_1430 : memref<8192xf32, #tpu.memory_space<vmem>>[vector<16xi32>], vector<16xf32>, vector<16xi1>
          tpu.vector_store_idx %arg24[%and3A_1523], %add3A_1480 masked %or3A_1430 : memref<8192xi32, #tpu.memory_space<vmem>>[vector<16xi32>], vector<16xi32>, vector<16xi1>
          %reduce_sum3A_1525 = arith.constant true
          %reduce_sum3A_1526 = vector.broadcast %reduce_sum3A_1525 : i1 to vector<16xi1>
          %reduce_sum3A_1527 = tpu.scan <sum>, %select_n3A_1485 masked %reduce_sum3A_1526 : vector<16xi32>, vector<16xi1> -> vector<16xi32>
          %reduce_sum3A_1528 = vector.extract %reduce_sum3A_1527[15] : i32 from vector<16xi32>
          %mul3A_1529 = arith.constant 4 : i32
          %mul3A_1530 = arith.muli %mul3A_1529, %reduce_sum3A_1528 : i32
          %add3A_1531 = arith.addi %add3A_1348, %mul3A_1530 : i32
          %add3A_1532 = arith.constant 8 : i32
          %add3A_1533 = vector.broadcast %add3A_1532 : i32 to vector<16xi32>
          %add3A_1534 = arith.addi %mul3A_77, %add3A_1533 : vector<16xi32>
          %gather3A_1535 = tpu.vector_load_idx %arg13[%add3A_1534] : memref<576xf32, #tpu.memory_space<vmem>>[vector<16xi32>], vector<16xf32>,
          %gather3A_1536 = tpu.vector_load_idx %arg14[%add3A_1534] : memref<576xf32, #tpu.memory_space<vmem>>[vector<16xi32>], vector<16xf32>,
          %gather3A_1537 = tpu.vector_load_idx %arg15[%add3A_1534] : memref<576xf32, #tpu.memory_space<vmem>>[vector<16xi32>], vector<16xf32>,
          %mul3A_1538 = arith.mulf %select_n3A, %gather3A_1535 : vector<16xf32>
          %add3A_1539 = arith.addf %get3A_68, %gather3A_1536 : vector<16xf32>
          %add3A_1540 = arith.addf %get3A_70, %gather3A_1537 : vector<16xf32>
          %convert_element_type3A_1541 = arith.fptosi %add3A_1539 : vector<16xf32> to vector<16xi32>
          %convert_element_type3A_1542 = arith.sitofp %convert_element_type3A_1541 : vector<16xi32> to vector<16xf32>
          %gt3A_1543 = arith.cmpf ogt, %convert_element_type3A_1542, %add3A_1539 : vector<16xf32>
          %jit3A_1544 = arith.constant 1 : i32
          %jit3A_1545 = arith.constant 0 : i32
          %broadcast_in_dim3A_1546 = vector.broadcast %jit3A_1544 : i32 to vector<16xi32>
          %broadcast_in_dim3A_1547 = vector.broadcast %jit3A_1545 : i32 to vector<16xi32>
          %select_n3A_1548 = arith.select %gt3A_1543, %broadcast_in_dim3A_1546, %broadcast_in_dim3A_1547 : vector<16xi1>, vector<16xi32>
          %sub3A_1549 = arith.subi %convert_element_type3A_1541, %select_n3A_1548 : vector<16xi32>
          %jit3A_1550 = arith.constant 1.000000e+00 : f32
          %jit3A_1551 = arith.constant 0.000000e+00 : f32
          %broadcast_in_dim3A_1552 = vector.broadcast %jit3A_1550 : f32 to vector<16xf32>
          %broadcast_in_dim3A_1553 = vector.broadcast %jit3A_1551 : f32 to vector<16xf32>
          %select_n3A_1554 = arith.select %gt3A_1543, %broadcast_in_dim3A_1552, %broadcast_in_dim3A_1553 : vector<16xi1>, vector<16xf32>
          %sub3A_1555 = arith.subf %convert_element_type3A_1542, %select_n3A_1554 : vector<16xf32>
          %sub3A_1556 = arith.subf %add3A_1539, %sub3A_1555 : vector<16xf32>
          %convert_element_type3A_1557 = arith.fptosi %add3A_1540 : vector<16xf32> to vector<16xi32>
          %convert_element_type3A_1558 = arith.sitofp %convert_element_type3A_1557 : vector<16xi32> to vector<16xf32>
          %gt3A_1559 = arith.cmpf ogt, %convert_element_type3A_1558, %add3A_1540 : vector<16xf32>
          %jit3A_1560 = arith.constant 1 : i32
          %jit3A_1561 = arith.constant 0 : i32
          %broadcast_in_dim3A_1562 = vector.broadcast %jit3A_1560 : i32 to vector<16xi32>
          %broadcast_in_dim3A_1563 = vector.broadcast %jit3A_1561 : i32 to vector<16xi32>
          %select_n3A_1564 = arith.select %gt3A_1559, %broadcast_in_dim3A_1562, %broadcast_in_dim3A_1563 : vector<16xi1>, vector<16xi32>
          %sub3A_1565 = arith.subi %convert_element_type3A_1557, %select_n3A_1564 : vector<16xi32>
          %jit3A_1566 = arith.constant 1.000000e+00 : f32
          %jit3A_1567 = arith.constant 0.000000e+00 : f32
          %broadcast_in_dim3A_1568 = vector.broadcast %jit3A_1566 : f32 to vector<16xf32>
          %broadcast_in_dim3A_1569 = vector.broadcast %jit3A_1567 : f32 to vector<16xf32>
          %select_n3A_1570 = arith.select %gt3A_1559, %broadcast_in_dim3A_1568, %broadcast_in_dim3A_1569 : vector<16xi1>, vector<16xf32>
          %sub3A_1571 = arith.subf %convert_element_type3A_1558, %select_n3A_1570 : vector<16xf32>
          %sub3A_1572 = arith.subf %add3A_1540, %sub3A_1571 : vector<16xf32>
          %jit3A_1573 = arith.constant 0 : i32
          %jit3A_1574 = arith.constant 1023 : i32
          %max3A_1575 = vector.broadcast %jit3A_1573 : i32 to vector<16xi32>
          %max3A_1576 = arith.maxsi %max3A_1575, %sub3A_1549 : vector<16xi32>
          %min3A_1577 = vector.broadcast %jit3A_1574 : i32 to vector<16xi32>
          %min3A_1578 = arith.minsi %min3A_1577, %max3A_1576 : vector<16xi32>
          %add3A_1579 = arith.constant 1 : i32
          %add3A_1580 = vector.broadcast %add3A_1579 : i32 to vector<16xi32>
          %add3A_1581 = arith.addi %sub3A_1549, %add3A_1580 : vector<16xi32>
          %jit3A_1582 = arith.constant 0 : i32
          %jit3A_1583 = arith.constant 1023 : i32
          %max3A_1584 = vector.broadcast %jit3A_1582 : i32 to vector<16xi32>
          %max3A_1585 = arith.maxsi %max3A_1584, %add3A_1581 : vector<16xi32>
          %min3A_1586 = vector.broadcast %jit3A_1583 : i32 to vector<16xi32>
          %min3A_1587 = arith.minsi %min3A_1586, %max3A_1585 : vector<16xi32>
          %jit3A_1588 = arith.constant 0 : i32
          %jit3A_1589 = arith.constant 4095 : i32
          %max3A_1590 = vector.broadcast %jit3A_1588 : i32 to vector<16xi32>
          %max3A_1591 = arith.maxsi %max3A_1590, %sub3A_1565 : vector<16xi32>
          %min3A_1592 = vector.broadcast %jit3A_1589 : i32 to vector<16xi32>
          %min3A_1593 = arith.minsi %min3A_1592, %max3A_1591 : vector<16xi32>
          %add3A_1594 = arith.constant 1 : i32
          %add3A_1595 = vector.broadcast %add3A_1594 : i32 to vector<16xi32>
          %add3A_1596 = arith.addi %sub3A_1565, %add3A_1595 : vector<16xi32>
          %jit3A_1597 = arith.constant 0 : i32
          %jit3A_1598 = arith.constant 4095 : i32
          %max3A_1599 = vector.broadcast %jit3A_1597 : i32 to vector<16xi32>
          %max3A_1600 = arith.maxsi %max3A_1599, %add3A_1596 : vector<16xi32>
          %min3A_1601 = vector.broadcast %jit3A_1598 : i32 to vector<16xi32>
          %min3A_1602 = arith.minsi %min3A_1601, %max3A_1600 : vector<16xi32>
          %ge3A_1603 = vector.broadcast %mul3A_14 : i32 to vector<16xi32>
          %ge3A_1604 = arith.cmpi sge, %min3A_1578, %ge3A_1603 : vector<16xi32>
          %lt3A_1605 = vector.broadcast %add3A_22 : i32 to vector<16xi32>
          %lt3A_1606 = arith.cmpi slt, %min3A_1578, %lt3A_1605 : vector<16xi32>
          %and3A_1607 = arith.andi %ge3A_1604, %lt3A_1606 : vector<16xi1>
          %ge3A_1608 = vector.broadcast %mul3A_14 : i32 to vector<16xi32>
          %ge3A_1609 = arith.cmpi sge, %min3A_1587, %ge3A_1608 : vector<16xi32>
          %lt3A_1610 = vector.broadcast %add3A_22 : i32 to vector<16xi32>
          %lt3A_1611 = arith.cmpi slt, %min3A_1587, %lt3A_1610 : vector<16xi32>
          %and3A_1612 = arith.andi %ge3A_1609, %lt3A_1611 : vector<16xi1>
          %or3A_1613 = arith.ori %and3A_1607, %and3A_1612 : vector<16xi1>
          %jit3A_1614 = arith.constant 1.000000e+00 : f32
          %jit3A_1615 = arith.constant 0.000000e+00 : f32
          %broadcast_in_dim3A_1616 = vector.broadcast %jit3A_1614 : f32 to vector<16xf32>
          %broadcast_in_dim3A_1617 = vector.broadcast %jit3A_1615 : f32 to vector<16xf32>
          %select_n3A_1618 = arith.select %and3A_1607, %broadcast_in_dim3A_1616, %broadcast_in_dim3A_1617 : vector<16xi1>, vector<16xf32>
          %jit3A_1619 = arith.constant 1.000000e+00 : f32
          %jit3A_1620 = arith.constant 0.000000e+00 : f32
          %broadcast_in_dim3A_1621 = vector.broadcast %jit3A_1619 : f32 to vector<16xf32>
          %broadcast_in_dim3A_1622 = vector.broadcast %jit3A_1620 : f32 to vector<16xf32>
          %select_n3A_1623 = arith.select %and3A_1612, %broadcast_in_dim3A_1621, %broadcast_in_dim3A_1622 : vector<16xi1>, vector<16xf32>
          %sub3A_1624 = arith.constant 1.000000e+00 : f32
          %sub3A_1625 = vector.broadcast %sub3A_1624 : f32 to vector<16xf32>
          %sub3A_1626 = arith.subf %sub3A_1625, %sub3A_1556 : vector<16xf32>
          %sub3A_1627 = arith.constant 1.000000e+00 : f32
          %sub3A_1628 = vector.broadcast %sub3A_1627 : f32 to vector<16xf32>
          %sub3A_1629 = arith.subf %sub3A_1628, %sub3A_1572 : vector<16xf32>
          %mul3A_1630 = arith.mulf %sub3A_1626, %sub3A_1629 : vector<16xf32>
          %mul3A_1631 = arith.mulf %mul3A_1630, %select_n3A_1618 : vector<16xf32>
          %mul3A_1632 = arith.mulf %sub3A_1626, %sub3A_1572 : vector<16xf32>
          %mul3A_1633 = arith.mulf %mul3A_1632, %select_n3A_1618 : vector<16xf32>
          %mul3A_1634 = arith.mulf %sub3A_1556, %sub3A_1629 : vector<16xf32>
          %mul3A_1635 = arith.mulf %mul3A_1634, %select_n3A_1623 : vector<16xf32>
          %mul3A_1636 = arith.mulf %sub3A_1556, %sub3A_1572 : vector<16xf32>
          %mul3A_1637 = arith.mulf %mul3A_1636, %select_n3A_1623 : vector<16xf32>
          %sub3A_1638 = vector.broadcast %mul3A_14 : i32 to vector<16xi32>
          %sub3A_1639 = arith.subi %min3A_1578, %sub3A_1638 : vector<16xi32>
          %jit3A_1640 = arith.constant 0 : i32
          %jit3A_1641 = arith.constant 351 : i32
          %max3A_1642 = vector.broadcast %jit3A_1640 : i32 to vector<16xi32>
          %max3A_1643 = arith.maxsi %max3A_1642, %sub3A_1639 : vector<16xi32>
          %min3A_1644 = vector.broadcast %jit3A_1641 : i32 to vector<16xi32>
          %min3A_1645 = arith.minsi %min3A_1644, %max3A_1643 : vector<16xi32>
          %sub3A_1646 = vector.broadcast %mul3A_14 : i32 to vector<16xi32>
          %sub3A_1647 = arith.subi %min3A_1587, %sub3A_1646 : vector<16xi32>
          %jit3A_1648 = arith.constant 0 : i32
          %jit3A_1649 = arith.constant 351 : i32
          %max3A_1650 = vector.broadcast %jit3A_1648 : i32 to vector<16xi32>
          %max3A_1651 = arith.maxsi %max3A_1650, %sub3A_1647 : vector<16xi32>
          %min3A_1652 = vector.broadcast %jit3A_1649 : i32 to vector<16xi32>
          %min3A_1653 = arith.minsi %min3A_1652, %max3A_1651 : vector<16xi32>
          %shift_left3A_1654 = arith.constant 12 : i32
          %shift_left3A_1655 = vector.broadcast %shift_left3A_1654 : i32 to vector<16xi32>
          %shift_left3A_1656 = arith.shli %min3A_1645, %shift_left3A_1655 : vector<16xi32>
          %shift_left3A_1657 = arith.constant 12 : i32
          %shift_left3A_1658 = vector.broadcast %shift_left3A_1657 : i32 to vector<16xi32>
          %shift_left3A_1659 = arith.shli %min3A_1653, %shift_left3A_1658 : vector<16xi32>
          %add3A_1660 = arith.addi %shift_left3A_1656, %min3A_1593 : vector<16xi32>
          %add3A_1661 = arith.addi %shift_left3A_1656, %min3A_1602 : vector<16xi32>
          %add3A_1662 = arith.addi %shift_left3A_1659, %min3A_1593 : vector<16xi32>
          %add3A_1663 = arith.addi %shift_left3A_1659, %min3A_1602 : vector<16xi32>
          %jit3A_1664 = arith.constant 1 : i32
          %jit3A_1665 = arith.constant 0 : i32
          %broadcast_in_dim3A_1666 = vector.broadcast %jit3A_1664 : i32 to vector<16xi32>
          %broadcast_in_dim3A_1667 = vector.broadcast %jit3A_1665 : i32 to vector<16xi32>
          %select_n3A_1668 = arith.select %or3A_1613, %broadcast_in_dim3A_1666, %broadcast_in_dim3A_1667 : vector<16xi1>, vector<16xi32>
          %broadcast_in_dim3A_1669 = arith.constant true
          %broadcast_in_dim3A_1670 = vector.broadcast %broadcast_in_dim3A_1669 : i1 to vector<16xi1>
          %masked_cumsum3A_1671 = tpu.scan <sum>, %select_n3A_1668 masked %broadcast_in_dim3A_1670 : vector<16xi32>, vector<16xi1> -> vector<16xi32>
          %sub3A_1672 = arith.constant 1 : i32
          %sub3A_1673 = vector.broadcast %sub3A_1672 : i32 to vector<16xi32>
          %sub3A_1674 = arith.subi %masked_cumsum3A_1671, %sub3A_1673 : vector<16xi32>
          %mul3A_1675 = arith.constant 4 : i32
          %mul3A_1676 = vector.broadcast %mul3A_1675 : i32 to vector<16xi32>
          %mul3A_1677 = arith.muli %sub3A_1674, %mul3A_1676 : vector<16xi32>
          %add3A_1678 = vector.broadcast %add3A_1531 : i32 to vector<16xi32>
          %add3A_1679 = arith.addi %add3A_1678, %mul3A_1677 : vector<16xi32>
          %add3A_1680 = arith.constant 0 : i32
          %add3A_1681 = vector.broadcast %add3A_1680 : i32 to vector<16xi32>
          %add3A_1682 = arith.addi %add3A_1679, %add3A_1681 : vector<16xi32>
          %and3A_1683 = arith.constant 8191 : i32
          %and3A_1684 = vector.broadcast %and3A_1683 : i32 to vector<16xi32>
          %and3A_1685 = arith.andi %add3A_1682, %and3A_1684 : vector<16xi32>
          %mul3A_1686 = arith.mulf %mul3A_1538, %mul3A_1631 : vector<16xf32>
          tpu.vector_store_idx %arg23[%and3A_1685], %mul3A_1686 masked %or3A_1613 : memref<8192xf32, #tpu.memory_space<vmem>>[vector<16xi32>], vector<16xf32>, vector<16xi1>
          tpu.vector_store_idx %arg24[%and3A_1685], %add3A_1660 masked %or3A_1613 : memref<8192xi32, #tpu.memory_space<vmem>>[vector<16xi32>], vector<16xi32>, vector<16xi1>
          %add3A_1687 = arith.constant 1 : i32
          %add3A_1688 = vector.broadcast %add3A_1687 : i32 to vector<16xi32>
          %add3A_1689 = arith.addi %add3A_1679, %add3A_1688 : vector<16xi32>
          %and3A_1690 = arith.constant 8191 : i32
          %and3A_1691 = vector.broadcast %and3A_1690 : i32 to vector<16xi32>
          %and3A_1692 = arith.andi %add3A_1689, %and3A_1691 : vector<16xi32>
          %mul3A_1693 = arith.mulf %mul3A_1538, %mul3A_1633 : vector<16xf32>
          tpu.vector_store_idx %arg23[%and3A_1692], %mul3A_1693 masked %or3A_1613 : memref<8192xf32, #tpu.memory_space<vmem>>[vector<16xi32>], vector<16xf32>, vector<16xi1>
          tpu.vector_store_idx %arg24[%and3A_1692], %add3A_1661 masked %or3A_1613 : memref<8192xi32, #tpu.memory_space<vmem>>[vector<16xi32>], vector<16xi32>, vector<16xi1>
          %add3A_1694 = arith.constant 2 : i32
          %add3A_1695 = vector.broadcast %add3A_1694 : i32 to vector<16xi32>
          %add3A_1696 = arith.addi %add3A_1679, %add3A_1695 : vector<16xi32>
          %and3A_1697 = arith.constant 8191 : i32
          %and3A_1698 = vector.broadcast %and3A_1697 : i32 to vector<16xi32>
          %and3A_1699 = arith.andi %add3A_1696, %and3A_1698 : vector<16xi32>
          %mul3A_1700 = arith.mulf %mul3A_1538, %mul3A_1635 : vector<16xf32>
          tpu.vector_store_idx %arg23[%and3A_1699], %mul3A_1700 masked %or3A_1613 : memref<8192xf32, #tpu.memory_space<vmem>>[vector<16xi32>], vector<16xf32>, vector<16xi1>
          tpu.vector_store_idx %arg24[%and3A_1699], %add3A_1662 masked %or3A_1613 : memref<8192xi32, #tpu.memory_space<vmem>>[vector<16xi32>], vector<16xi32>, vector<16xi1>
          %add3A_1701 = arith.constant 3 : i32
          %add3A_1702 = vector.broadcast %add3A_1701 : i32 to vector<16xi32>
          %add3A_1703 = arith.addi %add3A_1679, %add3A_1702 : vector<16xi32>
          %and3A_1704 = arith.constant 8191 : i32
          %and3A_1705 = vector.broadcast %and3A_1704 : i32 to vector<16xi32>
          %and3A_1706 = arith.andi %add3A_1703, %and3A_1705 : vector<16xi32>
          %mul3A_1707 = arith.mulf %mul3A_1538, %mul3A_1637 : vector<16xf32>
          tpu.vector_store_idx %arg23[%and3A_1706], %mul3A_1707 masked %or3A_1613 : memref<8192xf32, #tpu.memory_space<vmem>>[vector<16xi32>], vector<16xf32>, vector<16xi1>
          tpu.vector_store_idx %arg24[%and3A_1706], %add3A_1663 masked %or3A_1613 : memref<8192xi32, #tpu.memory_space<vmem>>[vector<16xi32>], vector<16xi32>, vector<16xi1>
          %reduce_sum3A_1708 = arith.constant true
          %reduce_sum3A_1709 = vector.broadcast %reduce_sum3A_1708 : i1 to vector<16xi1>
          %reduce_sum3A_1710 = tpu.scan <sum>, %select_n3A_1668 masked %reduce_sum3A_1709 : vector<16xi32>, vector<16xi1> -> vector<16xi32>
          %reduce_sum3A_1711 = vector.extract %reduce_sum3A_1710[15] : i32 from vector<16xi32>
          %mul3A_1712 = arith.constant 4 : i32
          %mul3A_1713 = arith.muli %mul3A_1712, %reduce_sum3A_1711 : i32
          %add3A_1714 = arith.addi %add3A_1531, %mul3A_1713 : i32
          %and3A_1715 = arith.constant 8191 : i32
          %and3A_1716 = arith.andi %add3A_1714, %and3A_1715 : i32
          %ne3A_1717 = arith.cmpi ne, %add3A_1714, %scan3A_63 : i32
          %eq3A_1718 = arith.constant 0 : i32
          %eq3A_1719 = arith.cmpi eq, %and3A_1716, %eq3A_1718 : i32
          %and3A_1720 = arith.andi %ne3A_1717, %eq3A_1719 : i1
          %ge3A_1721 = arith.constant 7616 : i32
          %ge3A_1722 = arith.cmpi sge, %and3A_1716, %ge3A_1721 : i32
          %or3A_1723 = arith.ori %ge3A_1722, %and3A_1720 : i1
          %convert_element_type3A_1724 = arith.extui %or3A_1723 : i1 to i32
          %cond3A_1725 = arith.constant 0 : i32
          %cond3A_1726 = arith.cmpi ne, %convert_element_type3A_1724, %cond3A_1725 : i32
          scf.if %cond3A_1726 {
            %sub3A_1734 = arith.constant 1 : i32
            %sub3A_1735 = arith.subi %add3A_1714, %sub3A_1734 : i32
            %or3A_1736 = arith.constant 8191 : i32
            %or3A_1737 = arith.ori %sub3A_1735, %or3A_1736 : i32
            %add3A_1738 = arith.constant 1 : i32
            %add3A_1739 = arith.addi %or3A_1737, %add3A_1738 : i32
            %sub3A_1740 = arith.subi %add3A_1739, %add3A_1714 : i32
            %add3A_1741 = arith.constant 15 : i32
            %add3A_1742 = arith.addi %sub3A_1740, %add3A_1741 : i32
            %shift_right_arithmetic3A_1743 = arith.constant 4 : i32
            %shift_right_arithmetic3A_1744 = arith.shrsi %add3A_1742, %shift_right_arithmetic3A_1743 : i32
            %while3A_1745 = arith.constant 0 : i32
            %while3A_1746 = arith.constant 0 : i32
            %while3A_1747 = arith.subi %shift_right_arithmetic3A_1744, %while3A_1746 : i32
            %while3A_1748 = arith.addi %while3A_1746, %while3A_1747 : i32
            %while3A_1749 = arith.constant 1 : i32
            %while3A_1750 = arith.divsi %while3A_1747, %while3A_1749 : i32
            %while3A_1751 = arith.muli %while3A_1750, %while3A_1749 : i32
            %while3A_1752 = arith.addi %while3A_1746, %while3A_1751 : i32
            %while3A_1753 = arith.constant 1 : i32
            scf.for %while3A_1755 = %while3A_1746 to %while3A_1752 step %while3A_1753  : i32 {
              %mul3A_1756 = arith.constant 16 : i32
              %mul3A_1757 = arith.muli %while3A_1755, %mul3A_1756 : i32
              %add3A_1758 = arith.addi %add3A_1714, %mul3A_1757 : i32
              %add3A_1759 = vector.broadcast %add3A_1758 : i32 to vector<16xi32>
              %add3A_1760 = arith.addi %add3A_1759, %iota3A : vector<16xi32>
              %lt3A_1761 = vector.broadcast %add3A_1739 : i32 to vector<16xi32>
              %lt3A_1762 = arith.cmpi slt, %add3A_1760, %lt3A_1761 : vector<16xi32>
              %and3A_1763 = arith.constant 8191 : i32
              %and3A_1764 = vector.broadcast %and3A_1763 : i32 to vector<16xi32>
              %and3A_1765 = arith.andi %add3A_1760, %and3A_1764 : vector<16xi32>
              tpu.vector_store_idx %arg23[%and3A_1765], %broadcast_in_dim3A_1 masked %lt3A_1762 : memref<8192xf32, #tpu.memory_space<vmem>>[vector<16xi32>], vector<16xf32>, vector<16xi1>
              %and3A_1766 = arith.constant 1023 : i32
              %and3A_1767 = vector.broadcast %and3A_1766 : i32 to vector<16xi32>
              %and3A_1768 = arith.andi %and3A_1765, %and3A_1767 : vector<16xi32>
              tpu.vector_store_idx %arg24[%and3A_1765], %and3A_1768 masked %lt3A_1762 : memref<8192xi32, #tpu.memory_space<vmem>>[vector<16xi32>], vector<16xi32>, vector<16xi1>
            }
            %while3A_1754 = arith.constant 1 : i32
            scf.for %while3A_1755 = %while3A_1752 to %while3A_1748 step %while3A_1754  : i32 {
              %mul3A_1756 = arith.constant 16 : i32
              %mul3A_1757 = arith.muli %while3A_1755, %mul3A_1756 : i32
              %add3A_1758 = arith.addi %add3A_1714, %mul3A_1757 : i32
              %add3A_1759 = vector.broadcast %add3A_1758 : i32 to vector<16xi32>
              %add3A_1760 = arith.addi %add3A_1759, %iota3A : vector<16xi32>
              %lt3A_1761 = vector.broadcast %add3A_1739 : i32 to vector<16xi32>
              %lt3A_1762 = arith.cmpi slt, %add3A_1760, %lt3A_1761 : vector<16xi32>
              %and3A_1763 = arith.constant 8191 : i32
              %and3A_1764 = vector.broadcast %and3A_1763 : i32 to vector<16xi32>
              %and3A_1765 = arith.andi %add3A_1760, %and3A_1764 : vector<16xi32>
              tpu.vector_store_idx %arg23[%and3A_1765], %broadcast_in_dim3A_1 masked %lt3A_1762 : memref<8192xf32, #tpu.memory_space<vmem>>[vector<16xi32>], vector<16xf32>, vector<16xi1>
              %and3A_1766 = arith.constant 1023 : i32
              %and3A_1767 = vector.broadcast %and3A_1766 : i32 to vector<16xi32>
              %and3A_1768 = arith.andi %and3A_1765, %and3A_1767 : vector<16xi32>
              tpu.vector_store_idx %arg24[%and3A_1765], %and3A_1768 masked %lt3A_1762 : memref<8192xi32, #tpu.memory_space<vmem>>[vector<16xi32>], vector<16xi32>, vector<16xi1>
            }
            "tpu.region"() ({
              %run_scoped3A = tpu.sem_alloc : memref<!tpu.dma_semaphore, #tpu.memory_space<semaphore_mem>>
              %dma_start3A = arith.constant 0 : i32
              %dma_start3A_1755 = tpu.memref_slice %arg27[%dma_start3A] : memref<1441792xf32, #tpu.memory_space<vmem_shared>> -> memref<1441792xf32, #tpu.memory_space<vmem_shared>>
              tpu.enqueue_indirect_dma source(%arg23 : memref<8192xf32, #tpu.memory_space<vmem>>) target(%dma_start3A_1755 : memref<1441792xf32, #tpu.memory_space<vmem_shared>>) offsets(%arg24 : memref<8192xi32, #tpu.memory_space<vmem>>) semaphore(%run_scoped3A : memref<!tpu.dma_semaphore, #tpu.memory_space<semaphore_mem>>) {add = true}
              %dma_wait3A = arith.constant 0 : i32
              %dma_wait3A_1756 = tpu.memref_slice %arg27[%dma_wait3A] : memref<1441792xf32, #tpu.memory_space<vmem_shared>> -> memref<1441792xf32, #tpu.memory_space<vmem_shared>>
              tpu.wait_indirect_dma semaphore(%run_scoped3A : memref<!tpu.dma_semaphore, #tpu.memory_space<semaphore_mem>>) src(%arg23 : memref<8192xf32, #tpu.memory_space<vmem>>) dst(%dma_wait3A_1756 : memref<1441792xf32, #tpu.memory_space<vmem_shared>>)
              tpu.yield
            }) : () -> ()
          } else {
          }
          %sub3A_1727 = arith.constant 1 : i32
          %sub3A_1728 = arith.subi %add3A_1714, %sub3A_1727 : i32
          %or3A_1729 = arith.constant 8191 : i32
          %or3A_1730 = arith.ori %sub3A_1728, %or3A_1729 : i32
          %add3A_1731 = arith.constant 1 : i32
          %add3A_1732 = arith.addi %or3A_1730, %add3A_1731 : i32
          %select_n3A_1733 = arith.select %or3A_1723, %add3A_1732, %add3A_1714 : i32
          scf.yield %select_n3A_1733 : i32
        }
        %scan3A_61 = arith.constant 112 : i32
        scf.yield %scan3A_60 : i32
      }
      %scan3A_35 = arith.constant 7 : i32
      %and3A = arith.constant 8191 : i32
      %and3A_36 = arith.andi %scan3A_34, %and3A : i32
      %ne3A = arith.constant 0 : i32
      %ne3A_37 = arith.cmpi ne, %and3A_36, %ne3A : i32
      %convert_element_type3A = arith.extui %ne3A_37 : i1 to i32
      %cond3A = arith.constant 0 : i32
      %cond3A_38 = arith.cmpi ne, %convert_element_type3A, %cond3A : i32
      scf.if %cond3A_38 {
        %or3A = arith.constant 8191 : i32
        %or3A_49 = arith.ori %scan3A_34, %or3A : i32
        %add3A_50 = arith.constant 1 : i32
        %add3A_51 = arith.addi %or3A_49, %add3A_50 : i32
        %and3A_52 = arith.constant 8191 : i32
        %and3A_53 = arith.andi %scan3A_34, %and3A_52 : i32
        %sub3A_54 = arith.constant 8192 : i32
        %sub3A_55 = arith.subi %sub3A_54, %and3A_53 : i32
        %add3A_56 = arith.constant 15 : i32
        %add3A_57 = arith.addi %sub3A_55, %add3A_56 : i32
        %shift_right_arithmetic3A_58 = arith.constant 4 : i32
        %shift_right_arithmetic3A_59 = arith.shrsi %add3A_57, %shift_right_arithmetic3A_58 : i32
        %while3A_60 = arith.constant 0 : i32
        %while3A_61 = arith.constant 0 : i32
        %while3A_62 = arith.subi %shift_right_arithmetic3A_59, %while3A_61 : i32
        %while3A_63 = arith.addi %while3A_61, %while3A_62 : i32
        %while3A_64 = arith.constant 1 : i32
        %while3A_65 = arith.divsi %while3A_62, %while3A_64 : i32
        %while3A_66 = arith.muli %while3A_65, %while3A_64 : i32
        %while3A_67 = arith.addi %while3A_61, %while3A_66 : i32
        %while3A_68 = arith.constant 1 : i32
        scf.for %while3A_70 = %while3A_61 to %while3A_67 step %while3A_68  : i32 {
          %mul3A_71 = arith.constant 16 : i32
          %mul3A_72 = arith.muli %while3A_70, %mul3A_71 : i32
          %add3A_73 = arith.addi %scan3A_34, %mul3A_72 : i32
          %add3A_74 = vector.broadcast %add3A_73 : i32 to vector<16xi32>
          %add3A_75 = arith.addi %add3A_74, %iota3A : vector<16xi32>
          %lt3A = vector.broadcast %add3A_51 : i32 to vector<16xi32>
          %lt3A_76 = arith.cmpi slt, %add3A_75, %lt3A : vector<16xi32>
          %and3A_77 = arith.constant 8191 : i32
          %and3A_78 = vector.broadcast %and3A_77 : i32 to vector<16xi32>
          %and3A_79 = arith.andi %add3A_75, %and3A_78 : vector<16xi32>
          tpu.vector_store_idx %arg23[%and3A_79], %broadcast_in_dim3A_1 masked %lt3A_76 : memref<8192xf32, #tpu.memory_space<vmem>>[vector<16xi32>], vector<16xf32>, vector<16xi1>
          %and3A_80 = arith.constant 1023 : i32
          %and3A_81 = vector.broadcast %and3A_80 : i32 to vector<16xi32>
          %and3A_82 = arith.andi %and3A_79, %and3A_81 : vector<16xi32>
          tpu.vector_store_idx %arg24[%and3A_79], %and3A_82 masked %lt3A_76 : memref<8192xi32, #tpu.memory_space<vmem>>[vector<16xi32>], vector<16xi32>, vector<16xi1>
        }
        %while3A_69 = arith.constant 1 : i32
        scf.for %while3A_70 = %while3A_67 to %while3A_63 step %while3A_69  : i32 {
          %mul3A_71 = arith.constant 16 : i32
          %mul3A_72 = arith.muli %while3A_70, %mul3A_71 : i32
          %add3A_73 = arith.addi %scan3A_34, %mul3A_72 : i32
          %add3A_74 = vector.broadcast %add3A_73 : i32 to vector<16xi32>
          %add3A_75 = arith.addi %add3A_74, %iota3A : vector<16xi32>
          %lt3A = vector.broadcast %add3A_51 : i32 to vector<16xi32>
          %lt3A_76 = arith.cmpi slt, %add3A_75, %lt3A : vector<16xi32>
          %and3A_77 = arith.constant 8191 : i32
          %and3A_78 = vector.broadcast %and3A_77 : i32 to vector<16xi32>
          %and3A_79 = arith.andi %add3A_75, %and3A_78 : vector<16xi32>
          tpu.vector_store_idx %arg23[%and3A_79], %broadcast_in_dim3A_1 masked %lt3A_76 : memref<8192xf32, #tpu.memory_space<vmem>>[vector<16xi32>], vector<16xf32>, vector<16xi1>
          %and3A_80 = arith.constant 1023 : i32
          %and3A_81 = vector.broadcast %and3A_80 : i32 to vector<16xi32>
          %and3A_82 = arith.andi %and3A_79, %and3A_81 : vector<16xi32>
          tpu.vector_store_idx %arg24[%and3A_79], %and3A_82 masked %lt3A_76 : memref<8192xi32, #tpu.memory_space<vmem>>[vector<16xi32>], vector<16xi32>, vector<16xi1>
        }
        "tpu.region"() ({
          %run_scoped3A = tpu.sem_alloc : memref<!tpu.dma_semaphore, #tpu.memory_space<semaphore_mem>>
          %dma_start3A = arith.constant 0 : i32
          %dma_start3A_70 = tpu.memref_slice %arg27[%dma_start3A] : memref<1441792xf32, #tpu.memory_space<vmem_shared>> -> memref<1441792xf32, #tpu.memory_space<vmem_shared>>
          tpu.enqueue_indirect_dma source(%arg23 : memref<8192xf32, #tpu.memory_space<vmem>>) target(%dma_start3A_70 : memref<1441792xf32, #tpu.memory_space<vmem_shared>>) offsets(%arg24 : memref<8192xi32, #tpu.memory_space<vmem>>) semaphore(%run_scoped3A : memref<!tpu.dma_semaphore, #tpu.memory_space<semaphore_mem>>) {add = true}
          %dma_wait3A = arith.constant 0 : i32
          %dma_wait3A_71 = tpu.memref_slice %arg27[%dma_wait3A] : memref<1441792xf32, #tpu.memory_space<vmem_shared>> -> memref<1441792xf32, #tpu.memory_space<vmem_shared>>
          tpu.wait_indirect_dma semaphore(%run_scoped3A : memref<!tpu.dma_semaphore, #tpu.memory_space<semaphore_mem>>) src(%arg23 : memref<8192xf32, #tpu.memory_space<vmem>>) dst(%dma_wait3A_71 : memref<1441792xf32, #tpu.memory_space<vmem_shared>>)
          tpu.yield
        }) : () -> ()
      } else {
      }
      %barrier3A_39 = arith.constant 0 : index
      tpu.barrier barrier_id(%barrier3A_39)
      %while3A = arith.constant 0 : i32
      %while3A_40 = arith.constant 0 : i32
      %while3A_41 = arith.subi %shift_right_arithmetic3A_21, %while3A_40 : i32
      %while3A_42 = arith.addi %while3A_40, %while3A_41 : i32
      %while3A_43 = arith.constant 1 : i32
      %while3A_44 = arith.divsi %while3A_41, %while3A_43 : i32
      %while3A_45 = arith.muli %while3A_44, %while3A_43 : i32
      %while3A_46 = arith.addi %while3A_40, %while3A_45 : i32
      %while3A_47 = arith.constant 1 : i32
      scf.for %while3A_49 = %while3A_40 to %while3A_46 step %while3A_47  : i32 {
        %mul3A_50 = arith.muli %arg1, %shift_right_arithmetic3A_19 : i32
        %mul3A_51 = arith.constant 4096 : i32
        %mul3A_52 = arith.muli %while3A_49, %mul3A_51 : i32
        %add3A_53 = arith.addi %mul3A_50, %mul3A_52 : i32
        %multiple_of3A = tpu.assume_multiple %add3A_53, 8 : i32
        %mul3A_54 = arith.constant 4194304 : i32
        %mul3A_55 = arith.muli %arg0, %mul3A_54 : i32
        %mul3A_56 = arith.constant 4096 : i32
        %mul3A_57 = arith.muli %mul3A_14, %mul3A_56 : i32
        %add3A_58 = arith.addi %mul3A_55, %mul3A_57 : i32
        %add3A_59 = arith.addi %add3A_58, %multiple_of3A : i32
        %multiple_of3A_60 = tpu.assume_multiple %add3A_59, 8 : i32
        "tpu.region"() ({
          %run_scoped3A = tpu.sem_alloc : memref<!tpu.dma_semaphore, #tpu.memory_space<semaphore_mem>>
          %dma_start3A = tpu.memref_slice %arg27[%multiple_of3A] : memref<1441792xf32, #tpu.memory_space<vmem_shared>> -> memref<4096xf32, #tpu.memory_space<vmem_shared>>
          %dma_start3A_61 = tpu.memref_slice %arg27[%multiple_of3A] : memref<1441792xf32, #tpu.memory_space<vmem_shared>> -> memref<4096xf32, #tpu.memory_space<vmem_shared>>
          tpu.enqueue_dma source(%dma_start3A_61 : memref<4096xf32, #tpu.memory_space<vmem_shared>>) target(%arg26 : memref<4096xf32, #tpu.memory_space<vmem>>) target_semaphore(%run_scoped3A : memref<!tpu.dma_semaphore, #tpu.memory_space<semaphore_mem>>)
          %dma_wait3A = tpu.memref_slice %arg27[%multiple_of3A] : memref<1441792xf32, #tpu.memory_space<vmem_shared>> -> memref<4096xf32, #tpu.memory_space<vmem_shared>>
          %dma_wait3A_62 = tpu.memref_slice %arg27[%multiple_of3A] : memref<1441792xf32, #tpu.memory_space<vmem_shared>> -> memref<4096xf32, #tpu.memory_space<vmem_shared>>
          tpu.wait_dma2 semaphore(%run_scoped3A : memref<!tpu.dma_semaphore, #tpu.memory_space<semaphore_mem>>) src(%dma_wait3A_62 : memref<4096xf32, #tpu.memory_space<vmem_shared>>) dst(%arg26 : memref<4096xf32, #tpu.memory_space<vmem>>)
          tpu.yield
        }) : () -> ()
        "tpu.region"() ({
          %run_scoped3A = tpu.sem_alloc : memref<!tpu.dma_semaphore, #tpu.memory_space<semaphore_mem>>
          %dma_start3A = tpu.memref_slice %arg12[%multiple_of3A_60] : memref<8388608xf32, #tpu.memory_space<hbm>> -> memref<4096xf32, #tpu.memory_space<hbm>>
          %dma_start3A_61 = tpu.memref_slice %arg12[%multiple_of3A_60] : memref<8388608xf32, #tpu.memory_space<hbm>> -> memref<4096xf32, #tpu.memory_space<hbm>>
          tpu.enqueue_dma source(%arg26 : memref<4096xf32, #tpu.memory_space<vmem>>) target(%dma_start3A_61 : memref<4096xf32, #tpu.memory_space<hbm>>) target_semaphore(%run_scoped3A : memref<!tpu.dma_semaphore, #tpu.memory_space<semaphore_mem>>)
          %dma_wait3A = tpu.memref_slice %arg12[%multiple_of3A_60] : memref<8388608xf32, #tpu.memory_space<hbm>> -> memref<4096xf32, #tpu.memory_space<hbm>>
          %dma_wait3A_62 = tpu.memref_slice %arg12[%multiple_of3A_60] : memref<8388608xf32, #tpu.memory_space<hbm>> -> memref<4096xf32, #tpu.memory_space<hbm>>
          tpu.wait_dma2 semaphore(%run_scoped3A : memref<!tpu.dma_semaphore, #tpu.memory_space<semaphore_mem>>) src(%arg26 : memref<4096xf32, #tpu.memory_space<vmem>>) dst(%dma_wait3A_62 : memref<4096xf32, #tpu.memory_space<hbm>>)
          tpu.yield
        }) : () -> ()
      }
      %while3A_48 = arith.constant 1 : i32
      scf.for %while3A_49 = %while3A_46 to %while3A_42 step %while3A_48  : i32 {
        %mul3A_50 = arith.muli %arg1, %shift_right_arithmetic3A_19 : i32
        %mul3A_51 = arith.constant 4096 : i32
        %mul3A_52 = arith.muli %while3A_49, %mul3A_51 : i32
        %add3A_53 = arith.addi %mul3A_50, %mul3A_52 : i32
        %multiple_of3A = tpu.assume_multiple %add3A_53, 8 : i32
        %mul3A_54 = arith.constant 4194304 : i32
        %mul3A_55 = arith.muli %arg0, %mul3A_54 : i32
        %mul3A_56 = arith.constant 4096 : i32
        %mul3A_57 = arith.muli %mul3A_14, %mul3A_56 : i32
        %add3A_58 = arith.addi %mul3A_55, %mul3A_57 : i32
        %add3A_59 = arith.addi %add3A_58, %multiple_of3A : i32
        %multiple_of3A_60 = tpu.assume_multiple %add3A_59, 8 : i32
        "tpu.region"() ({
          %run_scoped3A = tpu.sem_alloc : memref<!tpu.dma_semaphore, #tpu.memory_space<semaphore_mem>>
          %dma_start3A = tpu.memref_slice %arg27[%multiple_of3A] : memref<1441792xf32, #tpu.memory_space<vmem_shared>> -> memref<4096xf32, #tpu.memory_space<vmem_shared>>
          %dma_start3A_61 = tpu.memref_slice %arg27[%multiple_of3A] : memref<1441792xf32, #tpu.memory_space<vmem_shared>> -> memref<4096xf32, #tpu.memory_space<vmem_shared>>
          tpu.enqueue_dma source(%dma_start3A_61 : memref<4096xf32, #tpu.memory_space<vmem_shared>>) target(%arg26 : memref<4096xf32, #tpu.memory_space<vmem>>) target_semaphore(%run_scoped3A : memref<!tpu.dma_semaphore, #tpu.memory_space<semaphore_mem>>)
          %dma_wait3A = tpu.memref_slice %arg27[%multiple_of3A] : memref<1441792xf32, #tpu.memory_space<vmem_shared>> -> memref<4096xf32, #tpu.memory_space<vmem_shared>>
          %dma_wait3A_62 = tpu.memref_slice %arg27[%multiple_of3A] : memref<1441792xf32, #tpu.memory_space<vmem_shared>> -> memref<4096xf32, #tpu.memory_space<vmem_shared>>
          tpu.wait_dma2 semaphore(%run_scoped3A : memref<!tpu.dma_semaphore, #tpu.memory_space<semaphore_mem>>) src(%dma_wait3A_62 : memref<4096xf32, #tpu.memory_space<vmem_shared>>) dst(%arg26 : memref<4096xf32, #tpu.memory_space<vmem>>)
          tpu.yield
        }) : () -> ()
        "tpu.region"() ({
          %run_scoped3A = tpu.sem_alloc : memref<!tpu.dma_semaphore, #tpu.memory_space<semaphore_mem>>
          %dma_start3A = tpu.memref_slice %arg12[%multiple_of3A_60] : memref<8388608xf32, #tpu.memory_space<hbm>> -> memref<4096xf32, #tpu.memory_space<hbm>>
          %dma_start3A_61 = tpu.memref_slice %arg12[%multiple_of3A_60] : memref<8388608xf32, #tpu.memory_space<hbm>> -> memref<4096xf32, #tpu.memory_space<hbm>>
          tpu.enqueue_dma source(%arg26 : memref<4096xf32, #tpu.memory_space<vmem>>) target(%dma_start3A_61 : memref<4096xf32, #tpu.memory_space<hbm>>) target_semaphore(%run_scoped3A : memref<!tpu.dma_semaphore, #tpu.memory_space<semaphore_mem>>)
          %dma_wait3A = tpu.memref_slice %arg12[%multiple_of3A_60] : memref<8388608xf32, #tpu.memory_space<hbm>> -> memref<4096xf32, #tpu.memory_space<hbm>>
          %dma_wait3A_62 = tpu.memref_slice %arg12[%multiple_of3A_60] : memref<8388608xf32, #tpu.memory_space<hbm>> -> memref<4096xf32, #tpu.memory_space<hbm>>
          tpu.wait_dma2 semaphore(%run_scoped3A : memref<!tpu.dma_semaphore, #tpu.memory_space<semaphore_mem>>) src(%arg26 : memref<4096xf32, #tpu.memory_space<vmem>>) dst(%dma_wait3A_62 : memref<4096xf32, #tpu.memory_space<hbm>>)
          tpu.yield
        }) : () -> ()
      }
    }
    %scan3A_12 = arith.constant 3 : i32
    return
  }
}

module attributes {stable_mosaic.version = 14 : i64} {
  func.func @_tc_body(%arg0: i32, %arg1: memref<1024x64xf32, #tpu.memory_space<vmem>>, %arg2: memref<8x128xf32, #tpu.memory_space<vmem>>, %arg3: memref<8x128xf32, #tpu.memory_space<vmem>>, %arg4: memref<8x128xf32, #tpu.memory_space<vmem>>, %arg5: memref<8x128xf32, #tpu.memory_space<vmem>>, %arg6: memref<8x128xi32, #tpu.memory_space<vmem>>, %arg7: memref<8x128xf32, #tpu.memory_space<vmem>>, %arg8: memref<8x128xf32, #tpu.memory_space<vmem>>, %arg9: memref<8x128xf32, #tpu.memory_space<vmem>>, %arg10: memref<8x128xf32, #tpu.memory_space<vmem>>) attributes {dimension_semantics = [#tpu.dimension_semantics<arbitrary>], iteration_bounds = array<i64: 196>, scalar_prefetch = 0 : i64, scratch_operands = 0 : i64, tpu.core_type = #tpu.core_type<tc>, window_params = [{transform_indices = @transform_0, window_bounds = array<i64: 1024, 64>}, {transform_indices = @transform_1, window_bounds = array<i64: 8, 128>}, {transform_indices = @transform_2, window_bounds = array<i64: 8, 128>}, {transform_indices = @transform_3, window_bounds = array<i64: 8, 128>}, {transform_indices = @transform_4, window_bounds = array<i64: 8, 128>}, {transform_indices = @transform_5, window_bounds = array<i64: 8, 128>}, {transform_indices = @transform_6, window_bounds = array<i64: 8, 128>}, {transform_indices = @transform_7, window_bounds = array<i64: 8, 128>}, {transform_indices = @transform_8, window_bounds = array<i64: 8, 128>}, {transform_indices = @transform_9, window_bounds = array<i64: 8, 128>}]} {
    %get3A = arith.constant 0 : index
    %get3A_0 = arith.constant 0 : index
    %get3A_1 = vector.load %arg1[%get3A, %get3A_0] : memref<1024x64xf32, #tpu.memory_space<vmem>>, vector<1024x64xf32>
    %reduce_max3A = arith.constant dense<0xFF800000> : vector<1024xf32>
    %reduce_max3A_2 = vector.multi_reduction <maximumf>, %get3A_1, %reduce_max3A [1] : vector<1024x64xf32> to vector<1024xf32>
    %broadcast_in_dim3A = vector.shape_cast %reduce_max3A_2 : vector<1024xf32> to vector<1024x1xf32>
    %iota3A = tpu.iota {dimensions = array<i32: 1>} : vector<1024x64xi32>
    %eq3A = vector.broadcast %broadcast_in_dim3A : vector<1024x1xf32> to vector<1024x64xf32>
    %eq3A_3 = arith.cmpf oeq, %get3A_1, %eq3A : vector<1024x64xf32>
    %jit3A = arith.constant 64 : i32
    %broadcast_in_dim3A_4 = vector.broadcast %jit3A : i32 to vector<1024x64xi32>
    %select_n3A = arith.select %eq3A_3, %iota3A, %broadcast_in_dim3A_4 : vector<1024x64xi1>, vector<1024x64xi32>
    %reduce_min3A = arith.constant dense<2147483647> : vector<1024xi32>
    %reduce_min3A_5 = vector.multi_reduction <minsi>, %select_n3A, %reduce_min3A [1] : vector<1024x64xi32> to vector<1024xi32>
    %reshape3A = vector.shape_cast %reduce_min3A_5 : vector<1024xi32> to vector<8x128xi32>
    %swap3A = arith.constant 0 : index
    %swap3A_6 = arith.constant 0 : index
    %swap3A_7 = vector.load %arg6[%swap3A, %swap3A_6] : memref<8x128xi32, #tpu.memory_space<vmem>>, vector<8x128xi32>
    tpu.vector_store %arg6[%swap3A, %swap3A_6], %reshape3A {strides = array<i32>} : memref<8x128xi32, #tpu.memory_space<vmem>>, vector<8x128xi32>,
    %get3A_8 = arith.constant 0 : index
    %get3A_9 = arith.constant 0 : index
    %get3A_10 = vector.load %arg2[%get3A_8, %get3A_9] : memref<8x128xf32, #tpu.memory_space<vmem>>, vector<8x128xf32>
    %mul3A = arith.constant 162.974655 : f32
    %mul3A_11 = vector.broadcast %mul3A : f32 to vector<8x128xf32>
    %mul3A_12 = arith.mulf %get3A_10, %mul3A_11 : vector<8x128xf32>
    %swap3A_13 = arith.constant 0 : index
    %swap3A_14 = arith.constant 0 : index
    %swap3A_15 = vector.load %arg7[%swap3A_13, %swap3A_14] : memref<8x128xf32, #tpu.memory_space<vmem>>, vector<8x128xf32>
    tpu.vector_store %arg7[%swap3A_13, %swap3A_14], %mul3A_12 {strides = array<i32>} : memref<8x128xf32, #tpu.memory_space<vmem>>, vector<8x128xf32>,
    %get3A_16 = arith.constant 0 : index
    %get3A_17 = arith.constant 0 : index
    %get3A_18 = vector.load %arg3[%get3A_16, %get3A_17] : memref<8x128xf32, #tpu.memory_space<vmem>>, vector<8x128xf32>
    %mul3A_19 = arith.constant 651.898621 : f32
    %mul3A_20 = vector.broadcast %mul3A_19 : f32 to vector<8x128xf32>
    %mul3A_21 = arith.mulf %get3A_18, %mul3A_20 : vector<8x128xf32>
    %swap3A_22 = arith.constant 0 : index
    %swap3A_23 = arith.constant 0 : index
    %swap3A_24 = vector.load %arg8[%swap3A_22, %swap3A_23] : memref<8x128xf32, #tpu.memory_space<vmem>>, vector<8x128xf32>
    tpu.vector_store %arg8[%swap3A_22, %swap3A_23], %mul3A_21 {strides = array<i32>} : memref<8x128xf32, #tpu.memory_space<vmem>>, vector<8x128xf32>,
    %get3A_25 = arith.constant 0 : index
    %get3A_26 = arith.constant 0 : index
    %get3A_27 = vector.load %arg4[%get3A_25, %get3A_26] : memref<8x128xf32, #tpu.memory_space<vmem>>, vector<8x128xf32>
    %exp3A = math.exp %get3A_27 : vector<8x128xf32>
    %get3A_28 = arith.constant 0 : index
    %get3A_29 = arith.constant 0 : index
    %get3A_30 = vector.load %arg5[%get3A_28, %get3A_29] : memref<8x128xf32, #tpu.memory_space<vmem>>, vector<8x128xf32>
    %cos3A = math.cos %get3A_30 : vector<8x128xf32>
    %mul3A_31 = arith.mulf %exp3A, %cos3A : vector<8x128xf32>
    %swap3A_32 = arith.constant 0 : index
    %swap3A_33 = arith.constant 0 : index
    %swap3A_34 = vector.load %arg9[%swap3A_32, %swap3A_33] : memref<8x128xf32, #tpu.memory_space<vmem>>, vector<8x128xf32>
    tpu.vector_store %arg9[%swap3A_32, %swap3A_33], %mul3A_31 {strides = array<i32>} : memref<8x128xf32, #tpu.memory_space<vmem>>, vector<8x128xf32>,
    %get3A_35 = arith.constant 0 : index
    %get3A_36 = arith.constant 0 : index
    %get3A_37 = vector.load %arg5[%get3A_35, %get3A_36] : memref<8x128xf32, #tpu.memory_space<vmem>>, vector<8x128xf32>
    %sin3A = math.sin %get3A_37 : vector<8x128xf32>
    %mul3A_38 = arith.mulf %exp3A, %sin3A : vector<8x128xf32>
    %swap3A_39 = arith.constant 0 : index
    %swap3A_40 = arith.constant 0 : index
    %swap3A_41 = vector.load %arg10[%swap3A_39, %swap3A_40] : memref<8x128xf32, #tpu.memory_space<vmem>>, vector<8x128xf32>
    tpu.vector_store %arg10[%swap3A_39, %swap3A_40], %mul3A_38 {strides = array<i32>} : memref<8x128xf32, #tpu.memory_space<vmem>>, vector<8x128xf32>,
    return
  }
  func.func @transform_0(%arg0: i32) -> (i32, i32) {
    %c0_i32 = arith.constant 0 : i32
    %c0_i32_0 = arith.constant 0 : i32
    return %arg0, %c0_i32 : i32, i32
  }
  func.func @transform_1(%arg0: i32) -> (i32, i32) {
    %c0_i32 = arith.constant 0 : i32
    %c0_i32_0 = arith.constant 0 : i32
    return %arg0, %c0_i32 : i32, i32
  }
  func.func @transform_2(%arg0: i32) -> (i32, i32) {
    %c0_i32 = arith.constant 0 : i32
    %c0_i32_0 = arith.constant 0 : i32
    return %arg0, %c0_i32 : i32, i32
  }
  func.func @transform_3(%arg0: i32) -> (i32, i32) {
    %c0_i32 = arith.constant 0 : i32
    %c0_i32_0 = arith.constant 0 : i32
    return %arg0, %c0_i32 : i32, i32
  }
  func.func @transform_4(%arg0: i32) -> (i32, i32) {
    %c0_i32 = arith.constant 0 : i32
    %c0_i32_0 = arith.constant 0 : i32
    return %arg0, %c0_i32 : i32, i32
  }
  func.func @transform_5(%arg0: i32) -> (i32, i32) {
    %c0_i32 = arith.constant 0 : i32
    %c0_i32_0 = arith.constant 0 : i32
    return %arg0, %c0_i32 : i32, i32
  }
  func.func @transform_6(%arg0: i32) -> (i32, i32) {
    %c0_i32 = arith.constant 0 : i32
    %c0_i32_0 = arith.constant 0 : i32
    return %arg0, %c0_i32 : i32, i32
  }
  func.func @transform_7(%arg0: i32) -> (i32, i32) {
    %c0_i32 = arith.constant 0 : i32
    %c0_i32_0 = arith.constant 0 : i32
    return %arg0, %c0_i32 : i32, i32
  }
  func.func @transform_8(%arg0: i32) -> (i32, i32) {
    %c0_i32 = arith.constant 0 : i32
    %c0_i32_0 = arith.constant 0 : i32
    return %arg0, %c0_i32 : i32, i32
  }
  func.func @transform_9(%arg0: i32) -> (i32, i32) {
    %c0_i32 = arith.constant 0 : i32
    %c0_i32_0 = arith.constant 0 : i32
    return %arg0, %c0_i32 : i32, i32
  }
}

</mosaic_0001>

<sc_bundles>
// kernel: kernel.4.cloned.1.call-start
scs
__scs_entry_jumppad:
0x0: {  	(pc) =	sbr.rel $0x88, $3  }
0x1: {  	(tag) =	ssettag $0x0;
	lr =	simm.s32 $0x1  }
0x2: {  	[smem:$0x3F98] =	sst lr;
	_ =	strace $0xD0000000  }
0x3: {  	_ = 	snop  }
0x4: {  	_ = 	snop  }
0x5: {  	_ = 	snop  }
0x6: {  	_ = 	snop  }
0x7: {  	_ = 	snop  }
__scs_overlays_trampoline_lowered:
0x8: {  	[smem:$0x3FA7] =	sst s0  }
0x9: {  	[smem:$0x3FA8] =	sst s1  }
0xa: {  	[smem:$0x3FA9] =	sst s2  }
0xb: {  	[smem:$0x3FAA] =	sst s3  }
0xc: {  	[smem:$0x3FAB] =	sst s4  }
0xd: {  	[smem:$0x3FAC] =	sst s5  }
0xe: {  	[smem:$0x3FAD] =	sst s6  }
0xf: {  	[smem:$0x3FAE] =	sst s7  }
0x10: {  	[smem:$0x3FAF] =	sst s8  }
0x11: {  	[smem:$0x3FB0] =	sst s9;
	s0 =	simm.s32 @!p0 $0x0  }
0x12: {  	s1 =	sld [smem:$0x3F96];
	s0 =	simm.s32 @p0 $0x1  }
0x13: {  	[smem:$0x3FB1] =	sst s0;
	s0 =	simm.s32 @!p1 $0x0  }
0x14: {  	s2 =	sld [smem:$0x3F95];
	s0 =	simm.s32 @p1 $0x1  }
0x15: {  	[smem:$0x3FB2] =	sst s0;
	s0 =	simm.s32 @!p2 $0x0  }
0x16: {  	s3 =	sld [smem:$0x3FDB];
	s0 =	simm.s32 @p2 $0x1  }
0x17: {  	s4 =	simm.s32 $0x1BF5;
	[smem:$0x3FB4] =	sst s0  }
0x18: {  	s0 =	sld [smem:$0x3F97];
	_ =	swait.ge [sflag:s4], $0x0  }
0x19: {  	s7 =	sld [smem:$0x3F98]  }
0x1a: {  	s8 =	sadd.s32 $0xFFFFE003, lr  }
0x1b: {  	s9 =	sadd.s32 $0xFFFFFEF7, lr;
	s5 =	simm.s32 $0xFFFFFFFF;
	p2 =	slt.u32 s8, $0xFFFFF086  }
0x1c: {  	p1 =	slt.u32 s9, $0xF7A;
	s5 =	simm.s32 @!p2 $0x0  }
0x1d: {  	s5 =	simm.s32 @p1 $0x1;
	p0 =	seq.s32 s7, s2  }
0x1e: {  	s7 =	smul.u32 @!p0 $0xF7A, s2;
	p2 =	seq.s32 @!p0 s5, $0x0  }
0x1f: {  	s9 =	smul.u32 $0xF7A, s1;
	s8 =	simm.s32 @!p0 $0x1BF5;
	p2 =	por !p2, p0  }
0x20: {  	[sflag:s8] =	ssyncset.s32 @!p0 $0xFFFFF086;
	s6 =	sadd.s32 @!p0 s3, s7;
	s7 =	simm.s32 @!p0 $0x108  }
0x21: {  	s3 =	sadd.s32 s3, s9;
	s6 =	sadd.s32 @!p0 $0x88, s6;
	s7 =	simm.s32 @p2 $0x1082  }
0x22: {  	[simem:s7], [sflag:s8] =	dma.local @!p0 [hbm:s6], $0xF7A  }
0x23: {  	s9 =	sor.u32 $0xD0000000, s2;
	s6 =	simm.s32 $0x108;
	_ =	swait.ge @!p0 [sflag:s8], $0x0  }
0x24: {  	s3 =	sadd.s32 $0x88, s3;
	s6 =	simm.s32 @!p1 $0x1082;
	[sflag:s4] =	ssyncset.s32 $0xFFFFF086  }
0x25: {  	[simem:s6], [sflag:s4] =	dma.local [hbm:s3], $0xF7A  }
0x26: {  	[smem:$0x3F98] =	sst s1;
	(tag) =	ssettag s2;
	_ =	strace s9  }
0x27: {  	s1 =	sld [smem:$0x3FA8]  }
0x28: {  	s2 =	sld [smem:$0x3FA9]  }
0x29: {  	s4 =	sld [smem:$0x3FAB]  }
0x2a: {  	p0 =	seq.s32 s5, $0x0;
	s5 =	sld [smem:$0x3FAC]  }
0x2b: {  	s6 =	sld [smem:$0x3FAD]  }
0x2c: {  	s7 =	sld [smem:$0x3FAE]  }
0x2d: {  	s3 =	simm.s32 $0x108;
	s8 =	sld [smem:$0x3FAF]  }
0x2e: {  	s3 =	simm.s32 @!p0 $0x1082;
	s9 =	sld [smem:$0x3FB0]  }
0x2f: {  	lr =	sadd.s32 s0, s3;
	s0 =	sld [smem:$0x3FA7]  }
0x30: {  	s3 =	sld [smem:$0x3FAA]  }
0x31: {  	[smem:$0x3FB3] =	sst s10  }
0x32: {  	s10 =	sld [smem:$0x3FB1];
	_ =	sdelay $0x3  }
0x33: {  	p0 =	seq.s32 s10, $0x1;
	s10 =	sld [smem:$0x3FB3];
	_ =	sdelay $0x3  }
0x34: {  	[smem:$0x3FB3] =	sst s10  }
0x35: {  	s10 =	sld [smem:$0x3FB2];
	_ =	sdelay $0x3  }
0x36: {  	p1 =	seq.s32 s10, $0x1;
	s10 =	sld [smem:$0x3FB3];
	_ =	sdelay $0x3  }
0x37: {  	[smem:$0x3FB3] =	sst s10  }
0x38: {  	s10 =	sld [smem:$0x3FB4]  }
0x39: {  	_ = 	snop;
	(pc) =	sbr.ind lr, $3  }
0x3a: {  	_ = 	snop  }
0x3b: {  	_ = 	snop  }
0x3c: {  	p2 =	seq.s32 s10, $0x1;
	s10 =	sld [smem:$0x3FB3]  }
0x3d: {  	_ =	shalt  }
0x3e: {  	_ =	shalt  }
0x3f: {  	_ =	shalt  }
0x40: {  	_ =	shalt  }
0x41: {  	_ =	shalt  }
0x42: {  	_ =	shalt  }
0x43: {  	_ =	shalt  }
0x44: {  	_ =	shalt  }
0x45: {  	_ =	shalt  }
0x46: {  	_ =	shalt  }
0x47: {  	_ =	shalt  }
0x48: {  	_ =	shalt  }
0x49: {  	_ =	shalt  }
0x4a: {  	_ =	shalt  }
0x4b: {  	_ =	shalt  }
0x4c: {  	_ =	shalt  }
0x4d: {  	_ =	shalt  }
0x4e: {  	_ =	shalt  }
0x4f: {  	_ =	shalt  }
0x50: {  	_ =	shalt  }
0x51: {  	_ =	shalt  }
0x52: {  	_ =	shalt  }
0x53: {  	_ =	shalt  }
0x54: {  	_ =	shalt  }
0x55: {  	_ =	shalt  }
0x56: {  	_ =	shalt  }
0x57: {  	_ =	shalt  }
0x58: {  	_ =	shalt  }
0x59: {  	_ =	shalt  }
0x5a: {  	_ =	shalt  }
0x5b: {  	_ =	shalt  }
0x5c: {  	_ =	shalt  }
0x5d: {  	_ =	shalt  }
0x5e: {  	_ =	shalt  }
0x5f: {  	_ =	shalt  }
0x60: {  	_ =	shalt  }
0x61: {  	_ =	shalt  }
0x62: {  	_ =	shalt  }
0x63: {  	_ =	shalt  }
0x64: {  	_ =	shalt  }
0x65: {  	_ =	shalt  }
0x66: {  	_ =	shalt  }
0x67: {  	_ =	shalt  }
0x68: {  	_ =	shalt  }
0x69: {  	_ =	shalt  }
0x6a: {  	_ =	shalt  }
0x6b: {  	_ =	shalt  }
0x6c: {  	_ =	shalt  }
0x6d: {  	_ =	shalt  }
0x6e: {  	_ =	shalt  }
0x6f: {  	_ =	shalt  }
0x70: {  	_ =	shalt  }
0x71: {  	_ =	shalt  }
0x72: {  	_ =	shalt  }
0x73: {  	_ =	shalt  }
0x74: {  	_ =	shalt  }
0x75: {  	_ =	shalt  }
0x76: {  	_ =	shalt  }
0x77: {  	_ =	shalt  }
0x78: {  	_ =	shalt  }
0x79: {  	_ =	shalt  }
0x7a: {  	_ =	shalt  }
0x7b: {  	_ =	shalt  }
0x7c: {  	_ =	shalt  }
0x7d: {  	_ =	shalt  }
0x7e: {  	_ =	shalt  }
0x7f: {  	_ =	shalt  }
0x80: {  	_ =	shalt  }
0x81: {  	_ =	shalt  }
0x82: {  	_ =	shalt  }
0x83: {  	_ =	shalt  }
0x84: {  	_ =	shalt  }
0x85: {  	_ =	shalt  }
0x86: {  	_ =	shalt  }
0x87: {  	_ =	shalt  }
.Lfunc_end0:
.L_simem_size_0:
called_computation_lowered:
.L_overlay_start_0:
0x88: {  	s2 =	sld [smem:$0x3FD9]  }
0x89: {  	s3 =	sld [smem:$0x3FFE];
	_ =	sdelay $0x1  }
0x8a: {  	s1 =	srdreg.scid  }
0x8b: {  	s0 =	sand.u32 $0x1, s1  }
0x8c: {  	s17 =	sshll.u32 s0, $0xA;
	s2 =	sadd.s32 s3, s2  }
0x8d: {  	s2 =	sadd.s32 s2, s17  }
0x8e: {  	[smem:$0x3FBF] =	sst s2  }
0x8f: {  	_ = 	snop  }
0x90: {  	s2 =	sld [smem:$0x3FD0];
	(tm) =	ssettm $0x1  }
0x91: {  	s18 =	sld [smem:$0x3FFB];
	_ =	sdelay $0x3  }
0x92: {  	_ =	strace s18  }
0x93: {  	s3 =	sld [smem:$0x3FFC];
	_ =	sdelay $0x3  }
0x94: {  	_ =	strace s3  }
0x95: {  	s3 =	sld [smem:$0x3FFD];
	_ =	sdelay $0x3  }
0x96: {  	_ =	strace s3  }
0x97: {  	_ =	strace $0x8FFFFFFF  }
0x98: {  	s19 =	sld [smem:$0x3FDB];
	_ =	sdelay $0x1  }
0x99: {  	s4 =	simm.s32 $_scs_section_size  }
0x9a: {  	s5 =	simm.s32 $_size__tile_overlayer_lowered;
	s6 =	simm.s32 $_tile_overlayer_lowered  }
0x9b: {  	s22 =	simm.s32 $0x1BFF;
	s21 =	sshll.u32 s6, $0x1;
	s3 =	sadd.s32 s4, s19  }
0x9c: {  	s7 =	simm.s32 $0x0;
	s20 =	sshll.u32 s5, $0x1;
	s5 =	sadd.s32 s21, s3  }
0x9d: {  	[timem:s7], [sflag:s22] =	dma.local [hbm:s5], s20  }
0x9e: {  	_ =	swait.ge [sflag:s22], s20  }
0x9f: {  	s4 =	ssub.s32 $0x0, s20;
	[sflag:s22] =	ssyncset.done $0x0  }
0xa0: {  	[sflag:s22] =	ssyncadd.s32 s4;
	_ =	sdelay $0x1  }
0xa1: {  	s23 =	simm.s32 $0x1B8B  }
0xa2: {  	_ =	swait.ge [sflag:s23], $0x1  }
0xa3: {  	[sflag:s23] =	ssyncset.done $0x0  }
0xa4: {  	s25 =	simm.s32 $0x1B8E;
	s24 =	sld [smem:$0x3FFE];
	[sflag:s23] =	ssyncadd.s32 $0xFFFFFFFF  }
0xa5: {  	s26 =	simm.s32 $execute0_lowered;
	[smem:$0x3FD2] =	sst s25  }
0xa6: {  	s5 =	sshll.u32 s26, $0x1;
	_ =	strace $0x80000046;
	[dreg:$0x1] =	wrdreg $0xFFFFFFFF  }
0xa7: {  	s28 =	simm.s32 $_size_execute0_lowered;
	s3 =	sadd.s32 s3, s5;
	[dreg:$0x0] =	wrdreg $0x0  }
0xa8: {  	s5 =	sshll.u32 s28, $0x1;
	[dreg:$0x2] =	wrdreg s3  }
0xa9: {  	[dreg:$0x3] =	wrdreg s5  }
0xaa: {  	[dreg:$0x4] =	wrdreg $0xC0  }
0xab: {  	_ =	task [dreg:s7], $0x5FFFF  }
0xac: {  	[dreg:$0x1] =	wrdreg $0xFFFFFFFF  }
0xad: {  	[dreg:$0x0] =	wrdreg $0x60  }
0xae: {  	[dreg:$0x2] =	wrdreg s24  }
0xaf: {  	[dreg:$0x3] =	wrdreg s2  }
0xb0: {  	[dreg:$0x4] =	wrdreg $0x8F800  }
0xb1: {  	[dreg:$0x5] =	wrdreg $0x9  }
0xb2: {  	_ =	task.clear_ibuf [dreg:s7], $0x6FFFF;
	_ =	strace $0x90000046  }
0xb3: {  	s29 =	simm.s32 $0x9;
	_ =	strace $0x80000048  }
0xb4: {  	_ =	swait.ge [sflag:s29], $0x1  }
0xb5: {  	[sflag:s29] =	ssyncadd.s32 $0xFFFFFFFF  }
0xb6: {  	_ =	strace $0x90000048  }
0xb7: {  	_ =	sfence  }
0xb8: {  	s30 =	sld [smem:$0x0];
	_ =	sdelay $0x2  }
0xb9: {  	s31 =	sshll.u32 s1, $0xD;
	s1 =	sshrl.u32 s1, $0x2  }
0xba: {  	s3 =	sand.u32 $0x4000, s31;
	s1 =	sadd.s32 s1, s30  }
0xbb: {  	s0 =	sor.u32 s3, s0;
	s1 =	sshll.u32 s1, $0x11  }
0xbc: {  	s0 =	sor.u32 s1, s0  }
0xbd: {  	s0 =	sadd.s32 $0x8F2B, s0  }
0xbe: {  	[sflag:s0] =	ssyncadd.remote.s32 $0x1  }
0xbf: {  	_ =	sfence.sel $0xFFFF  }
0xc0: {  	[dreg:$0x0] =	wrdreg $0xFFFFFFFF;
	(pc) =	sbr.abs _section_cstart, $3  }
0xc1: {  	[dreg:$0x1] =	wrdreg $0xFFFFFFFF  }
0xc2: {  	_ =	task.clear_ibuf [dreg:s7], $0x2FFFF;
	_ =	strace $0x9FFFFFFF  }
0xc3: {  	(tm) =	ssettm $0x7FFFFFFF  }
tec
execute0_lowered:
.L_overlay_start_1:
0x0: {  	(tag) =	ssettag $0x1  }
0x1: {  	s0 =	rddreg [dreg:$0x0]  }
0x2: {  	s1 =	rddreg [dreg:$0x1]  }
0x3: {  	s2 =	rddreg [dreg:$0x2];
	s3 =	simm.s32 $0x0;
	s16 =	srdreg.scid  }
0x4: {  	s7 =	stileid.u32;
	[smem:$0x7FF] =	sst s3  }
0x5: {  	s4 =	sadd.s32 $0x2000, s0;
	s13 =	sadd.s32 $0x2200, s0;
	s14 =	sadd.s32 $0x2400, s0  }
0x6: {  	s15 =	sadd.s32 $0x2600, s0;
	_ =	strace $0x80000047;
	[dreg:$0x4] =	wrdreg s4  }
0x7: {  	s9 =	sadd.s32 $0x2800, s0;
	s10 =	sadd.s32 $0x8A00, s0;
	[dreg:$0x5] =	wrdreg s13  }
0x8: {  	s11 =	sadd.s32 $0xEC00, s0;
	s5 =	smul.u32 $0x58000, s7;
	[dreg:$0x6] =	wrdreg s14  }
0x9: {  	s12 =	sadd.s32 $0x14E00, s0;
	s6 =	sadd.s32 $0x1B000, s0;
	[dreg:$0x7] =	wrdreg s15  }
0xa: {  	s0 =	sadd.s32 $0x1B200, s0;
	s4 =	sand.u32 $0x1, s16;
	[dreg:$0x8] =	wrdreg s6  }
0xb: {  	[dreg:$0x9] =	wrdreg s0;
	s5 =	sshrl.u32 s5, $0x2;
	s19 =	sshll.u32 s4, $0x16  }
0xc: {  	s5 =	sadd.s32 s5, s2;
	[dreg:$0xb] =	wrdreg s19  }
0xd: {  	s20 =	sadd.s32 $0x1000, s5;
	[dreg:$0xa] =	wrdreg s5  }
0xe: {  	s21 =	sadd.s32 $0x2000, s5;
	[dreg:$0xd] =	wrdreg s20  }
0xf: {  	s22 =	sadd.s32 $0x3000, s5;
	[dreg:$0xe] =	wrdreg s21  }
0x10: {  	s23 =	sadd.s32 $0x4000, s5;
	[dreg:$0xf] =	wrdreg s22  }
0x11: {  	s24 =	sadd.s32 $0x5000, s5;
	[dreg:$0x10] =	wrdreg s23  }
0x12: {  	s25 =	sadd.s32 $0x6000, s5;
	[dreg:$0x11] =	wrdreg s24  }
0x13: {  	s17 =	ssub.s32 $0x2, s4;
	s26 =	sadd.s32 $0x7000, s5;
	[dreg:$0x12] =	wrdreg s25  }
0x14: {  	p0 =	seq.s32 s4, $0x0;
	s4 =	sadd.s32 $0x8000, s5;
	[dreg:$0x13] =	wrdreg s26  }
0x15: {  	s6 =	sadd.s32 $0x9000, s5;
	[dreg:$0x14] =	wrdreg s4  }
0x16: {  	s8 =	sadd.s32 $0xA000, s5;
	[dreg:$0x15] =	wrdreg s6  }
0x17: {  	s13 =	sadd.s32 $0xB000, s5;
	[dreg:$0x16] =	wrdreg s8  }
0x18: {  	s14 =	sadd.s32 $0xC000, s5;
	[dreg:$0x17] =	wrdreg s13  }
0x19: {  	s18 =	sshrl.u32 s17, $0x1;
	s15 =	sadd.s32 $0xD000, s5;
	[dreg:$0x18] =	wrdreg s14  }
0x1a: {  	s0 =	ssub.s32 s17, s18;
	s17 =	sadd.s32 $0xE000, s5;
	[dreg:$0x19] =	wrdreg s15  }
0x1b: {  	s18 =	sadd.s32 $0xF000, s5;
	[dreg:$0x1a] =	wrdreg s17  }
0x1c: {  	s19 =	sadd.s32 $0x10000, s5;
	[dreg:$0x1b] =	wrdreg s18  }
0x1d: {  	s0 =	smax.u32 s0, $0x1;
	[dreg:$0x1c] =	wrdreg s19  }
0x1e: {  	s28 =	simm.s32 $0x2180;
	s20 =	sadd.s32 $0x11000, s5;
	[dreg:$0xc] =	wrdreg s0  }
0x1f: {  	s29 =	simm.s32 $0x2880;
	s21 =	sadd.s32 $0x12000, s5;
	[dreg:$0x1d] =	wrdreg s20  }
0x20: {  	s30 =	simm.s32 $0x2F80;
	s22 =	sadd.s32 $0x13000, s5;
	[dreg:$0x1e] =	wrdreg s21  }
0x21: {  	s31 =	simm.s32 $0x4F80;
	s23 =	sadd.s32 $0x14000, s5;
	[dreg:$0x1f] =	wrdreg s22  }
0x22: {  	s16 =	smul.u32 $0x3100, s7;
	s24 =	sadd.s32 $0x15000, s5;
	[smem:$0x7FA] =	sst s23  }
0x23: {  	s25 =	sshll.u32 s7, $0xA;
	s26 =	sshll.u32 s7, $0x8;
	[smem:$0x7FB] =	sst s24  }
0x24: {  	s7 =	simm.s32 $0x7F80;
	s5 =	simm.s32 $0x0;
	[smem:$0x7FC] =	sst s25  }
0x25: {  	[smem:$0x7FD] =	sst s26;
	s20 =	simm.s32 $0x1;
	s21 =	simm.s32 $0x280  }
0x26: {  	s22 =	simm.s32 $0x500;
	s23 =	simm.s32 $0x6F80;
	s24 =	simm.s32 $0xC80  }
0x27: {  	v0 =	vimm.s32 $0x0;
	v1 =	vimm.f32 $0.0e+00;
	v2 =	vlaneseq.u32;
	s25 =	simm.s32 $0x1380;
	s26 =	simm.s32 $0x1A80;
	s0 =	simm.s32 $0x2000  }
.LBB2_1:
0x28: {  	[smem:$0x7F9] =	sst s5  }
0x29: {  	s4 =	rddreg [dreg:$0x4];
	s13 =	simm.s32 $0x780  }
0x2a: {  	[tilespmem:s13], [sflag:$0x1] =	stream.linear.gather [hbm4b:s4+s3], $0x280, $0x38;
	[tilespmem:$0x1EF80] =	vst v63  }
0x2b: {  	_ =	swait.ge [sflag:s20], $0x280  }
0x2c: {  	[sflag:s20] =	ssyncset.done $0x0  }
0x2d: {  	s15 =	simm.s32 $0xA00;
	s14 =	rddreg [dreg:$0x7];
	[sflag:s20] =	ssyncadd.s32 $0xFFFFFD80  }
0x2e: {  	[tilespmem:s15], [sflag:$0x1] =	stream.linear.gather [hbm4b:s14+s3], $0x280, $0x38;
	[tilespmem:$0x1EF80] =	vst v63  }
0x2f: {  	_ =	swait.ge [sflag:s20], $0x280  }
0x30: {  	[sflag:s20] =	ssyncset.done $0x0  }
0x31: {  	s17 =	rddreg [dreg:$0x5];
	[sflag:s20] =	ssyncadd.s32 $0xFFFFFD80  }
0x32: {  	[tilespmem:s21], [sflag:$0x1] =	stream.linear.gather [hbm4b:s17+s3], $0x280, $0x38;
	[tilespmem:$0x1EF80] =	vst v63  }
0x33: {  	_ =	swait.ge [sflag:s20], $0x280  }
0x34: {  	[sflag:s20] =	ssyncset.done $0x0  }
0x35: {  	s18 =	rddreg [dreg:$0x6];
	[sflag:s20] =	ssyncadd.s32 $0xFFFFFD80  }
0x36: {  	[tilespmem:s22], [sflag:$0x1] =	stream.linear.gather [hbm4b:s18+s3], $0x280, $0x38;
	[tilespmem:$0x1EF80] =	vst v63  }
0x37: {  	_ =	swait.ge [sflag:s20], $0x280  }
0x38: {  	[sflag:s20] =	ssyncset.done $0x0  }
0x39: {  	s19 =	rddreg [dreg:$0x8];
	[sflag:s20] =	ssyncadd.s32 $0xFFFFFD80  }
0x3a: {  	[tilespmem:s23], [sflag:$0x1] =	stream.linear.gather [hbm4b:s19+s3], $0x1000, $0x38;
	[tilespmem:$0x1EF80] =	vst v63  }
0x3b: {  	_ =	swait.ge [sflag:s20], $0x1000  }
0x3c: {  	[sflag:s20] =	ssyncset.done $0x0  }
0x3d: {  	s8 =	simm.s32 $0x0;
	[sflag:s20] =	ssyncadd.s32 $0xFFFFF000  }
0x3e: {  	v3 =	vld [tilespmem:s8+$0xA00];
	_ =	sdelay $0x1  }
0x3f: {  	s4 =	simm.s32 $0x10  }
0x40: {  	v4 =	vld [tilespmem:s4+$0xA00];
	_ =	sdelay $0x1  }
0x41: {  	v3 =	vsub.f32 $0.0e+00, v3;
	_ =	sdelay $0x1  }
0x42: {  	v3 =	vmul.f32 $1.442695020e+00, v3  }
0x43: {  	v4 =	vsub.f32 $0.0e+00, v4  }
0x44: {  	s6 =	simm.s32 $0x20;
	(erf) = vpow2.f32 v3  }
0x45: {  	v3 =	vmul.f32 $1.442695020e+00, v4;
	v4 =	vld [tilespmem:s6+$0xA00];
	_ =	sdelay $0x1  }
0x46: {  	(erf) = vpow2.f32 v3  }
0x47: {  	s5 =	simm.s32 $0x30  }
0x48: {  	v3 =	vld [tilespmem:s5+$0xA00]  }
0x49: {  	v4 =	vsub.f32 $0.0e+00, v4;
	_ =	sdelay $0x1  }
0x4a: {  	v4 =	vmul.f32 $1.442695020e+00, v4  }
0x4b: {  	v5 =	vpop (erf)  }
0x4c: {  	v3 =	vsub.f32 $0.0e+00, v3;
	v5 =	vadd.f32 $1.000000000e+00, v5  }
0x4d: {  	(erf) = vpow2.f32 v4  }
0x4e: {  	v3 =	vmul.f32 $1.442695020e+00, v3;
	v4 =	vpop (erf);
	(erf) = vrcp.f32 v5  }
0x4f: {  	s13 =	simm.s32 $0x40;
	v5 =	vadd.f32 $1.000000000e+00, v4  }
0x50: {  	v4 =	vld [tilespmem:s13+$0xA00];
	(erf) = vpow2.f32 v3  }
0x51: {  	(erf) = vrcp.f32 v5;
	_ =	sdelay $0x1  }
0x52: {  	s14 =	simm.s32 $0x140;
	v3 =	vld [tilespmem:s8+$0x780]  }
.LBB2_2:
0x53: {  	s15 =	smov.u32 s5  }
0x54: {  	v5 =	vsub.f32 $0.0e+00, v4;
	s5 =	smov.u32 s13;
	s13 =	sshra.s32 s14, $0x2;
	p1 =	sne.s32 s14, $0x8C0  }
.Ltmp0:
0x55: {  	s14 =	sadd.s32 $0x40, s14;
	v4 =	vld [tilespmem:s13+$0xA00];
	v6 =	vpop (erf);
	(pc) =	sbr.rel @p1 .LBB2_2-.Ltmp0, $4  }
0x56: {  	v5 =	vmul.f32 $1.442695020e+00, v5;
	v7 =	vpop (erf)  }
0x57: {  	v6 =	vadd.f32 $1.000000000e+00, v6;
	v7 =	vmul.f32 v7, v3  }
0x58: {  	(erf) = vpow2.f32 v5;
	v3 =	vld [tilespmem:s4+$0x780]  }
0x59: {  	(erf) = vrcp.f32 v6;
	[tilespmem:s8+$0x0] =	vst v7;
	s8 =	smov.u32 s4;
	s4 =	smov.u32 s6;
	s6 =	smov.u32 s15  }
0x5a: {  	v4 =	vsub.f32 $0.0e+00, v4;
	_ =	sdelay $0x1  }
0x5b: {  	v4 =	vmul.f32 $1.442695020e+00, v4;
	_ =	sdelay $0x1  }
0x5c: {  	(erf) = vpow2.f32 v4  }
0x5d: {  	v58 =	vpop (erf)  }
0x5e: {  	v4 =	vadd.f32 $1.000000000e+00, v58  }
0x5f: {  	v59 =	vpop (erf)  }
0x60: {  	v3 =	vmul.f32 v59, v3;
	(erf) = vrcp.f32 v4;
	_ =	sdelay $0x2  }
0x61: {  	v60 =	vld [tilespmem:s4+$0x780];
	v5 =	vpop (erf)  }
0x62: {  	[tilespmem:s8+$0x0] =	vst v3;
	v3 =	vpop (erf)  }
0x63: {  	v6 =	vld [tilespmem:s6+$0x780];
	v5 =	vadd.f32 $1.000000000e+00, v5;
	v7 =	vpop (erf)  }
0x64: {  	v7 =	vadd.f32 $1.000000000e+00, v7  }
0x65: {  	(erf) = vrcp.f32 v5  }
0x66: {  	v3 =	vmul.f32 v3, v60;
	(erf) = vrcp.f32 v7  }
0x67: {  	v61 =	vpop (erf)  }
0x68: {  	[tilespmem:s4+$0x0] =	vst v3;
	v3 =	vmul.f32 v61, v6;
	_ =	sdelay $0x1  }
0x69: {  	v62 =	vld [tilespmem:s5+$0x780];
	[tilespmem:s6+$0x0] =	vst v3  }
0x6a: {  	v3 =	vld [tilespmem:s13+$0x780];
	_ =	sdelay $0x2  }
0x6b: {  	v5 =	vpop (erf)  }
0x6c: {  	v4 =	vmul.f32 v5, v62;
	v63 =	vpop (erf)  }
0x6d: {  	v3 =	vmul.f32 v63, v3  }
0x6e: {  	[tilespmem:s5+$0x0] =	vst v4  }
0x6f: {  	s8 =	simm.s32 $0x400;
	s4 =	simm.s32 $0x0;
	s6 =	rddreg [dreg:$0xb];
	[tilespmem:s13+$0x0] =	vst v3  }
.LBB2_4:
0x70: {  	s5 =	rddreg [dreg:$0xa]  }
0x71: {  	[spmem:s5] =	stream.linear.scatter [tilespmem:s23], [sflag:$0x1], $0x1000, $0x38;
	[tilespmem:$0x1EF80] =	vst v63  }
0x72: {  	_ =	swait.ge [sflag:s20], $0x1000  }
0x73: {  	[sflag:s20] =	ssyncset.done $0x0  }
0x74: {  	s18 =	rddreg [dreg:$0xd];
	[sflag:s20] =	ssyncadd.s32 $0xFFFFF000  }
0x75: {  	[spmem:s18] =	stream.linear.scatter [tilespmem:s23], [sflag:$0x1], $0x1000, $0x38;
	[tilespmem:$0x1EF80] =	vst v63  }
0x76: {  	_ =	swait.ge [sflag:s20], $0x1000  }
0x77: {  	[sflag:s20] =	ssyncset.done $0x0  }
0x78: {  	s19 =	rddreg [dreg:$0xe];
	[sflag:s20] =	ssyncadd.s32 $0xFFFFF000  }
0x79: {  	[spmem:s19] =	stream.linear.scatter [tilespmem:s23], [sflag:$0x1], $0x1000, $0x38;
	[tilespmem:$0x1EF80] =	vst v63  }
0x7a: {  	_ =	swait.ge [sflag:s20], $0x1000  }
0x7b: {  	[sflag:s20] =	ssyncset.done $0x0  }
0x7c: {  	s13 =	rddreg [dreg:$0xf];
	[sflag:s20] =	ssyncadd.s32 $0xFFFFF000  }
0x7d: {  	[spmem:s13] =	stream.linear.scatter [tilespmem:s23], [sflag:$0x1], $0x1000, $0x38;
	[tilespmem:$0x1EF80] =	vst v63  }
0x7e: {  	_ =	swait.ge [sflag:s20], $0x1000  }
0x7f: {  	[sflag:s20] =	ssyncset.done $0x0  }
0x80: {  	s14 =	rddreg [dreg:$0x10];
	[sflag:s20] =	ssyncadd.s32 $0xFFFFF000  }
0x81: {  	[spmem:s14] =	stream.linear.scatter [tilespmem:s23], [sflag:$0x1], $0x1000, $0x38;
	[tilespmem:$0x1EF80] =	vst v63  }
0x82: {  	_ =	swait.ge [sflag:s20], $0x1000  }
0x83: {  	[sflag:s20] =	ssyncset.done $0x0  }
0x84: {  	s15 =	rddreg [dreg:$0x11];
	[sflag:s20] =	ssyncadd.s32 $0xFFFFF000  }
0x85: {  	[spmem:s15] =	stream.linear.scatter [tilespmem:s23], [sflag:$0x1], $0x1000, $0x38;
	[tilespmem:$0x1EF80] =	vst v63  }
0x86: {  	_ =	swait.ge [sflag:s20], $0x1000  }
0x87: {  	[sflag:s20] =	ssyncset.done $0x0  }
0x88: {  	s17 =	rddreg [dreg:$0x12];
	[sflag:s20] =	ssyncadd.s32 $0xFFFFF000  }
0x89: {  	[spmem:s17] =	stream.linear.scatter [tilespmem:s23], [sflag:$0x1], $0x1000, $0x38;
	[tilespmem:$0x1EF80] =	vst v63  }
0x8a: {  	_ =	swait.ge [sflag:s20], $0x1000  }
0x8b: {  	[sflag:s20] =	ssyncset.done $0x0  }
0x8c: {  	s18 =	rddreg [dreg:$0x13];
	[sflag:s20] =	ssyncadd.s32 $0xFFFFF000  }
0x8d: {  	[spmem:s18] =	stream.linear.scatter [tilespmem:s23], [sflag:$0x1], $0x1000, $0x38;
	[tilespmem:$0x1EF80] =	vst v63  }
0x8e: {  	_ =	swait.ge [sflag:s20], $0x1000  }
0x8f: {  	[sflag:s20] =	ssyncset.done $0x0  }
0x90: {  	s19 =	rddreg [dreg:$0x14];
	[sflag:s20] =	ssyncadd.s32 $0xFFFFF000  }
0x91: {  	[spmem:s19] =	stream.linear.scatter [tilespmem:s23], [sflag:$0x1], $0x1000, $0x38;
	[tilespmem:$0x1EF80] =	vst v63  }
0x92: {  	_ =	swait.ge [sflag:s20], $0x1000  }
0x93: {  	[sflag:s20] =	ssyncset.done $0x0  }
0x94: {  	s13 =	rddreg [dreg:$0x15];
	[sflag:s20] =	ssyncadd.s32 $0xFFFFF000  }
0x95: {  	[spmem:s13] =	stream.linear.scatter [tilespmem:s23], [sflag:$0x1], $0x1000, $0x38;
	[tilespmem:$0x1EF80] =	vst v63  }
0x96: {  	_ =	swait.ge [sflag:s20], $0x1000  }
0x97: {  	[sflag:s20] =	ssyncset.done $0x0  }
0x98: {  	s14 =	rddreg [dreg:$0x16];
	[sflag:s20] =	ssyncadd.s32 $0xFFFFF000  }
0x99: {  	[spmem:s14] =	stream.linear.scatter [tilespmem:s23], [sflag:$0x1], $0x1000, $0x38;
	[tilespmem:$0x1EF80] =	vst v63  }
0x9a: {  	_ =	swait.ge [sflag:s20], $0x1000  }
0x9b: {  	[sflag:s20] =	ssyncset.done $0x0  }
0x9c: {  	s15 =	rddreg [dreg:$0x17];
	[sflag:s20] =	ssyncadd.s32 $0xFFFFF000  }
0x9d: {  	[spmem:s15] =	stream.linear.scatter [tilespmem:s23], [sflag:$0x1], $0x1000, $0x38;
	[tilespmem:$0x1EF80] =	vst v63  }
0x9e: {  	_ =	swait.ge [sflag:s20], $0x1000  }
0x9f: {  	[sflag:s20] =	ssyncset.done $0x0  }
0xa0: {  	s17 =	rddreg [dreg:$0x18];
	[sflag:s20] =	ssyncadd.s32 $0xFFFFF000  }
0xa1: {  	[spmem:s17] =	stream.linear.scatter [tilespmem:s23], [sflag:$0x1], $0x1000, $0x38;
	[tilespmem:$0x1EF80] =	vst v63  }
0xa2: {  	_ =	swait.ge [sflag:s20], $0x1000  }
0xa3: {  	[sflag:s20] =	ssyncset.done $0x0  }
0xa4: {  	s18 =	rddreg [dreg:$0x19];
	[sflag:s20] =	ssyncadd.s32 $0xFFFFF000  }
0xa5: {  	[spmem:s18] =	stream.linear.scatter [tilespmem:s23], [sflag:$0x1], $0x1000, $0x38;
	[tilespmem:$0x1EF80] =	vst v63  }
0xa6: {  	_ =	swait.ge [sflag:s20], $0x1000  }
0xa7: {  	[sflag:s20] =	ssyncset.done $0x0  }
0xa8: {  	s19 =	rddreg [dreg:$0x1a];
	[sflag:s20] =	ssyncadd.s32 $0xFFFFF000  }
0xa9: {  	[spmem:s19] =	stream.linear.scatter [tilespmem:s23], [sflag:$0x1], $0x1000, $0x38;
	[tilespmem:$0x1EF80] =	vst v63  }
0xaa: {  	_ =	swait.ge [sflag:s20], $0x1000  }
0xab: {  	[sflag:s20] =	ssyncset.done $0x0  }
0xac: {  	s13 =	rddreg [dreg:$0x1b];
	[sflag:s20] =	ssyncadd.s32 $0xFFFFF000  }
0xad: {  	[spmem:s13] =	stream.linear.scatter [tilespmem:s23], [sflag:$0x1], $0x1000, $0x38;
	[tilespmem:$0x1EF80] =	vst v63  }
0xae: {  	_ =	swait.ge [sflag:s20], $0x1000  }
0xaf: {  	[sflag:s20] =	ssyncset.done $0x0  }
0xb0: {  	s14 =	rddreg [dreg:$0x1c];
	[sflag:s20] =	ssyncadd.s32 $0xFFFFF000  }
0xb1: {  	[spmem:s14] =	stream.linear.scatter [tilespmem:s23], [sflag:$0x1], $0x1000, $0x38;
	[tilespmem:$0x1EF80] =	vst v63  }
0xb2: {  	_ =	swait.ge [sflag:s20], $0x1000  }
0xb3: {  	[sflag:s20] =	ssyncset.done $0x0  }
0xb4: {  	s15 =	rddreg [dreg:$0x1d];
	[sflag:s20] =	ssyncadd.s32 $0xFFFFF000  }
0xb5: {  	[spmem:s15] =	stream.linear.scatter [tilespmem:s23], [sflag:$0x1], $0x1000, $0x38;
	[tilespmem:$0x1EF80] =	vst v63  }
0xb6: {  	_ =	swait.ge [sflag:s20], $0x1000  }
0xb7: {  	[sflag:s20] =	ssyncset.done $0x0  }
0xb8: {  	s17 =	rddreg [dreg:$0x1e];
	[sflag:s20] =	ssyncadd.s32 $0xFFFFF000  }
0xb9: {  	[spmem:s17] =	stream.linear.scatter [tilespmem:s23], [sflag:$0x1], $0x1000, $0x38;
	[tilespmem:$0x1EF80] =	vst v63  }
0xba: {  	_ =	swait.ge [sflag:s20], $0x1000  }
0xbb: {  	[sflag:s20] =	ssyncset.done $0x0  }
0xbc: {  	s18 =	rddreg [dreg:$0x1f];
	[sflag:s20] =	ssyncadd.s32 $0xFFFFF000  }
0xbd: {  	[spmem:s18] =	stream.linear.scatter [tilespmem:s23], [sflag:$0x1], $0x1000, $0x38;
	[tilespmem:$0x1EF80] =	vst v63  }
0xbe: {  	_ =	swait.ge [sflag:s20], $0x1000  }
0xbf: {  	s13 =	sld [smem:$0x7FA]  }
0xc0: {  	[sflag:s20] =	ssyncset.done $0x0;
	[smem:$0x7F7] =	sst s8  }
0xc1: {  	s14 =	sld [smem:$0x7FC];
	[sflag:s20] =	ssyncadd.s32 $0xFFFFF000  }
0xc2: {  	[spmem:s13] =	stream.linear.scatter [tilespmem:s23], [sflag:$0x1], $0x1000, $0x38;
	[tilespmem:$0x1EF80] =	vst v63  }
0xc3: {  	_ =	swait.ge [sflag:s20], $0x1000  }
0xc4: {  	s19 =	smin.u32 s8, $0x160;
	s15 =	sld [smem:$0x7FD]  }
0xc5: {  	s8 =	smul.u32 s19, s14;
	s17 =	sld [smem:$0x7FB]  }
0xc6: {  	s13 =	sshrl.u32 s19, $0x4;
	s14 =	smul.u32 $0x160, s4;
	[sflag:s20] =	ssyncset.done $0x0  }
0xc7: {  	[smem:$0x7F8] =	sst s13;
	[sflag:s20] =	ssyncadd.s32 $0xFFFFF000;
	s5 =	smul.u32 s19, s15  }
0xc8: {  	[spmem:s17] =	stream.linear.scatter [tilespmem:s23], [sflag:$0x1], $0x1000, $0x38;
	[tilespmem:$0x1EF80] =	vst v63  }
.Ltmp1:
0xc9: {  	s8 =	sshrl.u32 s8, $0x2;
	_ =	swait.ge [sflag:s20], $0x1000;
	(pc) =	sbr.rel .LBB2_5-.Ltmp1, $4  }
0xca: {  	s8 =	sadd.s32 s8, s2;
	[sflag:s20] =	ssyncset.done $0x0  }
0xcb: {  	s19 =	sadd.s32 $0x160, s14;
	s5 =	sadd.s32 s5, s6;
	[sflag:s20] =	ssyncadd.s32 $0xFFFFF000  }
0xcc: {  	s18 =	rddreg [dreg:$0x9];
	s5 =	sshrl.u32 s5, $0x3;
	[bflag:$0x0] =	sbarrier.arrive $0xFFFF  }
0xcd: {  	v3 =	vmov s14;
	s17 =	simm.s32 $0x0;
	v4 =	vmov s19;
	s19 =	simm.s32 $0x0;
	s13 =	sadd.s32 s5, s18  }
.LBB2_13:
0xce: {  	s17 =	sadd.s32 $0x1, s17  }
0xcf: {  	p1 =	sne.s32 s17, $0x7  }
.Ltmp2:
0xd0: {  	_ = 	snop;
	(pc) =	sbr.rel @!p1 .LBB2_14-.Ltmp2, $1  }
0xd1: {  	_ =	sdelay $0x3  }
.LBB2_5:
0xd2: {  	s5 =	smul.u32 $0x700, s17;
	_ =	sdelay $0x1  }
0xd3: {  	s5 =	sadd.s32 s16, s5  }
0xd4: {  	s5 =	sshrl.u32 s5, $0x3  }
0xd5: {  	s14 =	simm.s32 $0x0;
	s15 =	sadd.s32 s1, s5  }
0xd6: {  	[tilespmem:s24], [sflag:$0x1] =	stream.linear.gather [hbm4b:s15+s14], $0x700, $0x38;
	[tilespmem:$0x1EF80] =	vst v63  }
0xd7: {  	_ =	swait.ge [sflag:s20], $0x700  }
0xd8: {  	[sflag:s20] =	ssyncset.done $0x0  }
0xd9: {  	s18 =	sadd.s32 s9, s5;
	[sflag:s20] =	ssyncadd.s32 $0xFFFFF900  }
0xda: {  	[tilespmem:s25], [sflag:$0x1] =	stream.linear.gather [hbm4b:s18+s14], $0x700, $0x38;
	[tilespmem:$0x1EF80] =	vst v63  }
0xdb: {  	_ =	swait.ge [sflag:s20], $0x700  }
0xdc: {  	[sflag:s20] =	ssyncset.done $0x0  }
0xdd: {  	s18 =	sadd.s32 s10, s5;
	[sflag:s20] =	ssyncadd.s32 $0xFFFFF900  }
0xde: {  	[tilespmem:s26], [sflag:$0x1] =	stream.linear.gather [hbm4b:s18+s14], $0x700, $0x38;
	[tilespmem:$0x1EF80] =	vst v63  }
0xdf: {  	_ =	swait.ge [sflag:s20], $0x700  }
0xe0: {  	[sflag:s20] =	ssyncset.done $0x0  }
0xe1: {  	s18 =	sadd.s32 s11, s5;
	[sflag:s20] =	ssyncadd.s32 $0xFFFFF900  }
0xe2: {  	[tilespmem:s28], [sflag:$0x1] =	stream.linear.gather [hbm4b:s18+s14], $0x700, $0x38;
	[tilespmem:$0x1EF80] =	vst v63  }
0xe3: {  	_ =	swait.ge [sflag:s20], $0x700  }
0xe4: {  	[sflag:s20] =	ssyncset.done $0x0  }
.Ltmp3:
0xe5: {  	s5 =	sadd.s32 s12, s5;
	[sflag:s20] =	ssyncadd.s32 $0xFFFFF900;
	(pc) =	sbr.rel .LBB2_6-.Ltmp3, $4  }
0xe6: {  	[tilespmem:s29], [sflag:$0x1] =	stream.linear.gather [hbm4b:s5+s14], $0x700, $0x38;
	[tilespmem:$0x1EF80] =	vst v63  }
0xe7: {  	_ =	swait.ge [sflag:s20], $0x700  }
0xe8: {  	[sflag:s20] =	ssyncset.done $0x0  }
0xe9: {  	[sflag:s20] =	ssyncadd.s32 $0xFFFFF900  }
.LBB2_10:
0xea: {  	_ =	sdelay $0x4  }
0xeb: {  	[tilespmem:v7+s30+$0x0] =	vst.idx.msk vm0, v1;
	v5 =	vand.u32 $0x3FF, v5  }
0xec: {  	[tilespmem:v7+s31+$0x0] =	vst.idx.msk vm1, v5  }
.LBB2_11:
0xed: {  	[spmem:s2] =	stream.indirect.scatter.add.f32 [tilespmem:s30], [sflag:$0x1], $0x1, s31, s0, $0xb8;
	[tilespmem:$0x1EF80] =	vst v63  }
0xee: {  	_ =	swait.ge [sflag:s20], $0x2000  }
0xef: {  	[sflag:s20] =	ssyncset.done $0x0  }
0xf0: {  	[sflag:s20] =	ssyncadd.s32 $0xFFFFE000  }
.LBB2_12:
0xf1: {  	s14 =	sadd.s32 $0x1, s14  }
0xf2: {  	p2 =	sne.s32 s14, $0x70  }
.Ltmp4:
0xf3: {  	_ = 	snop;
	(pc) =	sbr.rel @!p2 .LBB2_13-.Ltmp4, $3  }
0xf4: {  	_ =	sdelay $0x1  }
0xf5: {  	s5 =	sadd.s32 $0x1, s15  }
0xf6: {  	s19 =	smov.u32 @p1 s5  }
.LBB2_6:
0xf7: {  	s5 =	sshll.u32 s14, $0x4  }
0xf8: {  	v5 =	vld [tilespmem:s5+$0xC80];
	_ =	sdelay $0x4  }
0xf9: {  	v8 =	vmul.u32 $0x9, v5;
	_ =	sdelay $0x4  }
0xfa: {  	v7 =	vld [tilespmem:s5+$0x1380]  }
0xfb: {  	v5 =	vld.idx.msk [tilespmem:v8+s21+$0x0], $0xffff;
	_ =	sdelay $0x4  }
0xfc: {  	v9 =	vadd.f32 v5, v7;
	_ =	sdelay $0x1  }
0xfd: {  	v6 =	vld [tilespmem:s5+$0x1A80];
	v5 =	vtrunc.f32 v9  }
0xfe: {  	v10 =	vld.idx.msk [tilespmem:v8+s22+$0x0], $0xffff;
	v5 =	vcvt.f32.s32 v5;
	_ =	sdelay $0x1  }
0xff: {  	v11 =	vcvt.s32.f32 v5;
	_ =	sdelay $0x1  }
0x100: {  	vm0 =	vlt.f32 v9, v11  }
0x101: {  	v10 =	vadd.f32 v10, v6;
	v12 =	vsel vm0, $0xFFFFFFFF, v0  }
0x102: {  	v5 =	vadd.s32 v5, v12  }
0x103: {  	v52 =	vtrunc.f32 v10;
	vm1 =	vgt.s32 v5, $0x0;
	v13 =	vadd.s32 $0x1, v5  }
0x104: {  	v14 =	vsel vm0, $0x3F800000, v1;
	v5 =	vnsel vm1, $0x0, v5;
	vm11 =	vgt.s32 v13, $0x0  }
0x105: {  	v12 =	vcvt.f32.s32 v52;
	v15 =	vmin.u32 v5, $0x3FF;
	v5 =	vnsel vm11, $0x0, v13  }
0x106: {  	v11 =	vsub.f32 v11, v14;
	v16 =	vmin.u32 v5, $0x3FF;
	vm12 =	vge.u32 v15, v3  }
0x107: {  	vm13 =	vlt.u32 v15, v4;
	vm2 =	vge.u32 v16, v3;
	vm3 =	vlt.u32 v16, v4  }
0x108: {  	vm1 =	vmand vm12, vm13;
	vm2 =	vmand vm2, vm3  }
0x109: {  	v53 =	vcvt.s32.f32 v12;
	v9 =	vsub.f32 v9, v11;
	vm0 =	vmor vm1, vm2  }
0x10a: {  	s15 =	simm.s32 $0x2180;
	v60 =	vmov s19;
	v55 =	vsel vm0, $0x1, v0  }
0x10b: {  	s15 =	simm.s32 @!p0 $0x2880;
	vm4 =	vlt.f32 v10, v53;
	v58 =	vsub.f32 $1.000000000e+00, v9;
	v15 =	vsub.s32 v15, v3;
	(xrf0) =	vadd.scan.msk.s32 $0xffff, v55  }
0x10c: {  	s5 =	sadd.s32 s15, s5;
	v17 =	vld.idx.msk [tilespmem:v8+s3+$0x0], $0xffff;
	v54 =	vsel vm4, $0x3F800000, v1;
	v18 =	vsel vm4, $0xFFFFFFFF, v0;
	vm4 =	vgt.s32 v15, $0x0  }
0x10d: {  	v5 =	vld [tilespmem:s5+$0x0];
	v16 =	vsub.s32 v16, v3;
	v13 =	vsub.f32 v53, v54;
	v12 =	vadd.s32 v12, v18  }
0x10e: {  	v18 =	vadd.s32 $0xFFFFFFFC, v60;
	v20 =	vsel vm1, $0x3F800000, v1;
	v15 =	vnsel vm4, $0x0, v15  }
0x10f: {  	vm5 =	vgt.s32 v16, $0x0;
	vm14 =	vgt.s32 v12, $0x0;
	v10 =	vsub.f32 v10, v13  }
0x110: {  	v21 =	vsel vm2, $0x3F800000, v1;
	v18 =	vbroadcast v18, $0x0;
	v15 =	vmin.u32 v15, $0x15F  }
0x111: {  	v57 =	vnsel vm14, $0x0, v12;
	v12 =	vadd.s32 $0x1, v12;
	v59 =	vsub.f32 $1.000000000e+00, v10;
	v22, _, _ =	vpop (xrf0)  }
0x112: {  	v15 =	vshll.u32 v15, $0xC;
	v56 =	vmul.f32 v17, v5;
	v61 =	vshll.u32 v22, $0x2  }
0x113: {  	v14 =	vmul.f32 v10, v58;
	v19 =	vmul.f32 v59, v58;
	v18 =	vadd.s32 v18, v61  }
0x114: {  	vm15 =	vgt.s32 v12, $0x0;
	v13 =	vmin.u32 v57, $0xFFF;
	v62 =	vand.u32 $0x1FFF, v18  }
0x115: {  	v14 =	vmul.f32 v20, v14;
	v19 =	vmul.f32 v20, v19;
	v20 =	vadd.s32 $0x1, v18  }
0x116: {  	v17 =	vmul.f32 v59, v9;
	v9 =	vmul.f32 v10, v9;
	v20 =	vand.u32 $0x1FFF, v20  }
0x117: {  	v12 =	vnsel vm15, $0x0, v12;
	v19 =	vmul.f32 v19, v56;
	v63 =	vadd.s32 $0x2, v18  }
0x118: {  	v17 =	vmul.f32 v21, v17;
	v9 =	vmul.f32 v21, v9;
	v21 =	vand.u32 $0x1FFF, v63  }
0x119: {  	v24 =	vor.u32 v13, v15;
	v14 =	vmul.f32 v14, v56;
	v18 =	vadd.s32 $0x3, v18;
	[tilespmem:v62+s30+$0x0] =	vst.idx.msk vm0, v19  }
0x11a: {  	v16 =	vnsel vm5, $0x0, v16;
	v12 =	vmin.u32 v12, $0xFFF;
	v25 =	vand.u32 $0x1FFF, v18;
	[tilespmem:v62+s31+$0x0] =	vst.idx.msk vm0, v24  }
0x11b: {  	v16 =	vmin.u32 v16, $0x15F;
	v15 =	vor.u32 v12, v15;
	v26 =	vmul.f32 v17, v56;
	[tilespmem:v20+s30+$0x0] =	vst.idx.msk vm0, v14  }
0x11c: {  	v27 =	vadd.s32 $0x1, v8;
	v16 =	vshll.u32 v16, $0xC;
	[tilespmem:v20+s31+$0x0] =	vst.idx.msk vm0, v15  }
0x11d: {  	v13 =	vor.u32 v13, v16;
	v9 =	vmul.f32 v9, v56;
	[tilespmem:v21+s30+$0x0] =	vst.idx.msk vm0, v26  }
0x11e: {  	[tilespmem:v21+s31+$0x0] =	vst.idx.msk vm0, v13  }
0x11f: {  	v28 =	vor.u32 v12, v16;
	(v2sf) =	vpush v22, $0xF;
	[tilespmem:v25+s30+$0x0] =	vst.idx.msk vm0, v9  }
0x120: {  	[tilespmem:v25+s31+$0x0] =	vst.idx.msk vm0, v28  }
0x121: {  	v9 =	vld.idx.msk [tilespmem:v27+s21+$0x0], $0xffff;
	_ =	sdelay $0x4  }
0x122: {  	v9 =	vadd.f32 v9, v7;
	_ =	sdelay $0x1  }
0x123: {  	v29 =	vtrunc.f32 v9  }
0x124: {  	v10 =	vcvt.f32.s32 v29;
	_ =	sdelay $0x1  }
0x125: {  	v11 =	vld.idx.msk [tilespmem:v27+s22+$0x0], $0xffff;
	v30 =	vcvt.s32.f32 v10;
	_ =	sdelay $0x1  }
0x126: {  	vm6 =	vlt.f32 v9, v30  }
0x127: {  	s18 =	spop (v2sf);
	v31 =	vsel vm6, $0xFFFFFFFF, v0  }
0x128: {  	s5 =	sshll.u32 s18, $0x2;
	v10 =	vadd.s32 v10, v31  }
0x129: {  	s15 =	smov.u32 s19;
	s19 =	sadd.s32 s19, s5;
	v11 =	vadd.f32 v11, v6;
	vm7 =	vgt.s32 v10, $0x0;
	v33 =	vadd.s32 $0x1, v10  }
0x12a: {  	v43 =	vmov s19;
	v10 =	vnsel vm7, $0x0, v10;
	vm8 =	vgt.s32 v33, $0x0  }
0x12b: {  	v32 =	vtrunc.f32 v11;
	v10 =	vmin.u32 v10, $0x3FF;
	v14 =	vnsel vm8, $0x0, v33  }
0x12c: {  	v13 =	vcvt.f32.s32 v32;
	v14 =	vmin.u32 v14, $0x3FF;
	vm9 =	vge.u32 v10, v3  }
0x12d: {  	v15 =	vld.idx.msk [tilespmem:v27+s3+$0x0], $0xffff;
	vm10 =	vlt.u32 v10, v4;
	vm11 =	vge.u32 v14, v3;
	vm12 =	vlt.u32 v14, v4  }
0x12e: {  	v35 =	vcvt.s32.f32 v13;
	vm1 =	vmand vm9, vm10;
	vm2 =	vmand vm11, vm12  }
0x12f: {  	v18 =	vadd.s32 $0xFFFFFFFC, v43;
	vm0 =	vmor vm1, vm2  }
0x130: {  	vm13 =	vlt.f32 v11, v35;
	v34 =	vsel vm6, $0x3F800000, v1;
	v38 =	vsel vm0, $0x1, v0  }
0x131: {  	v36 =	vsel vm13, $0x3F800000, v1;
	v37 =	vsel vm13, $0xFFFFFFFF, v0;
	v12 =	vsub.f32 v30, v34;
	(xrf0) =	vadd.scan.msk.s32 $0xffff, v38  }
0x132: {  	v39 =	vmul.f32 v15, v5;
	v16 =	vsub.f32 v35, v36;
	v13 =	vadd.s32 v13, v37  }
0x133: {  	v18 =	vbroadcast v18, $0x0;
	vm14 =	vgt.s32 v13, $0x0;
	v9 =	vsub.f32 v9, v12  }
0x134: {  	v11 =	vsub.f32 v11, v16;
	v40 =	vnsel vm14, $0x0, v13;
	v13 =	vadd.s32 $0x1, v13  }
0x135: {  	vm15 =	vgt.s32 v13, $0x0;
	v15 =	vmin.u32 v40, $0xFFF;
	v41 =	vsub.f32 $1.000000000e+00, v9  }
0x136: {  	v42 =	vsub.f32 $1.000000000e+00, v11;
	v13 =	vnsel vm15, $0x0, v13;
	v10 =	vsub.s32 v10, v3  }
0x137: {  	vm4 =	vgt.s32 v10, $0x0;
	v14 =	vsub.s32 v14, v3;
	v13 =	vmin.u32 v13, $0xFFF;
	v47, _, _ =	vpop (xrf0)  }
0x138: {  	v44 =	vmul.f32 v42, v41;
	v16 =	vmul.f32 v11, v41;
	v48 =	vshll.u32 v47, $0x2  }
0x139: {  	v45 =	vsel vm1, $0x3F800000, v1;
	v17 =	vmul.f32 v42, v9;
	v18 =	vadd.s32 v18, v48  }
0x13a: {  	v9 =	vmul.f32 v11, v9;
	v10 =	vnsel vm4, $0x0, v10;
	v49 =	vand.u32 $0x1FFF, v18  }
0x13b: {  	vm5 =	vgt.s32 v14, $0x0;
	v19 =	vmul.f32 v45, v44;
	v20 =	vadd.s32 $0x1, v18  }
0x13c: {  	v46 =	vsel vm2, $0x3F800000, v1;
	v10 =	vmin.u32 v10, $0x15F;
	v20 =	vand.u32 $0x1FFF, v20  }
0x13d: {  	v16 =	vmul.f32 v45, v16;
	v19 =	vmul.f32 v19, v39;
	v50 =	vadd.s32 $0x2, v18  }
0x13e: {  	v17 =	vmul.f32 v46, v17;
	v10 =	vshll.u32 v10, $0xC;
	v21 =	vand.u32 $0x1FFF, v50  }
0x13f: {  	v51 =	vor.u32 v15, v10;
	v16 =	vmul.f32 v16, v39;
	v18 =	vadd.s32 $0x3, v18;
	[tilespmem:v49+s30+$0x0] =	vst.idx.msk vm0, v19  }
0x140: {  	v14 =	vnsel vm5, $0x0, v14;
	v9 =	vmul.f32 v46, v9;
	v52 =	vand.u32 $0x1FFF, v18;
	[tilespmem:v49+s31+$0x0] =	vst.idx.msk vm0, v51  }
0x141: {  	v14 =	vmin.u32 v14, $0x15F;
	v10 =	vor.u32 v13, v10;
	v53 =	vmul.f32 v17, v39;
	[tilespmem:v20+s30+$0x0] =	vst.idx.msk vm0, v16  }
0x142: {  	v54 =	vadd.s32 $0x2, v8;
	v14 =	vshll.u32 v14, $0xC;
	[tilespmem:v20+s31+$0x0] =	vst.idx.msk vm0, v10  }
0x143: {  	v15 =	vor.u32 v15, v14;
	v9 =	vmul.f32 v9, v39;
	[tilespmem:v21+s30+$0x0] =	vst.idx.msk vm0, v53  }
0x144: {  	[tilespmem:v21+s31+$0x0] =	vst.idx.msk vm0, v15  }
0x145: {  	v55 =	vor.u32 v13, v14;
	(v2sf) =	vpush v47, $0xF;
	[tilespmem:v52+s30+$0x0] =	vst.idx.msk vm0, v9  }
0x146: {  	[tilespmem:v52+s31+$0x0] =	vst.idx.msk vm0, v55  }
0x147: {  	v9 =	vld.idx.msk [tilespmem:v54+s21+$0x0], $0xffff;
	_ =	sdelay $0x4  }
0x148: {  	v9 =	vadd.f32 v9, v7;
	_ =	sdelay $0x1  }
0x149: {  	v56 =	vtrunc.f32 v9  }
0x14a: {  	v11 =	vcvt.f32.s32 v56;
	_ =	sdelay $0x1  }
0x14b: {  	v12 =	vld.idx.msk [tilespmem:v54+s22+$0x0], $0xffff;
	v57 =	vcvt.s32.f32 v11;
	_ =	sdelay $0x1  }
0x14c: {  	vm6 =	vlt.f32 v9, v57  }
0x14d: {  	s18 =	spop (v2sf);
	v58 =	vsel vm6, $0xFFFFFFFF, v0  }
0x14e: {  	s5 =	sshll.u32 s18, $0x2;
	v11 =	vadd.s32 v11, v58  }
0x14f: {  	s19 =	sadd.s32 s19, s5;
	v12 =	vadd.f32 v12, v6;
	vm7 =	vgt.s32 v11, $0x0;
	v60 =	vadd.s32 $0x1, v11  }
0x150: {  	v26 =	vmov s19;
	v11 =	vnsel vm7, $0x0, v11;
	vm8 =	vgt.s32 v60, $0x0  }
0x151: {  	v59 =	vtrunc.f32 v12;
	v11 =	vmin.u32 v11, $0x3FF;
	v15 =	vnsel vm8, $0x0, v60  }
0x152: {  	v14 =	vcvt.f32.s32 v59;
	v15 =	vmin.u32 v15, $0x3FF;
	vm9 =	vge.u32 v11, v3  }
0x153: {  	v10 =	vld.idx.msk [tilespmem:v54+s3+$0x0], $0xffff;
	vm10 =	vlt.u32 v11, v4;
	vm11 =	vge.u32 v15, v3;
	vm12 =	vlt.u32 v15, v4  }
0x154: {  	v62 =	vcvt.s32.f32 v14;
	vm1 =	vmand vm9, vm10;
	vm2 =	vmand vm11, vm12  }
0x155: {  	v18 =	vadd.s32 $0xFFFFFFFC, v26;
	vm0 =	vmor vm1, vm2  }
0x156: {  	vm13 =	vlt.f32 v12, v62;
	v61 =	vsel vm6, $0x3F800000, v1;
	v22 =	vsel vm0, $0x1, v0  }
0x157: {  	v63 =	vsel vm13, $0x3F800000, v1;
	v21 =	vsel vm13, $0xFFFFFFFF, v0;
	v13 =	vsub.f32 v57, v61;
	(xrf0) =	vadd.scan.msk.s32 $0xffff, v22  }
0x158: {  	v10 =	vmul.f32 v10, v5;
	v16 =	vsub.f32 v62, v63;
	v14 =	vadd.s32 v14, v21  }
0x159: {  	v18 =	vbroadcast v18, $0x0;
	vm14 =	vgt.s32 v14, $0x0;
	v9 =	vsub.f32 v9, v13  }
0x15a: {  	v12 =	vsub.f32 v12, v16;
	v23 =	vnsel vm14, $0x0, v14;
	v14 =	vadd.s32 $0x1, v14  }
0x15b: {  	vm15 =	vgt.s32 v14, $0x0;
	v13 =	vmin.u32 v23, $0xFFF;
	v24 =	vsub.f32 $1.000000000e+00, v9  }
0x15c: {  	v25 =	vsub.f32 $1.000000000e+00, v12;
	v14 =	vnsel vm15, $0x0, v14;
	v11 =	vsub.s32 v11, v3  }
0x15d: {  	vm4 =	vgt.s32 v11, $0x0;
	v15 =	vsub.s32 v15, v3;
	v14 =	vmin.u32 v14, $0xFFF;
	v30, _, _ =	vpop (xrf0)  }
0x15e: {  	v27 =	vmul.f32 v25, v24;
	v16 =	vmul.f32 v12, v24;
	v31 =	vshll.u32 v30, $0x2  }
0x15f: {  	v28 =	vsel vm1, $0x3F800000, v1;
	v17 =	vmul.f32 v25, v9;
	v18 =	vadd.s32 v18, v31  }
0x160: {  	v9 =	vmul.f32 v12, v9;
	v11 =	vnsel vm4, $0x0, v11;
	v32 =	vand.u32 $0x1FFF, v18  }
0x161: {  	vm5 =	vgt.s32 v15, $0x0;
	v19 =	vmul.f32 v28, v27;
	v20 =	vadd.s32 $0x1, v18  }
0x162: {  	v29 =	vsel vm2, $0x3F800000, v1;
	v11 =	vmin.u32 v11, $0x15F;
	v20 =	vand.u32 $0x1FFF, v20  }
0x163: {  	v16 =	vmul.f32 v28, v16;
	v19 =	vmul.f32 v19, v10;
	v33 =	vadd.s32 $0x2, v18  }
0x164: {  	v17 =	vmul.f32 v29, v17;
	v11 =	vshll.u32 v11, $0xC;
	v21 =	vand.u32 $0x1FFF, v33  }
0x165: {  	v34 =	vor.u32 v13, v11;
	v16 =	vmul.f32 v16, v10;
	v18 =	vadd.s32 $0x3, v18;
	[tilespmem:v32+s30+$0x0] =	vst.idx.msk vm0, v19  }
0x166: {  	v15 =	vnsel vm5, $0x0, v15;
	v9 =	vmul.f32 v29, v9;
	v35 =	vand.u32 $0x1FFF, v18;
	[tilespmem:v32+s31+$0x0] =	vst.idx.msk vm0, v34  }
0x167: {  	v15 =	vmin.u32 v15, $0x15F;
	v11 =	vor.u32 v14, v11;
	v36 =	vmul.f32 v17, v10;
	[tilespmem:v20+s30+$0x0] =	vst.idx.msk vm0, v16  }
0x168: {  	v37 =	vadd.s32 $0x3, v8;
	v15 =	vshll.u32 v15, $0xC;
	[tilespmem:v20+s31+$0x0] =	vst.idx.msk vm0, v11  }
0x169: {  	v13 =	vor.u32 v13, v15;
	v9 =	vmul.f32 v9, v10;
	[tilespmem:v21+s30+$0x0] =	vst.idx.msk vm0, v36  }
0x16a: {  	[tilespmem:v21+s31+$0x0] =	vst.idx.msk vm0, v13  }
0x16b: {  	v38 =	vor.u32 v14, v15;
	(v2sf) =	vpush v30, $0xF;
	[tilespmem:v35+s30+$0x0] =	vst.idx.msk vm0, v9  }
0x16c: {  	[tilespmem:v35+s31+$0x0] =	vst.idx.msk vm0, v38  }
0x16d: {  	v9 =	vld.idx.msk [tilespmem:v37+s21+$0x0], $0xffff;
	_ =	sdelay $0x4  }
0x16e: {  	v9 =	vadd.f32 v9, v7;
	_ =	sdelay $0x1  }
0x16f: {  	v39 =	vtrunc.f32 v9  }
0x170: {  	v10 =	vcvt.f32.s32 v39;
	_ =	sdelay $0x1  }
0x171: {  	v12 =	vld.idx.msk [tilespmem:v37+s22+$0x0], $0xffff;
	v40 =	vcvt.s32.f32 v10;
	_ =	sdelay $0x1  }
0x172: {  	vm6 =	vlt.f32 v9, v40  }
0x173: {  	s18 =	spop (v2sf);
	v41 =	vsel vm6, $0xFFFFFFFF, v0  }
0x174: {  	s5 =	sshll.u32 s18, $0x2;
	v10 =	vadd.s32 v10, v41  }
0x175: {  	s19 =	sadd.s32 s19, s5;
	v12 =	vadd.f32 v12, v6;
	vm7 =	vgt.s32 v10, $0x0;
	v43 =	vadd.s32 $0x1, v10  }
0x176: {  	v52 =	vmov s19;
	v10 =	vnsel vm7, $0x0, v10;
	vm8 =	vgt.s32 v43, $0x0  }
0x177: {  	v42 =	vtrunc.f32 v12;
	v10 =	vmin.u32 v10, $0x3FF;
	v15 =	vnsel vm8, $0x0, v43  }
0x178: {  	v14 =	vcvt.f32.s32 v42;
	v15 =	vmin.u32 v15, $0x3FF;
	vm9 =	vge.u32 v10, v3  }
0x179: {  	v11 =	vld.idx.msk [tilespmem:v37+s3+$0x0], $0xffff;
	vm10 =	vlt.u32 v10, v4;
	vm11 =	vge.u32 v15, v3;
	vm12 =	vlt.u32 v15, v4  }
0x17a: {  	v45 =	vcvt.s32.f32 v14;
	vm1 =	vmand vm9, vm10;
	vm2 =	vmand vm11, vm12  }
0x17b: {  	v18 =	vadd.s32 $0xFFFFFFFC, v52;
	vm0 =	vmor vm1, vm2  }
0x17c: {  	vm13 =	vlt.f32 v12, v45;
	v44 =	vsel vm6, $0x3F800000, v1;
	v48 =	vsel vm0, $0x1, v0  }
0x17d: {  	v46 =	vsel vm13, $0x3F800000, v1;
	v47 =	vsel vm13, $0xFFFFFFFF, v0;
	v13 =	vsub.f32 v40, v44;
	(xrf0) =	vadd.scan.msk.s32 $0xffff, v48  }
0x17e: {  	v11 =	vmul.f32 v11, v5;
	v16 =	vsub.f32 v45, v46;
	v14 =	vadd.s32 v14, v47  }
0x17f: {  	v18 =	vbroadcast v18, $0x0;
	vm14 =	vgt.s32 v14, $0x0;
	v9 =	vsub.f32 v9, v13  }
0x180: {  	v12 =	vsub.f32 v12, v16;
	v49 =	vnsel vm14, $0x0, v14;
	v14 =	vadd.s32 $0x1, v14  }
0x181: {  	vm15 =	vgt.s32 v14, $0x0;
	v13 =	vmin.u32 v49, $0xFFF;
	v50 =	vsub.f32 $1.000000000e+00, v9  }
0x182: {  	v51 =	vsub.f32 $1.000000000e+00, v12;
	v14 =	vnsel vm15, $0x0, v14;
	v10 =	vsub.s32 v10, v3  }
0x183: {  	vm4 =	vgt.s32 v10, $0x0;
	v15 =	vsub.s32 v15, v3;
	v14 =	vmin.u32 v14, $0xFFF;
	v56, _, _ =	vpop (xrf0)  }
0x184: {  	v53 =	vmul.f32 v51, v50;
	v16 =	vmul.f32 v12, v50;
	v57 =	vshll.u32 v56, $0x2  }
0x185: {  	v54 =	vsel vm1, $0x3F800000, v1;
	v17 =	vmul.f32 v51, v9;
	v18 =	vadd.s32 v18, v57  }
0x186: {  	v9 =	vmul.f32 v12, v9;
	v10 =	vnsel vm4, $0x0, v10;
	v58 =	vand.u32 $0x1FFF, v18  }
0x187: {  	vm5 =	vgt.s32 v15, $0x0;
	v19 =	vmul.f32 v54, v53;
	v20 =	vadd.s32 $0x1, v18  }
0x188: {  	v55 =	vsel vm2, $0x3F800000, v1;
	v10 =	vmin.u32 v10, $0x15F;
	v20 =	vand.u32 $0x1FFF, v20  }
0x189: {  	v16 =	vmul.f32 v54, v16;
	v19 =	vmul.f32 v19, v11;
	v59 =	vadd.s32 $0x2, v18  }
0x18a: {  	v17 =	vmul.f32 v55, v17;
	v10 =	vshll.u32 v10, $0xC;
	v21 =	vand.u32 $0x1FFF, v59  }
0x18b: {  	v60 =	vor.u32 v13, v10;
	v16 =	vmul.f32 v16, v11;
	v18 =	vadd.s32 $0x3, v18;
	[tilespmem:v58+s30+$0x0] =	vst.idx.msk vm0, v19  }
0x18c: {  	v15 =	vnsel vm5, $0x0, v15;
	v9 =	vmul.f32 v55, v9;
	v61 =	vand.u32 $0x1FFF, v18;
	[tilespmem:v58+s31+$0x0] =	vst.idx.msk vm0, v60  }
0x18d: {  	v15 =	vmin.u32 v15, $0x15F;
	v10 =	vor.u32 v14, v10;
	v62 =	vmul.f32 v17, v11;
	[tilespmem:v20+s30+$0x0] =	vst.idx.msk vm0, v16  }
0x18e: {  	v63 =	vadd.s32 $0x4, v8;
	v15 =	vshll.u32 v15, $0xC;
	[tilespmem:v20+s31+$0x0] =	vst.idx.msk vm0, v10  }
0x18f: {  	v13 =	vor.u32 v13, v15;
	v9 =	vmul.f32 v9, v11;
	[tilespmem:v21+s30+$0x0] =	vst.idx.msk vm0, v62  }
0x190: {  	[tilespmem:v21+s31+$0x0] =	vst.idx.msk vm0, v13  }
0x191: {  	(v2sf) =	vpush v56, $0xF;
	v18 =	vor.u32 v14, v15;
	[tilespmem:v61+s30+$0x0] =	vst.idx.msk vm0, v9  }
0x192: {  	[tilespmem:v61+s31+$0x0] =	vst.idx.msk vm0, v18  }
0x193: {  	v9 =	vld.idx.msk [tilespmem:v63+s21+$0x0], $0xffff;
	_ =	sdelay $0x4  }
0x194: {  	v9 =	vadd.f32 v9, v7;
	_ =	sdelay $0x1  }
0x195: {  	v19 =	vtrunc.f32 v9  }
0x196: {  	v11 =	vcvt.f32.s32 v19;
	_ =	sdelay $0x1  }
0x197: {  	v12 =	vld.idx.msk [tilespmem:v63+s22+$0x0], $0xffff;
	v20 =	vcvt.s32.f32 v11;
	_ =	sdelay $0x1  }
0x198: {  	vm6 =	vlt.f32 v9, v20  }
0x199: {  	s18 =	spop (v2sf);
	v21 =	vsel vm6, $0xFFFFFFFF, v0  }
0x19a: {  	s5 =	sshll.u32 s18, $0x2;
	v11 =	vadd.s32 v11, v21  }
0x19b: {  	s19 =	sadd.s32 s19, s5;
	v12 =	vadd.f32 v12, v6;
	vm7 =	vgt.s32 v11, $0x0;
	v23 =	vadd.s32 $0x1, v11  }
0x19c: {  	v32 =	vmov s19;
	v11 =	vnsel vm7, $0x0, v11;
	vm8 =	vgt.s32 v23, $0x0  }
0x19d: {  	v22 =	vtrunc.f32 v12;
	v11 =	vmin.u32 v11, $0x3FF;
	v15 =	vnsel vm8, $0x0, v23  }
0x19e: {  	v14 =	vcvt.f32.s32 v22;
	v15 =	vmin.u32 v15, $0x3FF;
	vm9 =	vge.u32 v11, v3  }
0x19f: {  	v10 =	vld.idx.msk [tilespmem:v63+s3+$0x0], $0xffff;
	vm10 =	vlt.u32 v11, v4;
	vm11 =	vge.u32 v15, v3;
	vm12 =	vlt.u32 v15, v4  }
0x1a0: {  	v25 =	vcvt.s32.f32 v14;
	vm1 =	vmand vm9, vm10;
	vm2 =	vmand vm11, vm12  }
0x1a1: {  	v18 =	vadd.s32 $0xFFFFFFFC, v32;
	vm0 =	vmor vm1, vm2  }
0x1a2: {  	vm13 =	vlt.f32 v12, v25;
	v24 =	vsel vm6, $0x3F800000, v1;
	v28 =	vsel vm0, $0x1, v0  }
0x1a3: {  	v26 =	vsel vm13, $0x3F800000, v1;
	v27 =	vsel vm13, $0xFFFFFFFF, v0;
	v13 =	vsub.f32 v20, v24;
	(xrf0) =	vadd.scan.msk.s32 $0xffff, v28  }
0x1a4: {  	v10 =	vmul.f32 v10, v5;
	v16 =	vsub.f32 v25, v26;
	v14 =	vadd.s32 v14, v27  }
0x1a5: {  	v18 =	vbroadcast v18, $0x0;
	vm14 =	vgt.s32 v14, $0x0;
	v9 =	vsub.f32 v9, v13  }
0x1a6: {  	v12 =	vsub.f32 v12, v16;
	v29 =	vnsel vm14, $0x0, v14;
	v14 =	vadd.s32 $0x1, v14  }
0x1a7: {  	vm15 =	vgt.s32 v14, $0x0;
	v13 =	vmin.u32 v29, $0xFFF;
	v30 =	vsub.f32 $1.000000000e+00, v9  }
0x1a8: {  	v31 =	vsub.f32 $1.000000000e+00, v12;
	v14 =	vnsel vm15, $0x0, v14;
	v11 =	vsub.s32 v11, v3  }
0x1a9: {  	vm4 =	vgt.s32 v11, $0x0;
	v15 =	vsub.s32 v15, v3;
	v14 =	vmin.u32 v14, $0xFFF;
	v36, _, _ =	vpop (xrf0)  }
0x1aa: {  	v33 =	vmul.f32 v31, v30;
	v16 =	vmul.f32 v12, v30;
	v37 =	vshll.u32 v36, $0x2  }
0x1ab: {  	v34 =	vsel vm1, $0x3F800000, v1;
	v17 =	vmul.f32 v31, v9;
	v18 =	vadd.s32 v18, v37  }
0x1ac: {  	v9 =	vmul.f32 v12, v9;
	v11 =	vnsel vm4, $0x0, v11;
	v38 =	vand.u32 $0x1FFF, v18  }
0x1ad: {  	vm5 =	vgt.s32 v15, $0x0;
	v19 =	vmul.f32 v34, v33;
	v20 =	vadd.s32 $0x1, v18  }
0x1ae: {  	v35 =	vsel vm2, $0x3F800000, v1;
	v11 =	vmin.u32 v11, $0x15F;
	v20 =	vand.u32 $0x1FFF, v20  }
0x1af: {  	v16 =	vmul.f32 v34, v16;
	v19 =	vmul.f32 v19, v10;
	v39 =	vadd.s32 $0x2, v18  }
0x1b0: {  	v17 =	vmul.f32 v35, v17;
	v11 =	vshll.u32 v11, $0xC;
	v21 =	vand.u32 $0x1FFF, v39  }
0x1b1: {  	v40 =	vor.u32 v13, v11;
	v16 =	vmul.f32 v16, v10;
	v18 =	vadd.s32 $0x3, v18;
	[tilespmem:v38+s30+$0x0] =	vst.idx.msk vm0, v19  }
0x1b2: {  	v15 =	vnsel vm5, $0x0, v15;
	v9 =	vmul.f32 v35, v9;
	v41 =	vand.u32 $0x1FFF, v18;
	[tilespmem:v38+s31+$0x0] =	vst.idx.msk vm0, v40  }
0x1b3: {  	v15 =	vmin.u32 v15, $0x15F;
	v11 =	vor.u32 v14, v11;
	v42 =	vmul.f32 v17, v10;
	[tilespmem:v20+s30+$0x0] =	vst.idx.msk vm0, v16  }
0x1b4: {  	v43 =	vadd.s32 $0x5, v8;
	v15 =	vshll.u32 v15, $0xC;
	[tilespmem:v20+s31+$0x0] =	vst.idx.msk vm0, v11  }
0x1b5: {  	v13 =	vor.u32 v13, v15;
	v9 =	vmul.f32 v9, v10;
	[tilespmem:v21+s30+$0x0] =	vst.idx.msk vm0, v42  }
0x1b6: {  	[tilespmem:v21+s31+$0x0] =	vst.idx.msk vm0, v13  }
0x1b7: {  	v44 =	vor.u32 v14, v15;
	(v2sf) =	vpush v36, $0xF;
	[tilespmem:v41+s30+$0x0] =	vst.idx.msk vm0, v9  }
0x1b8: {  	[tilespmem:v41+s31+$0x0] =	vst.idx.msk vm0, v44  }
0x1b9: {  	v9 =	vld.idx.msk [tilespmem:v43+s21+$0x0], $0xffff;
	_ =	sdelay $0x4  }
0x1ba: {  	v9 =	vadd.f32 v9, v7;
	_ =	sdelay $0x1  }
0x1bb: {  	v45 =	vtrunc.f32 v9  }
0x1bc: {  	v10 =	vcvt.f32.s32 v45;
	_ =	sdelay $0x1  }
0x1bd: {  	v12 =	vld.idx.msk [tilespmem:v43+s22+$0x0], $0xffff;
	v46 =	vcvt.s32.f32 v10;
	_ =	sdelay $0x1  }
0x1be: {  	vm6 =	vlt.f32 v9, v46  }
0x1bf: {  	s18 =	spop (v2sf);
	v47 =	vsel vm6, $0xFFFFFFFF, v0  }
0x1c0: {  	s5 =	sshll.u32 s18, $0x2;
	v10 =	vadd.s32 v10, v47  }
0x1c1: {  	s19 =	sadd.s32 s19, s5;
	v12 =	vadd.f32 v12, v6;
	vm7 =	vgt.s32 v10, $0x0;
	v49 =	vadd.s32 $0x1, v10  }
0x1c2: {  	v58 =	vmov s19;
	v10 =	vnsel vm7, $0x0, v10;
	vm8 =	vgt.s32 v49, $0x0  }
0x1c3: {  	v48 =	vtrunc.f32 v12;
	v10 =	vmin.u32 v10, $0x3FF;
	v15 =	vnsel vm8, $0x0, v49  }
0x1c4: {  	v14 =	vcvt.f32.s32 v48;
	v15 =	vmin.u32 v15, $0x3FF;
	vm9 =	vge.u32 v10, v3  }
0x1c5: {  	v11 =	vld.idx.msk [tilespmem:v43+s3+$0x0], $0xffff;
	vm10 =	vlt.u32 v10, v4;
	vm11 =	vge.u32 v15, v3;
	vm12 =	vlt.u32 v15, v4  }
0x1c6: {  	v51 =	vcvt.s32.f32 v14;
	vm1 =	vmand vm9, vm10;
	vm2 =	vmand vm11, vm12  }
0x1c7: {  	v18 =	vadd.s32 $0xFFFFFFFC, v58;
	vm0 =	vmor vm1, vm2  }
0x1c8: {  	vm13 =	vlt.f32 v12, v51;
	v50 =	vsel vm6, $0x3F800000, v1;
	v54 =	vsel vm0, $0x1, v0  }
0x1c9: {  	v52 =	vsel vm13, $0x3F800000, v1;
	v53 =	vsel vm13, $0xFFFFFFFF, v0;
	v13 =	vsub.f32 v46, v50;
	(xrf0) =	vadd.scan.msk.s32 $0xffff, v54  }
0x1ca: {  	v11 =	vmul.f32 v11, v5;
	v16 =	vsub.f32 v51, v52;
	v14 =	vadd.s32 v14, v53  }
0x1cb: {  	v18 =	vbroadcast v18, $0x0;
	vm14 =	vgt.s32 v14, $0x0;
	v9 =	vsub.f32 v9, v13  }
0x1cc: {  	v12 =	vsub.f32 v12, v16;
	v55 =	vnsel vm14, $0x0, v14;
	v14 =	vadd.s32 $0x1, v14  }
0x1cd: {  	vm15 =	vgt.s32 v14, $0x0;
	v13 =	vmin.u32 v55, $0xFFF;
	v56 =	vsub.f32 $1.000000000e+00, v9  }
0x1ce: {  	v57 =	vsub.f32 $1.000000000e+00, v12;
	v14 =	vnsel vm15, $0x0, v14;
	v10 =	vsub.s32 v10, v3  }
0x1cf: {  	vm4 =	vgt.s32 v10, $0x0;
	v15 =	vsub.s32 v15, v3;
	v14 =	vmin.u32 v14, $0xFFF;
	v62, _, _ =	vpop (xrf0)  }
0x1d0: {  	v59 =	vmul.f32 v57, v56;
	v16 =	vmul.f32 v12, v56;
	v63 =	vshll.u32 v62, $0x2  }
0x1d1: {  	v60 =	vsel vm1, $0x3F800000, v1;
	v17 =	vmul.f32 v57, v9;
	v18 =	vadd.s32 v18, v63  }
0x1d2: {  	v9 =	vmul.f32 v12, v9;
	v10 =	vnsel vm4, $0x0, v10;
	v24 =	vand.u32 $0x1FFF, v18  }
0x1d3: {  	vm5 =	vgt.s32 v15, $0x0;
	v19 =	vmul.f32 v60, v59;
	v20 =	vadd.s32 $0x1, v18  }
0x1d4: {  	v61 =	vsel vm2, $0x3F800000, v1;
	v10 =	vmin.u32 v10, $0x15F;
	v20 =	vand.u32 $0x1FFF, v20  }
0x1d5: {  	v16 =	vmul.f32 v60, v16;
	v19 =	vmul.f32 v19, v11;
	v25 =	vadd.s32 $0x2, v18  }
0x1d6: {  	v17 =	vmul.f32 v61, v17;
	v10 =	vshll.u32 v10, $0xC;
	v21 =	vand.u32 $0x1FFF, v25  }
0x1d7: {  	v26 =	vor.u32 v13, v10;
	v16 =	vmul.f32 v16, v11;
	v18 =	vadd.s32 $0x3, v18;
	[tilespmem:v24+s30+$0x0] =	vst.idx.msk vm0, v19  }
0x1d8: {  	v15 =	vnsel vm5, $0x0, v15;
	v9 =	vmul.f32 v61, v9;
	v27 =	vand.u32 $0x1FFF, v18;
	[tilespmem:v24+s31+$0x0] =	vst.idx.msk vm0, v26  }
0x1d9: {  	v15 =	vmin.u32 v15, $0x15F;
	v10 =	vor.u32 v14, v10;
	v28 =	vmul.f32 v17, v11;
	[tilespmem:v20+s30+$0x0] =	vst.idx.msk vm0, v16  }
0x1da: {  	v29 =	vadd.s32 $0x6, v8;
	v15 =	vshll.u32 v15, $0xC;
	[tilespmem:v20+s31+$0x0] =	vst.idx.msk vm0, v10  }
0x1db: {  	v13 =	vor.u32 v13, v15;
	v9 =	vmul.f32 v9, v11;
	[tilespmem:v21+s30+$0x0] =	vst.idx.msk vm0, v28  }
0x1dc: {  	[tilespmem:v21+s31+$0x0] =	vst.idx.msk vm0, v13  }
0x1dd: {  	v30 =	vor.u32 v14, v15;
	(v2sf) =	vpush v62, $0xF;
	[tilespmem:v27+s30+$0x0] =	vst.idx.msk vm0, v9  }
0x1de: {  	[tilespmem:v27+s31+$0x0] =	vst.idx.msk vm0, v30  }
0x1df: {  	v9 =	vld.idx.msk [tilespmem:v29+s21+$0x0], $0xffff;
	_ =	sdelay $0x4  }
0x1e0: {  	v9 =	vadd.f32 v9, v7;
	_ =	sdelay $0x1  }
0x1e1: {  	v31 =	vtrunc.f32 v9  }
0x1e2: {  	v11 =	vcvt.f32.s32 v31;
	_ =	sdelay $0x1  }
0x1e3: {  	v12 =	vld.idx.msk [tilespmem:v29+s22+$0x0], $0xffff;
	v32 =	vcvt.s32.f32 v11;
	_ =	sdelay $0x1  }
0x1e4: {  	vm6 =	vlt.f32 v9, v32  }
0x1e5: {  	s18 =	spop (v2sf);
	v33 =	vsel vm6, $0xFFFFFFFF, v0  }
0x1e6: {  	s5 =	sshll.u32 s18, $0x2;
	v11 =	vadd.s32 v11, v33  }
0x1e7: {  	s19 =	sadd.s32 s19, s5;
	v12 =	vadd.f32 v12, v6;
	vm7 =	vgt.s32 v11, $0x0;
	v35 =	vadd.s32 $0x1, v11  }
0x1e8: {  	v44 =	vmov s19;
	v11 =	vnsel vm7, $0x0, v11;
	vm8 =	vgt.s32 v35, $0x0  }
0x1e9: {  	v34 =	vtrunc.f32 v12;
	v11 =	vmin.u32 v11, $0x3FF;
	v15 =	vnsel vm8, $0x0, v35  }
0x1ea: {  	v14 =	vcvt.f32.s32 v34;
	v15 =	vmin.u32 v15, $0x3FF;
	vm9 =	vge.u32 v11, v3  }
0x1eb: {  	v10 =	vld.idx.msk [tilespmem:v29+s3+$0x0], $0xffff;
	vm10 =	vlt.u32 v11, v4;
	vm11 =	vge.u32 v15, v3;
	vm12 =	vlt.u32 v15, v4  }
0x1ec: {  	v37 =	vcvt.s32.f32 v14;
	vm1 =	vmand vm9, vm10;
	vm2 =	vmand vm11, vm12  }
0x1ed: {  	v18 =	vadd.s32 $0xFFFFFFFC, v44;
	vm0 =	vmor vm1, vm2  }
0x1ee: {  	vm13 =	vlt.f32 v12, v37;
	v36 =	vsel vm6, $0x3F800000, v1;
	v40 =	vsel vm0, $0x1, v0  }
0x1ef: {  	v38 =	vsel vm13, $0x3F800000, v1;
	v39 =	vsel vm13, $0xFFFFFFFF, v0;
	v13 =	vsub.f32 v32, v36;
	(xrf0) =	vadd.scan.msk.s32 $0xffff, v40  }
0x1f0: {  	v10 =	vmul.f32 v10, v5;
	v16 =	vsub.f32 v37, v38;
	v14 =	vadd.s32 v14, v39  }
0x1f1: {  	v18 =	vbroadcast v18, $0x0;
	vm14 =	vgt.s32 v14, $0x0;
	v9 =	vsub.f32 v9, v13  }
0x1f2: {  	v12 =	vsub.f32 v12, v16;
	v41 =	vnsel vm14, $0x0, v14;
	v14 =	vadd.s32 $0x1, v14  }
0x1f3: {  	vm15 =	vgt.s32 v14, $0x0;
	v13 =	vmin.u32 v41, $0xFFF;
	v42 =	vsub.f32 $1.000000000e+00, v9  }
0x1f4: {  	v43 =	vsub.f32 $1.000000000e+00, v12;
	v14 =	vnsel vm15, $0x0, v14;
	v11 =	vsub.s32 v11, v3  }
0x1f5: {  	vm6 =	vgt.s32 v11, $0x0;
	v15 =	vsub.s32 v15, v3;
	v14 =	vmin.u32 v14, $0xFFF;
	v48, _, _ =	vpop (xrf0)  }
0x1f6: {  	v45 =	vmul.f32 v43, v42;
	v16 =	vmul.f32 v12, v42;
	v49 =	vshll.u32 v48, $0x2  }
0x1f7: {  	v46 =	vsel vm1, $0x3F800000, v1;
	v17 =	vmul.f32 v43, v9;
	v18 =	vadd.s32 v18, v49  }
0x1f8: {  	v9 =	vmul.f32 v12, v9;
	v11 =	vnsel vm6, $0x0, v11;
	v50 =	vand.u32 $0x1FFF, v18  }
0x1f9: {  	vm7 =	vgt.s32 v15, $0x0;
	v19 =	vmul.f32 v46, v45;
	v20 =	vadd.s32 $0x1, v18  }
0x1fa: {  	v47 =	vsel vm2, $0x3F800000, v1;
	v11 =	vmin.u32 v11, $0x15F;
	v20 =	vand.u32 $0x1FFF, v20  }
0x1fb: {  	v16 =	vmul.f32 v46, v16;
	v19 =	vmul.f32 v19, v10;
	v51 =	vadd.s32 $0x2, v18  }
0x1fc: {  	v17 =	vmul.f32 v47, v17;
	v11 =	vshll.u32 v11, $0xC;
	v21 =	vand.u32 $0x1FFF, v51  }
0x1fd: {  	v52 =	vor.u32 v13, v11;
	v16 =	vmul.f32 v16, v10;
	v18 =	vadd.s32 $0x3, v18;
	[tilespmem:v50+s30+$0x0] =	vst.idx.msk vm0, v19  }
0x1fe: {  	v15 =	vnsel vm7, $0x0, v15;
	v9 =	vmul.f32 v47, v9;
	v53 =	vand.u32 $0x1FFF, v18;
	[tilespmem:v50+s31+$0x0] =	vst.idx.msk vm0, v52  }
0x1ff: {  	v15 =	vmin.u32 v15, $0x15F;
	v11 =	vor.u32 v14, v11;
	v54 =	vmul.f32 v17, v10;
	[tilespmem:v20+s30+$0x0] =	vst.idx.msk vm0, v16  }
0x200: {  	v55 =	vadd.s32 $0x7, v8;
	v15 =	vshll.u32 v15, $0xC;
	[tilespmem:v20+s31+$0x0] =	vst.idx.msk vm0, v11  }
0x201: {  	v13 =	vor.u32 v13, v15;
	v9 =	vmul.f32 v9, v10;
	[tilespmem:v21+s30+$0x0] =	vst.idx.msk vm0, v54  }
0x202: {  	[tilespmem:v21+s31+$0x0] =	vst.idx.msk vm0, v13  }
0x203: {  	v56 =	vor.u32 v14, v15;
	(v2sf) =	vpush v48, $0xF;
	[tilespmem:v53+s30+$0x0] =	vst.idx.msk vm0, v9  }
0x204: {  	[tilespmem:v53+s31+$0x0] =	vst.idx.msk vm0, v56  }
0x205: {  	v9 =	vld.idx.msk [tilespmem:v55+s21+$0x0], $0xffff;
	_ =	sdelay $0x4  }
0x206: {  	v9 =	vadd.f32 v9, v7;
	_ =	sdelay $0x1  }
0x207: {  	v57 =	vtrunc.f32 v9  }
0x208: {  	v10 =	vcvt.f32.s32 v57;
	_ =	sdelay $0x1  }
0x209: {  	v12 =	vld.idx.msk [tilespmem:v55+s22+$0x0], $0xffff;
	v58 =	vcvt.s32.f32 v10;
	_ =	sdelay $0x1  }
0x20a: {  	vm8 =	vlt.f32 v9, v58  }
0x20b: {  	s18 =	spop (v2sf);
	v59 =	vsel vm8, $0xFFFFFFFF, v0  }
0x20c: {  	s5 =	sshll.u32 s18, $0x2;
	v10 =	vadd.s32 v10, v59  }
0x20d: {  	s19 =	sadd.s32 s19, s5;
	v12 =	vadd.f32 v12, v6;
	vm9 =	vgt.s32 v10, $0x0;
	v61 =	vadd.s32 $0x1, v10  }
0x20e: {  	v27 =	vmov s19;
	v10 =	vnsel vm9, $0x0, v10;
	vm10 =	vgt.s32 v61, $0x0  }
0x20f: {  	v60 =	vtrunc.f32 v12;
	v10 =	vmin.u32 v10, $0x3FF;
	v15 =	vnsel vm10, $0x0, v61  }
0x210: {  	v14 =	vcvt.f32.s32 v60;
	v15 =	vmin.u32 v15, $0x3FF;
	vm11 =	vge.u32 v10, v3  }
0x211: {  	v11 =	vld.idx.msk [tilespmem:v55+s3+$0x0], $0xffff;
	vm12 =	vlt.u32 v10, v4;
	vm13 =	vge.u32 v15, v3;
	vm14 =	vlt.u32 v15, v4  }
0x212: {  	v63 =	vcvt.s32.f32 v14;
	vm1 =	vmand vm11, vm12;
	vm2 =	vmand vm13, vm14  }
0x213: {  	v18 =	vadd.s32 $0xFFFFFFFC, v27;
	vm0 =	vmor vm1, vm2  }
0x214: {  	vm15 =	vlt.f32 v12, v63;
	v62 =	vsel vm8, $0x3F800000, v1;
	v23 =	vsel vm0, $0x1, v0  }
0x215: {  	v21 =	vsel vm15, $0x3F800000, v1;
	v22 =	vsel vm15, $0xFFFFFFFF, v0;
	v13 =	vsub.f32 v58, v62;
	(xrf0) =	vadd.scan.msk.s32 $0xffff, v23  }
0x216: {  	v11 =	vmul.f32 v11, v5;
	v16 =	vsub.f32 v63, v21;
	v14 =	vadd.s32 v14, v22  }
0x217: {  	v18 =	vbroadcast v18, $0x0;
	vm8 =	vgt.s32 v14, $0x0;
	v9 =	vsub.f32 v9, v13  }
0x218: {  	v12 =	vsub.f32 v12, v16;
	v24 =	vnsel vm8, $0x0, v14;
	v14 =	vadd.s32 $0x1, v14  }
0x219: {  	vm9 =	vgt.s32 v14, $0x0;
	v13 =	vmin.u32 v24, $0xFFF;
	v25 =	vsub.f32 $1.000000000e+00, v9  }
0x21a: {  	v26 =	vsub.f32 $1.000000000e+00, v12;
	v14 =	vnsel vm9, $0x0, v14;
	v10 =	vsub.s32 v10, v3  }
0x21b: {  	vm10 =	vgt.s32 v10, $0x0;
	v15 =	vsub.s32 v15, v3;
	v14 =	vmin.u32 v14, $0xFFF;
	v31, _, _ =	vpop (xrf0)  }
0x21c: {  	v28 =	vmul.f32 v26, v25;
	v16 =	vmul.f32 v12, v25;
	v32 =	vshll.u32 v31, $0x2  }
0x21d: {  	v29 =	vsel vm1, $0x3F800000, v1;
	v17 =	vmul.f32 v26, v9;
	v18 =	vadd.s32 v18, v32  }
0x21e: {  	v9 =	vmul.f32 v12, v9;
	v10 =	vnsel vm10, $0x0, v10;
	v33 =	vand.u32 $0x1FFF, v18  }
0x21f: {  	vm11 =	vgt.s32 v15, $0x0;
	v19 =	vmul.f32 v29, v28;
	v20 =	vadd.s32 $0x1, v18  }
0x220: {  	v30 =	vsel vm2, $0x3F800000, v1;
	v10 =	vmin.u32 v10, $0x15F;
	v20 =	vand.u32 $0x1FFF, v20  }
0x221: {  	v16 =	vmul.f32 v29, v16;
	v19 =	vmul.f32 v19, v11;
	v34 =	vadd.s32 $0x2, v18  }
0x222: {  	v17 =	vmul.f32 v30, v17;
	v10 =	vshll.u32 v10, $0xC;
	v21 =	vand.u32 $0x1FFF, v34  }
0x223: {  	v35 =	vor.u32 v13, v10;
	v16 =	vmul.f32 v16, v11;
	v18 =	vadd.s32 $0x3, v18;
	[tilespmem:v33+s30+$0x0] =	vst.idx.msk vm0, v19  }
0x224: {  	v36 =	vnsel vm11, $0x0, v15;
	v9 =	vmul.f32 v30, v9;
	v37 =	vand.u32 $0x1FFF, v18;
	[tilespmem:v33+s31+$0x0] =	vst.idx.msk vm0, v35  }
0x225: {  	v12 =	vmin.u32 v36, $0x15F;
	v10 =	vor.u32 v14, v10;
	v38 =	vmul.f32 v17, v11;
	[tilespmem:v20+s30+$0x0] =	vst.idx.msk vm0, v16  }
0x226: {  	v8 =	vadd.s32 $0x8, v8;
	v12 =	vshll.u32 v12, $0xC;
	[tilespmem:v20+s31+$0x0] =	vst.idx.msk vm0, v10  }
0x227: {  	v39 =	vor.u32 v13, v12;
	v9 =	vmul.f32 v9, v11;
	[tilespmem:v21+s30+$0x0] =	vst.idx.msk vm0, v38  }
0x228: {  	[tilespmem:v21+s31+$0x0] =	vst.idx.msk vm0, v39  }
0x229: {  	v40 =	vor.u32 v14, v12;
	[tilespmem:v37+s30+$0x0] =	vst.idx.msk vm0, v9  }
0x22a: {  	[tilespmem:v37+s31+$0x0] =	vst.idx.msk vm0, v40  }
0x22b: {  	v9 =	vld.idx.msk [tilespmem:v8+s21+$0x0], $0xffff;
	_ =	sdelay $0x4  }
0x22c: {  	v7 =	vadd.f32 v9, v7;
	_ =	sdelay $0x1  }
0x22d: {  	v9 =	vtrunc.f32 v7  }
0x22e: {  	v9 =	vcvt.f32.s32 v9;
	_ =	sdelay $0x1  }
0x22f: {  	v41 =	vcvt.s32.f32 v9;
	_ =	sdelay $0x1  }
0x230: {  	vm12 =	vlt.f32 v7, v41  }
0x231: {  	v42 =	vsel vm12, $0xFFFFFFFF, v0  }
0x232: {  	v9 =	vadd.s32 v9, v42  }
0x233: {  	vm13 =	vgt.s32 v9, $0x0;
	v11 =	vadd.s32 $0x1, v9  }
0x234: {  	v9 =	vnsel vm13, $0x0, v9;
	vm14 =	vgt.s32 v11, $0x0  }
0x235: {  	(v2sf) =	vpush v31, $0xF;
	v9 =	vmin.u32 v9, $0x3FF;
	v11 =	vnsel vm14, $0x0, v11  }
0x236: {  	v11 =	vmin.u32 v11, $0x3FF;
	vm15 =	vge.u32 v9, v3  }
0x237: {  	vm8 =	vlt.u32 v9, v4;
	vm9 =	vge.u32 v11, v3;
	vm10 =	vlt.u32 v11, v4  }
0x238: {  	vm1 =	vmand vm15, vm8;
	vm2 =	vmand vm9, vm10  }
0x239: {  	vm0 =	vmor vm1, vm2  }
0x23a: {  	v43 =	vld.idx.msk [tilespmem:v8+s22+$0x0], $0xffff;
	v44 =	vsel vm0, $0x1, v0  }
0x23b: {  	(xrf0) =	vadd.scan.msk.s32 $0xffff, v44;
	_ =	sdelay $0x3  }
0x23c: {  	v6 =	vadd.f32 v43, v6;
	_ =	sdelay $0x1  }
0x23d: {  	v45 =	vtrunc.f32 v6;
	v48, _, _ =	vpop (xrf0)  }
0x23e: {  	v12 =	vcvt.f32.s32 v45;
	(v2sf) =	vpush v48, $0xF;
	_ =	sdelay $0x1  }
0x23f: {  	v8 =	vld.idx.msk [tilespmem:v8+s3+$0x0], $0xffff;
	s18 =	spop (v2sf);
	v46 =	vcvt.s32.f32 v12  }
0x240: {  	s5 =	sshll.u32 s18, $0x2  }
0x241: {  	s5 =	sadd.s32 s19, s5;
	vm11 =	vlt.f32 v6, v46  }
0x242: {  	v55 =	vmov s5;
	v47 =	vsel vm12, $0x3F800000, v1;
	v50 =	vsel vm11, $0xFFFFFFFF, v0  }
0x243: {  	v49 =	vsel vm11, $0x3F800000, v1;
	v10 =	vsub.f32 v41, v47;
	v51 =	vadd.s32 v12, v50  }
0x244: {  	v5 =	vmul.f32 v8, v5;
	v13 =	vsub.f32 v46, v49;
	v12 =	vadd.s32 $0x1, v51  }
0x245: {  	vm12 =	vgt.s32 v51, $0x0;
	v7 =	vsub.f32 v7, v10;
	vm13 =	vgt.s32 v12, $0x0  }
0x246: {  	v6 =	vsub.f32 v6, v13;
	v10 =	vnsel vm12, $0x0, v51;
	v12 =	vnsel vm13, $0x0, v12  }
0x247: {  	v54 =	vmin.u32 v10, $0xFFF;
	v10 =	vadd.s32 $0xFFFFFFFC, v55;
	v52 =	vsub.f32 $1.000000000e+00, v7  }
0x248: {  	v53 =	vsub.f32 $1.000000000e+00, v6;
	v12 =	vmin.u32 v12, $0xFFF;
	v9 =	vsub.s32 v9, v3  }
0x249: {  	v10 =	vbroadcast v10, $0x0;
	vm14 =	vgt.s32 v9, $0x0;
	v11 =	vsub.s32 v11, v3  }
0x24a: {  	v56 =	vmul.f32 v53, v52;
	v57 =	vsel vm1, $0x3F800000, v1;
	v15 =	vshll.u32 v48, $0x2  }
0x24b: {  	v13 =	vmul.f32 v6, v52;
	v14 =	vmul.f32 v53, v7;
	v10 =	vadd.s32 v10, v15  }
0x24c: {  	v9 =	vnsel vm14, $0x0, v9;
	v6 =	vmul.f32 v6, v7;
	v15 =	vand.u32 $0x1FFF, v10;
	s18 =	spop (v2sf)  }
0x24d: {  	vm15 =	vgt.s32 v11, $0x0;
	v16 =	vmul.f32 v57, v56;
	v59 =	vadd.s32 $0x1, v10;
	s18 =	sshll.u32 s18, $0x2  }
0x24e: {  	v58 =	vsel vm2, $0x3F800000, v1;
	v7 =	vmin.u32 v9, $0x15F;
	v60 =	vand.u32 $0x1FFF, v59;
	s19 =	sadd.s32 s5, s18  }
0x24f: {  	v13 =	vmul.f32 v57, v13;
	v16 =	vmul.f32 v16, v5;
	v61 =	vadd.s32 $0x2, v10;
	s5 =	sand.u32 $0x1FFF, s19  }
0x250: {  	v14 =	vmul.f32 v58, v14;
	v7 =	vshll.u32 v7, $0xC;
	v17 =	vand.u32 $0x1FFF, v61;
	p1 =	sne.s32 s19, s15;
	p2 =	seq.s32 s5, $0x0  }
0x251: {  	v62 =	vor.u32 v54, v7;
	v13 =	vmul.f32 v13, v5;
	v10 =	vadd.s32 $0x3, v10;
	[tilespmem:v15+s30+$0x0] =	vst.idx.msk vm0, v16;
	p1 =	por !p1, !p2  }
0x252: {  	v11 =	vnsel vm15, $0x0, v11;
	v6 =	vmul.f32 v58, v6;
	v10 =	vand.u32 $0x1FFF, v10;
	[tilespmem:v15+s31+$0x0] =	vst.idx.msk vm0, v62;
	p6 =	sgt.u32 s5, $0x1DBF;
	p1 =	por !p1, !p1  }
0x253: {  	v11 =	vmin.u32 v11, $0x15F;
	v7 =	vor.u32 v12, v7;
	v63 =	vmul.f32 v14, v5;
	[tilespmem:v60+s30+$0x0] =	vst.idx.msk vm0, v13;
	p1 =	por p6, p1  }
.Ltmp5:
0x254: {  	v11 =	vshll.u32 v11, $0xC;
	[tilespmem:v60+s31+$0x0] =	vst.idx.msk vm0, v7;
	(pc) =	sbr.rel @!p1 .LBB2_12-.Ltmp5, $4  }
0x255: {  	v5 =	vmul.f32 v6, v5;
	v7 =	vor.u32 v54, v11;
	[tilespmem:v17+s30+$0x0] =	vst.idx.msk vm0, v63  }
0x256: {  	[tilespmem:v17+s31+$0x0] =	vst.idx.msk vm0, v7  }
0x257: {  	v6 =	vor.u32 v12, v11;
	[tilespmem:v10+s30+$0x0] =	vst.idx.msk vm0, v5;
	s18 =	sadd.s32 $0xFFFFFFFF, s19  }
0x258: {  	[tilespmem:v10+s31+$0x0] =	vst.idx.msk vm0, v6;
	s15 =	sor.u32 $0x1FFF, s18  }
0x259: {  	s5 =	ssub.s32 s15, s19  }
0x25a: {  	s5 =	sadd.s32 $0x10, s5  }
0x25b: {  	s5 =	sshra.s32 s5, $0x4  }
0x25c: {  	p2 =	slt.s32 s5, $0x1  }
.Ltmp6:
0x25d: {  	_ = 	snop;
	(pc) =	sbr.rel @p2 .LBB2_11-.Ltmp6, $1  }
0x25e: {  	_ =	sdelay $0x3  }
0x25f: {  	s18 =	sadd.s32 $0x1, s15  }
0x260: {  	v5 =	vadd.s32 s19, v2;
	p2 =	sne.s32 s5, $0x1;
	v6 =	vmov s18  }
.Ltmp7:
0x261: {  	vm0 =	vlt.s32 v5, v6;
	(pc) =	sbr.rel @!p2 .LBB2_10-.Ltmp7, $2  }
0x262: {  	v7 =	vand.u32 $0x1FFF, v5;
	vm1 =	vmmov vm0;
	_ =	sdelay $0x2  }
0x263: {  	s18 =	sadd.s32 $0xFFFFFFFF, s5;
	s5 =	sadd.s32 $0x10, s19  }
.LBB2_9:
0x264: {  	v8 =	vadd.s32 s5, v2;
	p2 =	sne.s32 s18, $0x1  }
.Ltmp8:
0x265: {  	s18 =	sadd.s32 $0xFFFFFFFF, s18;
	v9 =	vand.u32 $0x3FF, v5;
	[tilespmem:v7+s30+$0x0] =	vst.idx.msk vm0, v1;
	vm0 =	vlt.s32 v8, v6;
	v5 =	vmov v8;
	(pc) =	sbr.rel @p2 .LBB2_9-.Ltmp8, $2  }
0x266: {  	[tilespmem:v7+s31+$0x0] =	vst.idx.msk vm1, v9;
	v7 =	vand.u32 $0x1FFF, v5;
	vm1 =	vmmov vm0;
	_ =	sdelay $0x2  }
0x267: {  	s5 =	sadd.s32 $0x10, s5  }
.Ltmp9:
0x268: {  	_ = 	snop;
	(pc) =	sbr.rel .LBB2_10-.Ltmp9, $1  }
0x269: {  	_ =	sdelay $0x3  }
.LBB2_14:
0x26a: {  	s5 =	sand.u32 $0x1FFF, s19  }
0x26b: {  	p1 =	seq.s32 s5, $0x0  }
.Ltmp10:
0x26c: {  	_ = 	snop;
	(pc) =	sbr.rel @p1 .LBB2_18-.Ltmp10, $1  }
0x26d: {  	_ =	sdelay $0x3  }
0x26e: {  	s14 =	sor.u32 $0x1FFF, s19;
	s5 =	ssub.s32 $0x200F, s5  }
0x26f: {  	s14 =	sadd.s32 $0x1, s14;
	s5 =	sshrl.u32 s5, $0x4  }
0x270: {  	v3 =	vadd.s32 s19, v2;
	v4 =	vmov s14;
	p1 =	sne.s32 s5, $0x1  }
.Ltmp11:
0x271: {  	vm0 =	vlt.s32 v3, v4;
	(pc) =	sbr.rel @!p1 .LBB2_17-.Ltmp11, $2  }
0x272: {  	v5 =	vand.u32 $0x1FFF, v3;
	vm1 =	vmmov vm0;
	_ =	sdelay $0x2  }
0x273: {  	s14 =	sadd.s32 $0xFFFFFFFF, s5;
	s5 =	sadd.s32 $0x10, s19  }
.LBB2_16:
0x274: {  	v6 =	vadd.s32 s5, v2;
	p1 =	sne.s32 s14, $0x1  }
.Ltmp12:
0x275: {  	s14 =	sadd.s32 $0xFFFFFFFF, s14;
	v7 =	vand.u32 $0x3FF, v3;
	[tilespmem:v5+s30+$0x0] =	vst.idx.msk vm0, v1;
	vm0 =	vlt.s32 v6, v4;
	v3 =	vmov v6;
	(pc) =	sbr.rel @p1 .LBB2_16-.Ltmp12, $2  }
0x276: {  	[tilespmem:v5+s31+$0x0] =	vst.idx.msk vm1, v7;
	v5 =	vand.u32 $0x1FFF, v3;
	vm1 =	vmmov vm0;
	_ =	sdelay $0x2  }
0x277: {  	s5 =	sadd.s32 $0x10, s5  }
.LBB2_17:
0x278: {  	_ =	sdelay $0x4  }
0x279: {  	[tilespmem:v5+s30+$0x0] =	vst.idx.msk vm0, v1;
	v3 =	vand.u32 $0x3FF, v3  }
0x27a: {  	[tilespmem:v5+s31+$0x0] =	vst.idx.msk vm1, v3  }
0x27b: {  	[spmem:s2] =	stream.indirect.scatter.add.f32 [tilespmem:s30], [sflag:$0x1], $0x1, s31, s0, $0xb8;
	[tilespmem:$0x1EF80] =	vst v63  }
0x27c: {  	_ =	swait.ge [sflag:s20], $0x2000  }
0x27d: {  	[sflag:s20] =	ssyncset.done $0x0  }
0x27e: {  	[sflag:s20] =	ssyncadd.s32 $0xFFFFE000  }
.LBB2_18:
0x27f: {  	[bflag:$0x0] =	sbarrier.arrive $0xFFFF  }
0x280: {  	[tilespmem:s7], [sflag:$0x1] =	stream.linear.gather [spmem:s8], $0x1000, $0x38;
	[tilespmem:$0x1EF80] =	vst v63  }
0x281: {  	_ =	swait.ge [sflag:s20], $0x1000  }
0x282: {  	s5 =	sld [smem:$0x7F8];
	_ =	sdelay $0x2  }
0x283: {  	p1 =	sne.s32 s5, $0x1  }
.Ltmp13:
0x284: {  	[sflag:s20] =	ssyncset.done $0x0;
	(pc) =	sbr.rel @!p1 .LBB2_20-.Ltmp13, $4  }
0x285: {  	[sflag:s20] =	ssyncadd.s32 $0xFFFFF000  }
0x286: {  	[hbm4b:s13+s3] =	stream.linear.scatter [tilespmem:s7], [sflag:$0x1], $0x1000, $0x38;
	[tilespmem:$0x1EF80] =	vst v63  }
0x287: {  	_ =	swait.ge [sflag:s20], $0x1000  }
0x288: {  	s14 =	sadd.s32 $0xFFFFFFFF, s5;
	[sflag:s20] =	ssyncset.done $0x0  }
.LBB2_19:
0x289: {  	[sflag:s20] =	ssyncadd.s32 $0xFFFFF000;
	s8 =	sadd.s32 $0x1000, s8;
	s13 =	sadd.s32 $0x200, s13  }
0x28a: {  	[tilespmem:s7], [sflag:$0x1] =	stream.linear.gather [spmem:s8], $0x1000, $0x38;
	[tilespmem:$0x1EF80] =	vst v63  }
0x28b: {  	p1 =	sne.s32 s14, $0x1;
	s14 =	sadd.s32 $0xFFFFFFFF, s14;
	_ =	swait.ge [sflag:s20], $0x1000  }
.Ltmp14:
0x28c: {  	[sflag:s20] =	ssyncset.done $0x0;
	(pc) =	sbr.rel @p1 .LBB2_19-.Ltmp14, $4  }
0x28d: {  	[sflag:s20] =	ssyncadd.s32 $0xFFFFF000  }
0x28e: {  	[hbm4b:s13+s3] =	stream.linear.scatter [tilespmem:s7], [sflag:$0x1], $0x1000, $0x38;
	[tilespmem:$0x1EF80] =	vst v63  }
0x28f: {  	_ =	swait.ge [sflag:s20], $0x1000  }
0x290: {  	[sflag:s20] =	ssyncset.done $0x0  }
.LBB2_20:
0x291: {  	s4 =	sadd.s32 $0x1, s4  }
0x292: {  	p1 =	sne.s32 s4, $0x3  }
.Ltmp15:
0x293: {  	_ = 	snop;
	(pc) =	sbr.rel @p1 .LBB2_4-.Ltmp15, $2  }
0x294: {  	s8 =	sld [smem:$0x7F7];
	_ =	sdelay $0x2  }
0x295: {  	[sflag:s20] =	ssyncadd.s32 $0xFFFFF000;
	s6 =	sadd.s32 $0x160000, s6;
	s8 =	sadd.s32 $0xFFFFFEA0, s8  }
0x296: {  	s5 =	sld [smem:$0x7F9];
	_ =	sdelay $0x2  }
0x297: {  	s4 =	rddreg [dreg:$0xc];
	s5 =	sadd.s32 $0x1, s5  }
0x298: {  	p1 =	sne.s32 s5, s4  }
.Ltmp16:
0x299: {  	_ = 	snop;
	(pc) =	sbr.rel @p1 .LBB2_1-.Ltmp16, $1  }
0x29a: {  	_ =	sdelay $0x3  }
0x29b: {  	_ =	sfence.sel $0x180000  }
0x29c: {  	[bflag:$0x0] =	sbarrier.arrive $0xFFFF  }
0x29d: {  	_ =	strace $0x90000047  }
0x29e: {  	s0 =	stileid.u32;
	[bflag:$0x2] =	sbarrier.arrive $0xFFFF  }
0x29f: {  	p0 =	sne.s32 s0, $0x0;
	s0 =	rddreg [dreg:$0x3]  }
0x2a0: {  	s0 =	sadd.s32 @!p0 $0x100000, s0  }
0x2a1: {  	[sflag:s0] =	ssyncadd.tile.s32 @!p0 $0x1;
	_ =	shalt  }
.Lfunc_end2:
_tile_overlayer_lowered:
.L_overlay_start_2:
0x2a2: {  	(tag) =	ssettag $0x2  }
0x2a3: {  	s0 =	rddreg [dreg:$0x0];
	s2 =	stileid.u32  }
0x2a4: {  	s1 =	rddreg [dreg:$0x1];
	p0 =	sne.s32 s2, $0x0  }
0x2a5: {  	s3 =	rddreg [dreg:$0x2];
	[bflag:$0x3] =	sbarrier.arrive $0xFFFF;
	s2 =	simm.s32 @!p0 $0x1C01  }
0x2a6: {  	[timem:s3], [sflag:s2] =	dma.local @!p0 [hbm:s0], s1  }
0x2a7: {  	s0 =	simm.s32 @!p0 $0x1  }
0x2a8: {  	_ =	swait.ge @!p0 [sflag:s0], s1  }
0x2a9: {  	s1 =	ssub.s32 @!p0 $0x0, s1;
	[sflag:s0] =	ssyncset.done @!p0 $0x0  }
0x2aa: {  	[sflag:s0] =	ssyncadd.s32 @!p0 s1  }
0x2ab: {  	[bflag:$0x3] =	sbarrier.arrive $0xFFFF  }
0x2ac: {  	_ =	shalt  }

</sc_bundles>
